<compile_context>
chip_gen: v7x
topology: tpu7x:2x2x1
jax: 0.10.2.dev20260603
libtpu: 0.0.44.dev20260713+nightly
codegen_flags: <defaults>
</compile_context>

<pallas_src>
import functools
import math

import jax
import jax.numpy as jnp
from jax import lax
from jax.experimental import pallas as pl
from jax.experimental.pallas import tpu as pltpu
from jax.experimental.pallas import tpu_sc as plsc

B = 16384
L = 50
D = 64
LANES = 16
NC, NS = 2, 16
NW = NC * NS
BPW = B // NW
HALF = BPW // 2
DT, DI = D // 8, 8
BT, BI = B // 128, 128
NCH = 2 * L
NBUF = 2
SCALE = math.sqrt(D)


def _build():
  mesh = plsc.VectorSubcoreMesh(core_axis_name="c", subcore_axis_name="s")

  @functools.partial(
      pl.kernel,
      out_type=jax.ShapeDtypeStruct((L, DT, BT, DI, BI), jnp.float32),
      mesh=mesh,
      compiler_params=pltpu.CompilerParams(
          use_tc_tiling_on_sc=False, needs_layout_passes=False),
      scratch_types=[
          pltpu.VMEM((L, BPW), jnp.int32),
          pltpu.VMEM((NBUF, HALF, D), jnp.float32),
          pltpu.VMEM((2, 2, DT, DI, BI + 1), jnp.float32),
          pltpu.SemaphoreType.DMA,
          pltpu.SemaphoreType.DMA,
          pltpu.SemaphoreType.DMA,
          pltpu.SemaphoreType.DMA,
      ],
  )
  def embed(xt_hbm, table_hbm, out_hbm, idx_all, rows, tiles,
            g0, g1, s0, s1):
    wid = lax.axis_index("s") * NC + lax.axis_index("c")
    gsem = (g0, g1)
    ssem = (s0, s1)
    iota = lax.iota(jnp.int32, LANES)

    def fire(l, h, k):
      for j in range(2):
        idx_sl = idx_all.at[l, pl.ds(HALF * h + 128 * j, 128)]
        pltpu.async_copy(table_hbm.at[idx_sl],
                         rows.at[k, pl.ds(128 * j, 128)], gsem[k])

    def drain(k):
      for j in range(2):
        idx_sl = idx_all.at[0, pl.ds(128 * j, 128)]
        pltpu.make_async_copy(table_hbm.at[idx_sl],
                              rows.at[k, pl.ds(128 * j, 128)],
                              gsem[k]).wait()

    dtv = [(16 * c + iota) >> 3 for c in range(D // LANES)]
    div = iota & 7

    def fill_store(l, h, k, have_prev):
      r = rows.at[k]
      ob = k % 2
      o = tiles.at[ob]

      @pl.when(have_prev)
      def _():
        for btl in range(2):
          pltpu.make_async_copy(o.at[btl, :, :, pl.ds(0, BI)],
                                out_hbm.at[0, :, btl], ssem[ob]).wait()

      for btl in range(2):
        bv = jnp.full((LANES,), btl, jnp.int32)

        @pl.loop(0, 128, unroll=4)
        def _(rr):
          row = 128 * btl + rr
          biv = jnp.full((LANES,), rr, jnp.int32)
          for c in range(D // LANES):
            v = r[row, pl.ds(16 * c, 16)] * SCALE
            plsc.store_scatter(o, [bv, dtv[c], div, biv], v)

      bt0 = 4 * wid + 2 * h
      for btl in range(2):
        pltpu.async_copy(o.at[btl, :, :, pl.ds(0, BI)],
                         out_hbm.at[l, :, bt0 + btl], ssem[ob])

    pltpu.sync_copy(xt_hbm.at[:, pl.ds(BPW * wid, BPW)], idx_all)
    for c in range(NBUF - 1):
      fire(c // 2, c % 2, c)

    @pl.loop(0, NCH // NBUF)
    def _(i):
      for k in range(NBUF):
        lk = NBUF // 2 * i + k // 2
        hk = k % 2
        nc = NBUF * i + k + NBUF - 1
        nk = (k + NBUF - 1) % NBUF

        @pl.when(nc < NCH)
        def _():
          fire(nc // 2, nc % 2, nk)

        drain(k)
        fill_store(lk, hk, k, (i > 0) if k < 2 else (i >= 0))

    for ob in range(2):
      for btl in range(2):
        pltpu.make_async_copy(tiles.at[ob, btl, :, :, pl.ds(0, BI)],
                              out_hbm.at[0, :, btl], ssem[ob]).wait()

  return embed


@jax.jit
def kernel(x, table):
  xt = jnp.swapaxes(x.astype(jnp.int32), 0, 1)
  out5 = _build()(xt, table)
  return out5.transpose(2, 4, 0, 1, 3).reshape(B, L, D)

# --- scband reference (transcript-rebuilt; emitter-appended) ---
"""Pipeline reference for scband-embedding-74174085202163 (READ-ONLY COPY).

The authoritative reference and input builder live on the scoring server;
editing this copy changes nothing except your own understanding.
"""

import jax, jax.numpy as jnp
import numpy as np
import math

D = 64
VOCAB = 1000000
B = 16384
L = 50

def setup_inputs(seed: int = 0) -> dict:
    key = jax.random.key(seed)
    k1, k2 = jax.random.split(key)
    x = jax.random.randint(k1, (B, L), 0, VOCAB, dtype=jnp.int64 if jax.config.jax_enable_x64 else jnp.int32)
    table = jax.random.normal(k2, (VOCAB, D), dtype=jnp.float32)
    return {"x": x, "table": table}

def reference(x, table):
    # Embedding lookup scaled by sqrt(d)
    emb = jnp.take(table, x, axis=0)
    return emb * math.sqrt(D)

if __name__ == "__main__":
    import jax
    _d = setup_inputs()
    print(jax.jit(kernel)(*tuple(_d.values())))

</pallas_src>

<mosaic_0001>
#map = affine_map<(d0, d1) -> (0, 0)>
#map1 = affine_map<(d0, d1) -> (0, 0, 0, 0, 0)>
module attributes {stable_mosaic.version = 14 : i64} {
  func.func @embed(%arg0: i32, %arg1: i32, %arg2: memref<50x16384xi32, #tpu.memory_space<hbm>>, %arg3: memref<1000000x64xf32, #tpu.memory_space<hbm>>, %arg4: memref<50x8x128x8x128xf32, #tpu.memory_space<hbm>>, %arg5: memref<50x512xi32, #tpu.memory_space<vmem>>, %arg6: memref<2x256x64xf32, #tpu.memory_space<vmem>>, %arg7: memref<2x2x8x8x129xf32, #tpu.memory_space<vmem>>, %arg8: memref<!tpu.dma_semaphore, #tpu.memory_space<semaphore_mem>>, %arg9: memref<!tpu.dma_semaphore, #tpu.memory_space<semaphore_mem>>, %arg10: memref<!tpu.dma_semaphore, #tpu.memory_space<semaphore_mem>>, %arg11: memref<!tpu.dma_semaphore, #tpu.memory_space<semaphore_mem>>) attributes {dimension_semantics = [#tpu.dimension_semantics<core_parallel>, #tpu.dimension_semantics<subcore_parallel>], iteration_bounds = array<i64: 2, 16>, scalar_prefetch = 0 : i64, scratch_operands = 7 : i64, tpu.core_type = #tpu.core_type<sc_vector_subcore>, window_params = [{transform_indices = #map}, {transform_indices = #map}, {transform_indices = #map1}]} {
    %mul3A = arith.constant 2 : i32
    %mul3A_0 = arith.muli %arg1, %mul3A : i32
    %add3A = arith.addi %mul3A_0, %arg0 : i32
    %iota3A = tpu.iota {dimensions = array<i32: 0>} : vector<16xi32>
    %add3A_1 = arith.constant 0 : i32
    %add3A_2 = vector.broadcast %add3A_1 : i32 to vector<16xi32>
    %add3A_3 = arith.addi %add3A_2, %iota3A : vector<16xi32>
    %shift_right_arithmetic3A = arith.constant 3 : i32
    %shift_right_arithmetic3A_4 = vector.broadcast %shift_right_arithmetic3A : i32 to vector<16xi32>
    %shift_right_arithmetic3A_5 = arith.shrsi %add3A_3, %shift_right_arithmetic3A_4 : vector<16xi32>
    %add3A_6 = arith.constant 16 : i32
    %add3A_7 = vector.broadcast %add3A_6 : i32 to vector<16xi32>
    %add3A_8 = arith.addi %add3A_7, %iota3A : vector<16xi32>
    %shift_right_arithmetic3A_9 = arith.constant 3 : i32
    %shift_right_arithmetic3A_10 = vector.broadcast %shift_right_arithmetic3A_9 : i32 to vector<16xi32>
    %shift_right_arithmetic3A_11 = arith.shrsi %add3A_8, %shift_right_arithmetic3A_10 : vector<16xi32>
    %add3A_12 = arith.constant 32 : i32
    %add3A_13 = vector.broadcast %add3A_12 : i32 to vector<16xi32>
    %add3A_14 = arith.addi %add3A_13, %iota3A : vector<16xi32>
    %shift_right_arithmetic3A_15 = arith.constant 3 : i32
    %shift_right_arithmetic3A_16 = vector.broadcast %shift_right_arithmetic3A_15 : i32 to vector<16xi32>
    %shift_right_arithmetic3A_17 = arith.shrsi %add3A_14, %shift_right_arithmetic3A_16 : vector<16xi32>
    %add3A_18 = arith.constant 48 : i32
    %add3A_19 = vector.broadcast %add3A_18 : i32 to vector<16xi32>
    %add3A_20 = arith.addi %add3A_19, %iota3A : vector<16xi32>
    %shift_right_arithmetic3A_21 = arith.constant 3 : i32
    %shift_right_arithmetic3A_22 = vector.broadcast %shift_right_arithmetic3A_21 : i32 to vector<16xi32>
    %shift_right_arithmetic3A_23 = arith.shrsi %add3A_20, %shift_right_arithmetic3A_22 : vector<16xi32>
    %and3A = arith.constant 7 : i32
    %and3A_24 = vector.broadcast %and3A : i32 to vector<16xi32>
    %and3A_25 = arith.andi %iota3A, %and3A_24 : vector<16xi32>
    %mul3A_26 = arith.constant 512 : i32
    %mul3A_27 = arith.muli %mul3A_26, %add3A : i32
    "tpu.region"() ({
      %run_scoped3A = tpu.sem_alloc : memref<!tpu.dma_semaphore, #tpu.memory_space<semaphore_mem>>
      %dma_start3A_150 = arith.constant 0 : i32
      %dma_start3A_151 = tpu.memref_slice %arg2[%dma_start3A_150, %mul3A_27] : memref<50x16384xi32, #tpu.memory_space<hbm>> -> memref<50x512xi32, #tpu.memory_space<hbm>>
      %dma_start3A_152 = arith.constant 0 : i32
      %dma_start3A_153 = tpu.memref_slice %arg2[%dma_start3A_152, %mul3A_27] : memref<50x16384xi32, #tpu.memory_space<hbm>> -> memref<50x512xi32, #tpu.memory_space<hbm>>
      tpu.enqueue_dma source(%dma_start3A_153 : memref<50x512xi32, #tpu.memory_space<hbm>>) target(%arg5 : memref<50x512xi32, #tpu.memory_space<vmem>>) target_semaphore(%run_scoped3A : memref<!tpu.dma_semaphore, #tpu.memory_space<semaphore_mem>>)
      %dma_wait3A_154 = arith.constant 0 : i32
      %dma_wait3A_155 = tpu.memref_slice %arg2[%dma_wait3A_154, %mul3A_27] : memref<50x16384xi32, #tpu.memory_space<hbm>> -> memref<50x512xi32, #tpu.memory_space<hbm>>
      %dma_wait3A_156 = arith.constant 0 : i32
      %dma_wait3A_157 = tpu.memref_slice %arg2[%dma_wait3A_156, %mul3A_27] : memref<50x16384xi32, #tpu.memory_space<hbm>> -> memref<50x512xi32, #tpu.memory_space<hbm>>
      tpu.wait_dma2 semaphore(%run_scoped3A : memref<!tpu.dma_semaphore, #tpu.memory_space<semaphore_mem>>) src(%dma_wait3A_157 : memref<50x512xi32, #tpu.memory_space<hbm>>) dst(%arg5 : memref<50x512xi32, #tpu.memory_space<vmem>>)
      tpu.yield
    }) : () -> ()
    %dma_start3A = arith.constant 0 : i32
    %dma_start3A_28 = arith.constant 0 : i32
    %dma_start3A_29 = arith.constant 0 : i32
    %dma_start3A_30 = arith.constant 0 : i32
    %dma_start3A_31 = tpu.memref_slice %arg6[%dma_start3A_28, %dma_start3A_29, %dma_start3A_30] : memref<2x256x64xf32, #tpu.memory_space<vmem>> -> memref<1x128x64xf32, #tpu.memory_space<vmem>>
    %dma_start3A_32 = tpu.memref_squeeze %dma_start3A_31 : memref<1x128x64xf32, #tpu.memory_space<vmem>> -> memref<128x64xf32, #tpu.memory_space<vmem>>
    %dma_start3A_33 = arith.constant 0 : i32
    %dma_start3A_34 = tpu.memref_slice %arg5[%dma_start3A, %dma_start3A_33] : memref<50x512xi32, #tpu.memory_space<vmem>> -> memref<1x128xi32, #tpu.memory_space<vmem>>
    %dma_start3A_35 = tpu.memref_squeeze %dma_start3A_34 : memref<1x128xi32, #tpu.memory_space<vmem>> -> memref<128xi32, #tpu.memory_space<vmem>>
    %dma_start3A_36 = arith.constant 0 : i32
    %dma_start3A_37 = arith.constant 0 : i32
    %dma_start3A_38 = tpu.memref_slice %arg3[%dma_start3A_36, %dma_start3A_37] : memref<1000000x64xf32, #tpu.memory_space<hbm>> -> memref<1000000x64xf32, #tpu.memory_space<hbm>>
    tpu.enqueue_indirect_dma source(%dma_start3A_38 : memref<1000000x64xf32, #tpu.memory_space<hbm>>) target(%dma_start3A_32 : memref<128x64xf32, #tpu.memory_space<vmem>>) offsets(%dma_start3A_35 : memref<128xi32, #tpu.memory_space<vmem>>) semaphore(%arg8 : memref<!tpu.dma_semaphore, #tpu.memory_space<semaphore_mem>>)
    %dma_start3A_39 = arith.constant 0 : i32
    %dma_start3A_40 = arith.constant 0 : i32
    %dma_start3A_41 = arith.constant 128 : i32
    %dma_start3A_42 = arith.constant 0 : i32
    %dma_start3A_43 = tpu.memref_slice %arg6[%dma_start3A_40, %dma_start3A_41, %dma_start3A_42] : memref<2x256x64xf32, #tpu.memory_space<vmem>> -> memref<1x128x64xf32, #tpu.memory_space<vmem>>
    %dma_start3A_44 = tpu.memref_squeeze %dma_start3A_43 : memref<1x128x64xf32, #tpu.memory_space<vmem>> -> memref<128x64xf32, #tpu.memory_space<vmem>>
    %dma_start3A_45 = arith.constant 128 : i32
    %dma_start3A_46 = tpu.memref_slice %arg5[%dma_start3A_39, %dma_start3A_45] : memref<50x512xi32, #tpu.memory_space<vmem>> -> memref<1x128xi32, #tpu.memory_space<vmem>>
    %dma_start3A_47 = tpu.memref_squeeze %dma_start3A_46 : memref<1x128xi32, #tpu.memory_space<vmem>> -> memref<128xi32, #tpu.memory_space<vmem>>
    %dma_start3A_48 = arith.constant 0 : i32
    %dma_start3A_49 = arith.constant 0 : i32
    %dma_start3A_50 = tpu.memref_slice %arg3[%dma_start3A_48, %dma_start3A_49] : memref<1000000x64xf32, #tpu.memory_space<hbm>> -> memref<1000000x64xf32, #tpu.memory_space<hbm>>
    tpu.enqueue_indirect_dma source(%dma_start3A_50 : memref<1000000x64xf32, #tpu.memory_space<hbm>>) target(%dma_start3A_44 : memref<128x64xf32, #tpu.memory_space<vmem>>) offsets(%dma_start3A_47 : memref<128xi32, #tpu.memory_space<vmem>>) semaphore(%arg8 : memref<!tpu.dma_semaphore, #tpu.memory_space<semaphore_mem>>)
    %scan3A = arith.constant 0 : i32
    %scan3A_51 = arith.constant 50 : i32
    %scan3A_52 = arith.addi %scan3A, %scan3A_51 : i32
    %scan3A_53 = arith.constant 1 : i32
    scf.for %scan3A_150 = %scan3A to %scan3A_52 step %scan3A_53  : i32 {
      %mul3A_151 = arith.constant 1 : i32
      %mul3A_152 = arith.muli %scan3A_150, %mul3A_151 : i32
      %add3A_153 = arith.constant 0 : i32
      %add3A_154 = arith.addi %add3A_153, %mul3A_152 : i32
      %mul3A_155 = arith.constant 1 : i32
      %mul3A_156 = arith.muli %mul3A_155, %add3A_154 : i32
      %add3A_157 = arith.constant 0 : i32
      %add3A_158 = arith.addi %mul3A_156, %add3A_157 : i32
      %mul3A_159 = arith.constant 2 : i32
      %mul3A_160 = arith.muli %mul3A_159, %add3A_154 : i32
      %add3A_161 = arith.constant 0 : i32
      %add3A_162 = arith.addi %mul3A_160, %add3A_161 : i32
      %add3A_163 = arith.constant 2 : i32
      %add3A_164 = arith.addi %add3A_162, %add3A_163 : i32
      %sub3A = arith.constant 1 : i32
      %sub3A_165 = arith.subi %add3A_164, %sub3A : i32
      %lt3A = arith.constant 100 : i32
      %lt3A_166 = arith.cmpi slt, %sub3A_165, %lt3A : i32
      %convert_element_type3A = arith.extui %lt3A_166 : i1 to i32
      %cond3A = arith.constant 0 : i32
      %cond3A_167 = arith.cmpi ne, %convert_element_type3A, %cond3A : i32
      scf.if %cond3A_167 {
        %jit3A = arith.constant 2 : i32
        %div3A = arith.divsi %sub3A_165, %jit3A : i32
        %sign3A = arith.constant 0 : i32
        %sign3A_431 = arith.cmpi sgt, %sub3A_165, %sign3A : i32
        %sign3A_432 = arith.extui %sign3A_431 : i1 to i32
        %sign3A_433 = arith.constant 0 : i32
        %sign3A_434 = arith.cmpi slt, %sub3A_165, %sign3A_433 : i32
        %sign3A_435 = arith.extui %sign3A_434 : i1 to i32
        %sign3A_436 = arith.subi %sign3A_432, %sign3A_435 : i32
        %sign3A_437 = arith.constant 0 : i32
        %sign3A_438 = arith.cmpi sgt, %jit3A, %sign3A_437 : i32
        %sign3A_439 = arith.extui %sign3A_438 : i1 to i32
        %sign3A_440 = arith.constant 0 : i32
        %sign3A_441 = arith.cmpi slt, %jit3A, %sign3A_440 : i32
        %sign3A_442 = arith.extui %sign3A_441 : i1 to i32
        %sign3A_443 = arith.subi %sign3A_439, %sign3A_442 : i32
        %ne3A = arith.cmpi ne, %sign3A_436, %sign3A_443 : i32
        %rem3A = arith.remsi %sub3A_165, %jit3A : i32
        %ne3A_444 = arith.constant 0 : i32
        %ne3A_445 = arith.cmpi ne, %rem3A, %ne3A_444 : i32
        %and3A_446 = arith.andi %ne3A, %ne3A_445 : i1
        %sub3A_447 = arith.constant 1 : i32
        %sub3A_448 = arith.subi %div3A, %sub3A_447 : i32
        %select_n3A = arith.select %and3A_446, %sub3A_448, %div3A : i32
        %jit3A_449 = arith.constant 2 : i32
        %eq3A = arith.constant 0 : i32
        %eq3A_450 = arith.cmpi eq, %jit3A_449, %eq3A : i32
        %jit3A_451 = arith.constant 1 : i32
        %select_n3A_452 = arith.select %eq3A_450, %jit3A_451, %jit3A_449 : i32
        %rem3A_453 = arith.remsi %sub3A_165, %select_n3A_452 : i32
        %ne3A_454 = arith.constant 0 : i32
        %ne3A_455 = arith.cmpi ne, %rem3A_453, %ne3A_454 : i32
        %lt3A_456 = arith.constant 0 : i32
        %lt3A_457 = arith.cmpi slt, %rem3A_453, %lt3A_456 : i32
        %lt3A_458 = arith.constant 0 : i32
        %lt3A_459 = arith.cmpi slt, %select_n3A_452, %lt3A_458 : i32
        %ne3A_460 = arith.xori %lt3A_457, %lt3A_459 : i1
        %and3A_461 = arith.andi %ne3A_460, %ne3A_455 : i1
        %add3A_462 = arith.addi %rem3A_453, %select_n3A_452 : i32
        %select_n3A_463 = arith.select %and3A_461, %add3A_462, %rem3A_453 : i32
        %mul3A_464 = arith.constant 256 : i32
        %mul3A_465 = arith.muli %mul3A_464, %select_n3A_463 : i32
        %add3A_466 = arith.constant 0 : i32
        %add3A_467 = arith.addi %mul3A_465, %add3A_466 : i32
        %dma_start3A_468 = arith.constant 1 : i32
        %dma_start3A_469 = arith.constant 0 : i32
        %dma_start3A_470 = arith.constant 0 : i32
        %dma_start3A_471 = tpu.memref_slice %arg6[%dma_start3A_468, %dma_start3A_469, %dma_start3A_470] : memref<2x256x64xf32, #tpu.memory_space<vmem>> -> memref<1x128x64xf32, #tpu.memory_space<vmem>>
        %dma_start3A_472 = tpu.memref_squeeze %dma_start3A_471 : memref<1x128x64xf32, #tpu.memory_space<vmem>> -> memref<128x64xf32, #tpu.memory_space<vmem>>
        %dma_start3A_473 = tpu.memref_slice %arg5[%select_n3A, %add3A_467] : memref<50x512xi32, #tpu.memory_space<vmem>> -> memref<1x128xi32, #tpu.memory_space<vmem>>
        %dma_start3A_474 = tpu.memref_squeeze %dma_start3A_473 : memref<1x128xi32, #tpu.memory_space<vmem>> -> memref<128xi32, #tpu.memory_space<vmem>>
        %dma_start3A_475 = arith.constant 0 : i32
        %dma_start3A_476 = arith.constant 0 : i32
        %dma_start3A_477 = tpu.memref_slice %arg3[%dma_start3A_475, %dma_start3A_476] : memref<1000000x64xf32, #tpu.memory_space<hbm>> -> memref<1000000x64xf32, #tpu.memory_space<hbm>>
        tpu.enqueue_indirect_dma source(%dma_start3A_477 : memref<1000000x64xf32, #tpu.memory_space<hbm>>) target(%dma_start3A_472 : memref<128x64xf32, #tpu.memory_space<vmem>>) offsets(%dma_start3A_474 : memref<128xi32, #tpu.memory_space<vmem>>) semaphore(%arg9 : memref<!tpu.dma_semaphore, #tpu.memory_space<semaphore_mem>>)
        %mul3A_478 = arith.constant 256 : i32
        %mul3A_479 = arith.muli %mul3A_478, %select_n3A_463 : i32
        %add3A_480 = arith.constant 128 : i32
        %add3A_481 = arith.addi %mul3A_479, %add3A_480 : i32
        %dma_start3A_482 = arith.constant 1 : i32
        %dma_start3A_483 = arith.constant 128 : i32
        %dma_start3A_484 = arith.constant 0 : i32
        %dma_start3A_485 = tpu.memref_slice %arg6[%dma_start3A_482, %dma_start3A_483, %dma_start3A_484] : memref<2x256x64xf32, #tpu.memory_space<vmem>> -> memref<1x128x64xf32, #tpu.memory_space<vmem>>
        %dma_start3A_486 = tpu.memref_squeeze %dma_start3A_485 : memref<1x128x64xf32, #tpu.memory_space<vmem>> -> memref<128x64xf32, #tpu.memory_space<vmem>>
        %dma_start3A_487 = tpu.memref_slice %arg5[%select_n3A, %add3A_481] : memref<50x512xi32, #tpu.memory_space<vmem>> -> memref<1x128xi32, #tpu.memory_space<vmem>>
        %dma_start3A_488 = tpu.memref_squeeze %dma_start3A_487 : memref<1x128xi32, #tpu.memory_space<vmem>> -> memref<128xi32, #tpu.memory_space<vmem>>
        %dma_start3A_489 = arith.constant 0 : i32
        %dma_start3A_490 = arith.constant 0 : i32
        %dma_start3A_491 = tpu.memref_slice %arg3[%dma_start3A_489, %dma_start3A_490] : memref<1000000x64xf32, #tpu.memory_space<hbm>> -> memref<1000000x64xf32, #tpu.memory_space<hbm>>
        tpu.enqueue_indirect_dma source(%dma_start3A_491 : memref<1000000x64xf32, #tpu.memory_space<hbm>>) target(%dma_start3A_486 : memref<128x64xf32, #tpu.memory_space<vmem>>) offsets(%dma_start3A_488 : memref<128xi32, #tpu.memory_space<vmem>>) semaphore(%arg9 : memref<!tpu.dma_semaphore, #tpu.memory_space<semaphore_mem>>)
      } else {
      }
      %dma_wait3A_168 = arith.constant 0 : i32
      %dma_wait3A_169 = arith.constant 0 : i32
      %dma_wait3A_170 = arith.constant 0 : i32
      %dma_wait3A_171 = arith.constant 0 : i32
      %dma_wait3A_172 = tpu.memref_slice %arg6[%dma_wait3A_169, %dma_wait3A_170, %dma_wait3A_171] : memref<2x256x64xf32, #tpu.memory_space<vmem>> -> memref<1x128x64xf32, #tpu.memory_space<vmem>>
      %dma_wait3A_173 = tpu.memref_squeeze %dma_wait3A_172 : memref<1x128x64xf32, #tpu.memory_space<vmem>> -> memref<128x64xf32, #tpu.memory_space<vmem>>
      %dma_wait3A_174 = arith.constant 0 : i32
      %dma_wait3A_175 = tpu.memref_slice %arg5[%dma_wait3A_168, %dma_wait3A_174] : memref<50x512xi32, #tpu.memory_space<vmem>> -> memref<1x128xi32, #tpu.memory_space<vmem>>
      %dma_wait3A_176 = tpu.memref_squeeze %dma_wait3A_175 : memref<1x128xi32, #tpu.memory_space<vmem>> -> memref<128xi32, #tpu.memory_space<vmem>>
      %dma_wait3A_177 = arith.constant 0 : i32
      %dma_wait3A_178 = arith.constant 0 : i32
      %dma_wait3A_179 = tpu.memref_slice %arg3[%dma_wait3A_177, %dma_wait3A_178] : memref<1000000x64xf32, #tpu.memory_space<hbm>> -> memref<1000000x64xf32, #tpu.memory_space<hbm>>
      tpu.wait_indirect_dma semaphore(%arg8 : memref<!tpu.dma_semaphore, #tpu.memory_space<semaphore_mem>>) src(%dma_wait3A_179 : memref<1000000x64xf32, #tpu.memory_space<hbm>>) dst(%dma_wait3A_173 : memref<128x64xf32, #tpu.memory_space<vmem>>)
      %dma_wait3A_180 = arith.constant 0 : i32
      %dma_wait3A_181 = arith.constant 0 : i32
      %dma_wait3A_182 = arith.constant 128 : i32
      %dma_wait3A_183 = arith.constant 0 : i32
      %dma_wait3A_184 = tpu.memref_slice %arg6[%dma_wait3A_181, %dma_wait3A_182, %dma_wait3A_183] : memref<2x256x64xf32, #tpu.memory_space<vmem>> -> memref<1x128x64xf32, #tpu.memory_space<vmem>>
      %dma_wait3A_185 = tpu.memref_squeeze %dma_wait3A_184 : memref<1x128x64xf32, #tpu.memory_space<vmem>> -> memref<128x64xf32, #tpu.memory_space<vmem>>
      %dma_wait3A_186 = arith.constant 128 : i32
      %dma_wait3A_187 = tpu.memref_slice %arg5[%dma_wait3A_180, %dma_wait3A_186] : memref<50x512xi32, #tpu.memory_space<vmem>> -> memref<1x128xi32, #tpu.memory_space<vmem>>
      %dma_wait3A_188 = tpu.memref_squeeze %dma_wait3A_187 : memref<1x128xi32, #tpu.memory_space<vmem>> -> memref<128xi32, #tpu.memory_space<vmem>>
      %dma_wait3A_189 = arith.constant 0 : i32
      %dma_wait3A_190 = arith.constant 0 : i32
      %dma_wait3A_191 = tpu.memref_slice %arg3[%dma_wait3A_189, %dma_wait3A_190] : memref<1000000x64xf32, #tpu.memory_space<hbm>> -> memref<1000000x64xf32, #tpu.memory_space<hbm>>
      tpu.wait_indirect_dma semaphore(%arg8 : memref<!tpu.dma_semaphore, #tpu.memory_space<semaphore_mem>>) src(%dma_wait3A_191 : memref<1000000x64xf32, #tpu.memory_space<hbm>>) dst(%dma_wait3A_185 : memref<128x64xf32, #tpu.memory_space<vmem>>)
      %gt3A = arith.constant 0 : i32
      %gt3A_192 = arith.cmpi sgt, %add3A_154, %gt3A : i32
      %convert_element_type3A_193 = arith.extui %gt3A_192 : i1 to i32
      %cond3A_194 = arith.constant 0 : i32
      %cond3A_195 = arith.constant 0 : i32
      %cond3A_196 = arith.cmpi ne, %convert_element_type3A_193, %cond3A_195 : i32
      scf.if %cond3A_196 {
        %dma_wait3A_431 = arith.constant 0 : i32
        %dma_wait3A_432 = arith.constant 0 : i32
        %dma_wait3A_433 = arith.constant 0 : i32
        %dma_wait3A_434 = arith.constant 0 : i32
        %dma_wait3A_435 = arith.constant 0 : i32
        %dma_wait3A_436 = arith.constant 0 : i32
        %dma_wait3A_437 = arith.constant 0 : i32
        %dma_wait3A_438 = tpu.memref_slice %arg7[%cond3A_194, %dma_wait3A_434, %dma_wait3A_435, %dma_wait3A_436, %dma_wait3A_437] : memref<2x2x8x8x129xf32, #tpu.memory_space<vmem>> -> memref<1x2x8x8x129xf32, #tpu.memory_space<vmem>>
        %dma_wait3A_439 = tpu.memref_squeeze %dma_wait3A_438 : memref<1x2x8x8x129xf32, #tpu.memory_space<vmem>> -> memref<2x8x8x129xf32, #tpu.memory_space<vmem>>
        %dma_wait3A_440 = arith.constant 0 : i32
        %dma_wait3A_441 = arith.constant 0 : i32
        %dma_wait3A_442 = arith.constant 0 : i32
        %dma_wait3A_443 = tpu.memref_slice %dma_wait3A_439[%dma_wait3A_431, %dma_wait3A_440, %dma_wait3A_441, %dma_wait3A_442] : memref<2x8x8x129xf32, #tpu.memory_space<vmem>> -> memref<1x8x8x128xf32, #tpu.memory_space<vmem>>
        %dma_wait3A_444 = tpu.memref_squeeze %dma_wait3A_443 : memref<1x8x8x128xf32, #tpu.memory_space<vmem>> -> memref<8x8x128xf32, #tpu.memory_space<vmem>>
        %dma_wait3A_445 = arith.constant 0 : i32
        %dma_wait3A_446 = arith.constant 0 : i32
        %dma_wait3A_447 = arith.constant 0 : i32
        %dma_wait3A_448 = tpu.memref_slice %arg4[%dma_wait3A_432, %dma_wait3A_445, %dma_wait3A_433, %dma_wait3A_446, %dma_wait3A_447] : memref<50x8x128x8x128xf32, #tpu.memory_space<hbm>> -> memref<1x8x1x8x128xf32, #tpu.memory_space<hbm>>
        %dma_wait3A_449 = tpu.memref_squeeze %dma_wait3A_448 : memref<1x8x1x8x128xf32, #tpu.memory_space<hbm>> -> memref<8x8x128xf32, #tpu.memory_space<hbm>>
        %dma_wait3A_450 = arith.constant 0 : i32
        %dma_wait3A_451 = arith.constant 0 : i32
        %dma_wait3A_452 = arith.constant 0 : i32
        %dma_wait3A_453 = tpu.memref_slice %arg4[%dma_wait3A_432, %dma_wait3A_450, %dma_wait3A_433, %dma_wait3A_451, %dma_wait3A_452] : memref<50x8x128x8x128xf32, #tpu.memory_space<hbm>> -> memref<1x8x1x8x128xf32, #tpu.memory_space<hbm>>
        %dma_wait3A_454 = tpu.memref_squeeze %dma_wait3A_453 : memref<1x8x1x8x128xf32, #tpu.memory_space<hbm>> -> memref<8x8x128xf32, #tpu.memory_space<hbm>>
        %dma_wait3A_455 = arith.constant 0 : i32
        %dma_wait3A_456 = arith.constant 0 : i32
        %dma_wait3A_457 = arith.constant 0 : i32
        %dma_wait3A_458 = arith.constant 0 : i32
        %dma_wait3A_459 = tpu.memref_slice %arg7[%cond3A_194, %dma_wait3A_455, %dma_wait3A_456, %dma_wait3A_457, %dma_wait3A_458] : memref<2x2x8x8x129xf32, #tpu.memory_space<vmem>> -> memref<1x2x8x8x129xf32, #tpu.memory_space<vmem>>
        %dma_wait3A_460 = tpu.memref_squeeze %dma_wait3A_459 : memref<1x2x8x8x129xf32, #tpu.memory_space<vmem>> -> memref<2x8x8x129xf32, #tpu.memory_space<vmem>>
        %dma_wait3A_461 = arith.constant 0 : i32
        %dma_wait3A_462 = arith.constant 0 : i32
        %dma_wait3A_463 = arith.constant 0 : i32
        %dma_wait3A_464 = tpu.memref_slice %dma_wait3A_460[%dma_wait3A_431, %dma_wait3A_461, %dma_wait3A_462, %dma_wait3A_463] : memref<2x8x8x129xf32, #tpu.memory_space<vmem>> -> memref<1x8x8x128xf32, #tpu.memory_space<vmem>>
        %dma_wait3A_465 = tpu.memref_squeeze %dma_wait3A_464 : memref<1x8x8x128xf32, #tpu.memory_space<vmem>> -> memref<8x8x128xf32, #tpu.memory_space<vmem>>
        tpu.wait_dma2 semaphore(%arg10 : memref<!tpu.dma_semaphore, #tpu.memory_space<semaphore_mem>>) src(%dma_wait3A_465 : memref<8x8x128xf32, #tpu.memory_space<vmem>>) dst(%dma_wait3A_454 : memref<8x8x128xf32, #tpu.memory_space<hbm>>)
        %dma_wait3A_466 = arith.constant 1 : i32
        %dma_wait3A_467 = arith.constant 0 : i32
        %dma_wait3A_468 = arith.constant 1 : i32
        %dma_wait3A_469 = arith.constant 0 : i32
        %dma_wait3A_470 = arith.constant 0 : i32
        %dma_wait3A_471 = arith.constant 0 : i32
        %dma_wait3A_472 = arith.constant 0 : i32
        %dma_wait3A_473 = tpu.memref_slice %arg7[%cond3A_194, %dma_wait3A_469, %dma_wait3A_470, %dma_wait3A_471, %dma_wait3A_472] : memref<2x2x8x8x129xf32, #tpu.memory_space<vmem>> -> memref<1x2x8x8x129xf32, #tpu.memory_space<vmem>>
        %dma_wait3A_474 = tpu.memref_squeeze %dma_wait3A_473 : memref<1x2x8x8x129xf32, #tpu.memory_space<vmem>> -> memref<2x8x8x129xf32, #tpu.memory_space<vmem>>
        %dma_wait3A_475 = arith.constant 0 : i32
        %dma_wait3A_476 = arith.constant 0 : i32
        %dma_wait3A_477 = arith.constant 0 : i32
        %dma_wait3A_478 = tpu.memref_slice %dma_wait3A_474[%dma_wait3A_466, %dma_wait3A_475, %dma_wait3A_476, %dma_wait3A_477] : memref<2x8x8x129xf32, #tpu.memory_space<vmem>> -> memref<1x8x8x128xf32, #tpu.memory_space<vmem>>
        %dma_wait3A_479 = tpu.memref_squeeze %dma_wait3A_478 : memref<1x8x8x128xf32, #tpu.memory_space<vmem>> -> memref<8x8x128xf32, #tpu.memory_space<vmem>>
        %dma_wait3A_480 = arith.constant 0 : i32
        %dma_wait3A_481 = arith.constant 0 : i32
        %dma_wait3A_482 = arith.constant 0 : i32
        %dma_wait3A_483 = tpu.memref_slice %arg4[%dma_wait3A_467, %dma_wait3A_480, %dma_wait3A_468, %dma_wait3A_481, %dma_wait3A_482] : memref<50x8x128x8x128xf32, #tpu.memory_space<hbm>> -> memref<1x8x1x8x128xf32, #tpu.memory_space<hbm>>
        %dma_wait3A_484 = tpu.memref_squeeze %dma_wait3A_483 : memref<1x8x1x8x128xf32, #tpu.memory_space<hbm>> -> memref<8x8x128xf32, #tpu.memory_space<hbm>>
        %dma_wait3A_485 = arith.constant 0 : i32
        %dma_wait3A_486 = arith.constant 0 : i32
        %dma_wait3A_487 = arith.constant 0 : i32
        %dma_wait3A_488 = tpu.memref_slice %arg4[%dma_wait3A_467, %dma_wait3A_485, %dma_wait3A_468, %dma_wait3A_486, %dma_wait3A_487] : memref<50x8x128x8x128xf32, #tpu.memory_space<hbm>> -> memref<1x8x1x8x128xf32, #tpu.memory_space<hbm>>
        %dma_wait3A_489 = tpu.memref_squeeze %dma_wait3A_488 : memref<1x8x1x8x128xf32, #tpu.memory_space<hbm>> -> memref<8x8x128xf32, #tpu.memory_space<hbm>>
        %dma_wait3A_490 = arith.constant 0 : i32
        %dma_wait3A_491 = arith.constant 0 : i32
        %dma_wait3A_492 = arith.constant 0 : i32
        %dma_wait3A_493 = arith.constant 0 : i32
        %dma_wait3A_494 = tpu.memref_slice %arg7[%cond3A_194, %dma_wait3A_490, %dma_wait3A_491, %dma_wait3A_492, %dma_wait3A_493] : memref<2x2x8x8x129xf32, #tpu.memory_space<vmem>> -> memref<1x2x8x8x129xf32, #tpu.memory_space<vmem>>
        %dma_wait3A_495 = tpu.memref_squeeze %dma_wait3A_494 : memref<1x2x8x8x129xf32, #tpu.memory_space<vmem>> -> memref<2x8x8x129xf32, #tpu.memory_space<vmem>>
        %dma_wait3A_496 = arith.constant 0 : i32
        %dma_wait3A_497 = arith.constant 0 : i32
        %dma_wait3A_498 = arith.constant 0 : i32
        %dma_wait3A_499 = tpu.memref_slice %dma_wait3A_495[%dma_wait3A_466, %dma_wait3A_496, %dma_wait3A_497, %dma_wait3A_498] : memref<2x8x8x129xf32, #tpu.memory_space<vmem>> -> memref<1x8x8x128xf32, #tpu.memory_space<vmem>>
        %dma_wait3A_500 = tpu.memref_squeeze %dma_wait3A_499 : memref<1x8x8x128xf32, #tpu.memory_space<vmem>> -> memref<8x8x128xf32, #tpu.memory_space<vmem>>
        tpu.wait_dma2 semaphore(%arg10 : memref<!tpu.dma_semaphore, #tpu.memory_space<semaphore_mem>>) src(%dma_wait3A_500 : memref<8x8x128xf32, #tpu.memory_space<vmem>>) dst(%dma_wait3A_489 : memref<8x8x128xf32, #tpu.memory_space<hbm>>)
      } else {
      }
      %broadcast_in_dim3A = arith.constant 0 : i32
      %broadcast_in_dim3A_197 = vector.broadcast %broadcast_in_dim3A : i32 to vector<16xi32>
      %scan3A_198 = arith.constant 0 : i32
      %scan3A_199 = arith.constant 0 : i32
      %scan3A_200 = arith.constant 0 : i32
      %scan3A_201 = arith.constant 128 : i32
      %scan3A_202 = arith.addi %scan3A_200, %scan3A_201 : i32
      %scan3A_203 = arith.constant 4 : i32
      scf.for %scan3A_431 = %scan3A_200 to %scan3A_202 step %scan3A_203  : i32 {
        %mul3A_432 = arith.constant 1 : i32
        %mul3A_433 = arith.muli %scan3A_431, %mul3A_432 : i32
        %add3A_434 = arith.constant 0 : i32
        %add3A_435 = arith.addi %add3A_434, %mul3A_433 : i32
        %add3A_436 = arith.constant 0 : i32
        %add3A_437 = arith.addi %add3A_436, %add3A_435 : i32
        %broadcast_in_dim3A_438 = vector.broadcast %add3A_435 : i32 to vector<16xi32>
        %get3A = arith.constant 0 : i32
        %get3A_439 = arith.constant 0 : i32
        %get3A_440 = tpu.memref_slice %arg6[%scan3A_198, %get3A, %get3A_439] : memref<2x256x64xf32, #tpu.memory_space<vmem>> -> memref<1x256x64xf32, #tpu.memory_space<vmem>>
        %get3A_441 = tpu.memref_squeeze %get3A_440 : memref<1x256x64xf32, #tpu.memory_space<vmem>> -> memref<256x64xf32, #tpu.memory_space<vmem>>
        %get3A_442 = arith.index_cast %add3A_437 : i32 to index
        %get3A_443 = arith.constant 0 : index
        %get3A_444 = tpu.vector_load %get3A_441[%get3A_442, %get3A_443] {strides = array<i32>} : memref<256x64xf32, #tpu.memory_space<vmem>>, vector<16xf32>,
        %mul3A_445 = arith.constant 8.000000e+00 : f32
        %mul3A_446 = vector.broadcast %mul3A_445 : f32 to vector<16xf32>
        %mul3A_447 = arith.mulf %get3A_444, %mul3A_446 : vector<16xf32>
        %scatter3A = arith.constant 0 : i32
        %scatter3A_448 = arith.constant 0 : i32
        %scatter3A_449 = arith.constant 0 : i32
        %scatter3A_450 = arith.constant 0 : i32
        %scatter3A_451 = tpu.memref_slice %arg7[%scan3A_199, %scatter3A, %scatter3A_448, %scatter3A_449, %scatter3A_450] : memref<2x2x8x8x129xf32, #tpu.memory_space<vmem>> -> memref<1x2x8x8x129xf32, #tpu.memory_space<vmem>>
        %scatter3A_452 = tpu.memref_squeeze %scatter3A_451 : memref<1x2x8x8x129xf32, #tpu.memory_space<vmem>> -> memref<2x8x8x129xf32, #tpu.memory_space<vmem>>
        tpu.vector_store_idx %scatter3A_452[%broadcast_in_dim3A_197, %shift_right_arithmetic3A_5, %and3A_25, %broadcast_in_dim3A_438], %mul3A_447 : memref<2x8x8x129xf32, #tpu.memory_space<vmem>>[vector<16xi32>, vector<16xi32>, vector<16xi32>, vector<16xi32>], vector<16xf32>,
        %get3A_453 = arith.constant 0 : i32
        %get3A_454 = arith.constant 0 : i32
        %get3A_455 = tpu.memref_slice %arg6[%scan3A_198, %get3A_453, %get3A_454] : memref<2x256x64xf32, #tpu.memory_space<vmem>> -> memref<1x256x64xf32, #tpu.memory_space<vmem>>
        %get3A_456 = tpu.memref_squeeze %get3A_455 : memref<1x256x64xf32, #tpu.memory_space<vmem>> -> memref<256x64xf32, #tpu.memory_space<vmem>>
        %get3A_457 = arith.index_cast %add3A_437 : i32 to index
        %get3A_458 = arith.constant 16 : index
        %get3A_459 = tpu.vector_load %get3A_456[%get3A_457, %get3A_458] {strides = array<i32>} : memref<256x64xf32, #tpu.memory_space<vmem>>, vector<16xf32>,
        %mul3A_460 = arith.constant 8.000000e+00 : f32
        %mul3A_461 = vector.broadcast %mul3A_460 : f32 to vector<16xf32>
        %mul3A_462 = arith.mulf %get3A_459, %mul3A_461 : vector<16xf32>
        %scatter3A_463 = arith.constant 0 : i32
        %scatter3A_464 = arith.constant 0 : i32
        %scatter3A_465 = arith.constant 0 : i32
        %scatter3A_466 = arith.constant 0 : i32
        %scatter3A_467 = tpu.memref_slice %arg7[%scan3A_199, %scatter3A_463, %scatter3A_464, %scatter3A_465, %scatter3A_466] : memref<2x2x8x8x129xf32, #tpu.memory_space<vmem>> -> memref<1x2x8x8x129xf32, #tpu.memory_space<vmem>>
        %scatter3A_468 = tpu.memref_squeeze %scatter3A_467 : memref<1x2x8x8x129xf32, #tpu.memory_space<vmem>> -> memref<2x8x8x129xf32, #tpu.memory_space<vmem>>
        tpu.vector_store_idx %scatter3A_468[%broadcast_in_dim3A_197, %shift_right_arithmetic3A_11, %and3A_25, %broadcast_in_dim3A_438], %mul3A_462 : memref<2x8x8x129xf32, #tpu.memory_space<vmem>>[vector<16xi32>, vector<16xi32>, vector<16xi32>, vector<16xi32>], vector<16xf32>,
        %get3A_469 = arith.constant 0 : i32
        %get3A_470 = arith.constant 0 : i32
        %get3A_471 = tpu.memref_slice %arg6[%scan3A_198, %get3A_469, %get3A_470] : memref<2x256x64xf32, #tpu.memory_space<vmem>> -> memref<1x256x64xf32, #tpu.memory_space<vmem>>
        %get3A_472 = tpu.memref_squeeze %get3A_471 : memref<1x256x64xf32, #tpu.memory_space<vmem>> -> memref<256x64xf32, #tpu.memory_space<vmem>>
        %get3A_473 = arith.index_cast %add3A_437 : i32 to index
        %get3A_474 = arith.constant 32 : index
        %get3A_475 = tpu.vector_load %get3A_472[%get3A_473, %get3A_474] {strides = array<i32>} : memref<256x64xf32, #tpu.memory_space<vmem>>, vector<16xf32>,
        %mul3A_476 = arith.constant 8.000000e+00 : f32
        %mul3A_477 = vector.broadcast %mul3A_476 : f32 to vector<16xf32>
        %mul3A_478 = arith.mulf %get3A_475, %mul3A_477 : vector<16xf32>
        %scatter3A_479 = arith.constant 0 : i32
        %scatter3A_480 = arith.constant 0 : i32
        %scatter3A_481 = arith.constant 0 : i32
        %scatter3A_482 = arith.constant 0 : i32
        %scatter3A_483 = tpu.memref_slice %arg7[%scan3A_199, %scatter3A_479, %scatter3A_480, %scatter3A_481, %scatter3A_482] : memref<2x2x8x8x129xf32, #tpu.memory_space<vmem>> -> memref<1x2x8x8x129xf32, #tpu.memory_space<vmem>>
        %scatter3A_484 = tpu.memref_squeeze %scatter3A_483 : memref<1x2x8x8x129xf32, #tpu.memory_space<vmem>> -> memref<2x8x8x129xf32, #tpu.memory_space<vmem>>
        tpu.vector_store_idx %scatter3A_484[%broadcast_in_dim3A_197, %shift_right_arithmetic3A_17, %and3A_25, %broadcast_in_dim3A_438], %mul3A_478 : memref<2x8x8x129xf32, #tpu.memory_space<vmem>>[vector<16xi32>, vector<16xi32>, vector<16xi32>, vector<16xi32>], vector<16xf32>,
        %get3A_485 = arith.constant 0 : i32
        %get3A_486 = arith.constant 0 : i32
        %get3A_487 = tpu.memref_slice %arg6[%scan3A_198, %get3A_485, %get3A_486] : memref<2x256x64xf32, #tpu.memory_space<vmem>> -> memref<1x256x64xf32, #tpu.memory_space<vmem>>
        %get3A_488 = tpu.memref_squeeze %get3A_487 : memref<1x256x64xf32, #tpu.memory_space<vmem>> -> memref<256x64xf32, #tpu.memory_space<vmem>>
        %get3A_489 = arith.index_cast %add3A_437 : i32 to index
        %get3A_490 = arith.constant 48 : index
        %get3A_491 = tpu.vector_load %get3A_488[%get3A_489, %get3A_490] {strides = array<i32>} : memref<256x64xf32, #tpu.memory_space<vmem>>, vector<16xf32>,
        %mul3A_492 = arith.constant 8.000000e+00 : f32
        %mul3A_493 = vector.broadcast %mul3A_492 : f32 to vector<16xf32>
        %mul3A_494 = arith.mulf %get3A_491, %mul3A_493 : vector<16xf32>
        %scatter3A_495 = arith.constant 0 : i32
        %scatter3A_496 = arith.constant 0 : i32
        %scatter3A_497 = arith.constant 0 : i32
        %scatter3A_498 = arith.constant 0 : i32
        %scatter3A_499 = tpu.memref_slice %arg7[%scan3A_199, %scatter3A_495, %scatter3A_496, %scatter3A_497, %scatter3A_498] : memref<2x2x8x8x129xf32, #tpu.memory_space<vmem>> -> memref<1x2x8x8x129xf32, #tpu.memory_space<vmem>>
        %scatter3A_500 = tpu.memref_squeeze %scatter3A_499 : memref<1x2x8x8x129xf32, #tpu.memory_space<vmem>> -> memref<2x8x8x129xf32, #tpu.memory_space<vmem>>
        tpu.vector_store_idx %scatter3A_500[%broadcast_in_dim3A_197, %shift_right_arithmetic3A_23, %and3A_25, %broadcast_in_dim3A_438], %mul3A_494 : memref<2x8x8x129xf32, #tpu.memory_space<vmem>>[vector<16xi32>, vector<16xi32>, vector<16xi32>, vector<16xi32>], vector<16xf32>,
        %scan3A_501 = arith.constant 1 : i32
        %scan3A_502 = arith.addi %scan3A_431, %scan3A_501 : i32
        %mul3A_503 = arith.constant 1 : i32
        %mul3A_504 = arith.muli %scan3A_502, %mul3A_503 : i32
        %add3A_505 = arith.constant 0 : i32
        %add3A_506 = arith.addi %add3A_505, %mul3A_504 : i32
        %add3A_507 = arith.constant 0 : i32
        %add3A_508 = arith.addi %add3A_507, %add3A_506 : i32
        %broadcast_in_dim3A_509 = vector.broadcast %add3A_506 : i32 to vector<16xi32>
        %get3A_510 = arith.constant 0 : i32
        %get3A_511 = arith.constant 0 : i32
        %get3A_512 = tpu.memref_slice %arg6[%scan3A_198, %get3A_510, %get3A_511] : memref<2x256x64xf32, #tpu.memory_space<vmem>> -> memref<1x256x64xf32, #tpu.memory_space<vmem>>
        %get3A_513 = tpu.memref_squeeze %get3A_512 : memref<1x256x64xf32, #tpu.memory_space<vmem>> -> memref<256x64xf32, #tpu.memory_space<vmem>>
        %get3A_514 = arith.index_cast %add3A_508 : i32 to index
        %get3A_515 = arith.constant 0 : index
        %get3A_516 = tpu.vector_load %get3A_513[%get3A_514, %get3A_515] {strides = array<i32>} : memref<256x64xf32, #tpu.memory_space<vmem>>, vector<16xf32>,
        %mul3A_517 = arith.constant 8.000000e+00 : f32
        %mul3A_518 = vector.broadcast %mul3A_517 : f32 to vector<16xf32>
        %mul3A_519 = arith.mulf %get3A_516, %mul3A_518 : vector<16xf32>
        %scatter3A_520 = arith.constant 0 : i32
        %scatter3A_521 = arith.constant 0 : i32
        %scatter3A_522 = arith.constant 0 : i32
        %scatter3A_523 = arith.constant 0 : i32
        %scatter3A_524 = tpu.memref_slice %arg7[%scan3A_199, %scatter3A_520, %scatter3A_521, %scatter3A_522, %scatter3A_523] : memref<2x2x8x8x129xf32, #tpu.memory_space<vmem>> -> memref<1x2x8x8x129xf32, #tpu.memory_space<vmem>>
        %scatter3A_525 = tpu.memref_squeeze %scatter3A_524 : memref<1x2x8x8x129xf32, #tpu.memory_space<vmem>> -> memref<2x8x8x129xf32, #tpu.memory_space<vmem>>
        tpu.vector_store_idx %scatter3A_525[%broadcast_in_dim3A_197, %shift_right_arithmetic3A_5, %and3A_25, %broadcast_in_dim3A_509], %mul3A_519 : memref<2x8x8x129xf32, #tpu.memory_space<vmem>>[vector<16xi32>, vector<16xi32>, vector<16xi32>, vector<16xi32>], vector<16xf32>,
        %get3A_526 = arith.constant 0 : i32
        %get3A_527 = arith.constant 0 : i32
        %get3A_528 = tpu.memref_slice %arg6[%scan3A_198, %get3A_526, %get3A_527] : memref<2x256x64xf32, #tpu.memory_space<vmem>> -> memref<1x256x64xf32, #tpu.memory_space<vmem>>
        %get3A_529 = tpu.memref_squeeze %get3A_528 : memref<1x256x64xf32, #tpu.memory_space<vmem>> -> memref<256x64xf32, #tpu.memory_space<vmem>>
        %get3A_530 = arith.index_cast %add3A_508 : i32 to index
        %get3A_531 = arith.constant 16 : index
        %get3A_532 = tpu.vector_load %get3A_529[%get3A_530, %get3A_531] {strides = array<i32>} : memref<256x64xf32, #tpu.memory_space<vmem>>, vector<16xf32>,
        %mul3A_533 = arith.constant 8.000000e+00 : f32
        %mul3A_534 = vector.broadcast %mul3A_533 : f32 to vector<16xf32>
        %mul3A_535 = arith.mulf %get3A_532, %mul3A_534 : vector<16xf32>
        %scatter3A_536 = arith.constant 0 : i32
        %scatter3A_537 = arith.constant 0 : i32
        %scatter3A_538 = arith.constant 0 : i32
        %scatter3A_539 = arith.constant 0 : i32
        %scatter3A_540 = tpu.memref_slice %arg7[%scan3A_199, %scatter3A_536, %scatter3A_537, %scatter3A_538, %scatter3A_539] : memref<2x2x8x8x129xf32, #tpu.memory_space<vmem>> -> memref<1x2x8x8x129xf32, #tpu.memory_space<vmem>>
        %scatter3A_541 = tpu.memref_squeeze %scatter3A_540 : memref<1x2x8x8x129xf32, #tpu.memory_space<vmem>> -> memref<2x8x8x129xf32, #tpu.memory_space<vmem>>
        tpu.vector_store_idx %scatter3A_541[%broadcast_in_dim3A_197, %shift_right_arithmetic3A_11, %and3A_25, %broadcast_in_dim3A_509], %mul3A_535 : memref<2x8x8x129xf32, #tpu.memory_space<vmem>>[vector<16xi32>, vector<16xi32>, vector<16xi32>, vector<16xi32>], vector<16xf32>,
        %get3A_542 = arith.constant 0 : i32
        %get3A_543 = arith.constant 0 : i32
        %get3A_544 = tpu.memref_slice %arg6[%scan3A_198, %get3A_542, %get3A_543] : memref<2x256x64xf32, #tpu.memory_space<vmem>> -> memref<1x256x64xf32, #tpu.memory_space<vmem>>
        %get3A_545 = tpu.memref_squeeze %get3A_544 : memref<1x256x64xf32, #tpu.memory_space<vmem>> -> memref<256x64xf32, #tpu.memory_space<vmem>>
        %get3A_546 = arith.index_cast %add3A_508 : i32 to index
        %get3A_547 = arith.constant 32 : index
        %get3A_548 = tpu.vector_load %get3A_545[%get3A_546, %get3A_547] {strides = array<i32>} : memref<256x64xf32, #tpu.memory_space<vmem>>, vector<16xf32>,
        %mul3A_549 = arith.constant 8.000000e+00 : f32
        %mul3A_550 = vector.broadcast %mul3A_549 : f32 to vector<16xf32>
        %mul3A_551 = arith.mulf %get3A_548, %mul3A_550 : vector<16xf32>
        %scatter3A_552 = arith.constant 0 : i32
        %scatter3A_553 = arith.constant 0 : i32
        %scatter3A_554 = arith.constant 0 : i32
        %scatter3A_555 = arith.constant 0 : i32
        %scatter3A_556 = tpu.memref_slice %arg7[%scan3A_199, %scatter3A_552, %scatter3A_553, %scatter3A_554, %scatter3A_555] : memref<2x2x8x8x129xf32, #tpu.memory_space<vmem>> -> memref<1x2x8x8x129xf32, #tpu.memory_space<vmem>>
        %scatter3A_557 = tpu.memref_squeeze %scatter3A_556 : memref<1x2x8x8x129xf32, #tpu.memory_space<vmem>> -> memref<2x8x8x129xf32, #tpu.memory_space<vmem>>
        tpu.vector_store_idx %scatter3A_557[%broadcast_in_dim3A_197, %shift_right_arithmetic3A_17, %and3A_25, %broadcast_in_dim3A_509], %mul3A_551 : memref<2x8x8x129xf32, #tpu.memory_space<vmem>>[vector<16xi32>, vector<16xi32>, vector<16xi32>, vector<16xi32>], vector<16xf32>,
        %get3A_558 = arith.constant 0 : i32
        %get3A_559 = arith.constant 0 : i32
        %get3A_560 = tpu.memref_slice %arg6[%scan3A_198, %get3A_558, %get3A_559] : memref<2x256x64xf32, #tpu.memory_space<vmem>> -> memref<1x256x64xf32, #tpu.memory_space<vmem>>
        %get3A_561 = tpu.memref_squeeze %get3A_560 : memref<1x256x64xf32, #tpu.memory_space<vmem>> -> memref<256x64xf32, #tpu.memory_space<vmem>>
        %get3A_562 = arith.index_cast %add3A_508 : i32 to index
        %get3A_563 = arith.constant 48 : index
        %get3A_564 = tpu.vector_load %get3A_561[%get3A_562, %get3A_563] {strides = array<i32>} : memref<256x64xf32, #tpu.memory_space<vmem>>, vector<16xf32>,
        %mul3A_565 = arith.constant 8.000000e+00 : f32
        %mul3A_566 = vector.broadcast %mul3A_565 : f32 to vector<16xf32>
        %mul3A_567 = arith.mulf %get3A_564, %mul3A_566 : vector<16xf32>
        %scatter3A_568 = arith.constant 0 : i32
        %scatter3A_569 = arith.constant 0 : i32
        %scatter3A_570 = arith.constant 0 : i32
        %scatter3A_571 = arith.constant 0 : i32
        %scatter3A_572 = tpu.memref_slice %arg7[%scan3A_199, %scatter3A_568, %scatter3A_569, %scatter3A_570, %scatter3A_571] : memref<2x2x8x8x129xf32, #tpu.memory_space<vmem>> -> memref<1x2x8x8x129xf32, #tpu.memory_space<vmem>>
        %scatter3A_573 = tpu.memref_squeeze %scatter3A_572 : memref<1x2x8x8x129xf32, #tpu.memory_space<vmem>> -> memref<2x8x8x129xf32, #tpu.memory_space<vmem>>
        tpu.vector_store_idx %scatter3A_573[%broadcast_in_dim3A_197, %shift_right_arithmetic3A_23, %and3A_25, %broadcast_in_dim3A_509], %mul3A_567 : memref<2x8x8x129xf32, #tpu.memory_space<vmem>>[vector<16xi32>, vector<16xi32>, vector<16xi32>, vector<16xi32>], vector<16xf32>,
        %scan3A_574 = arith.constant 2 : i32
        %scan3A_575 = arith.addi %scan3A_431, %scan3A_574 : i32
        %mul3A_576 = arith.constant 1 : i32
        %mul3A_577 = arith.muli %scan3A_575, %mul3A_576 : i32
        %add3A_578 = arith.constant 0 : i32
        %add3A_579 = arith.addi %add3A_578, %mul3A_577 : i32
        %add3A_580 = arith.constant 0 : i32
        %add3A_581 = arith.addi %add3A_580, %add3A_579 : i32
        %broadcast_in_dim3A_582 = vector.broadcast %add3A_579 : i32 to vector<16xi32>
        %get3A_583 = arith.constant 0 : i32
        %get3A_584 = arith.constant 0 : i32
        %get3A_585 = tpu.memref_slice %arg6[%scan3A_198, %get3A_583, %get3A_584] : memref<2x256x64xf32, #tpu.memory_space<vmem>> -> memref<1x256x64xf32, #tpu.memory_space<vmem>>
        %get3A_586 = tpu.memref_squeeze %get3A_585 : memref<1x256x64xf32, #tpu.memory_space<vmem>> -> memref<256x64xf32, #tpu.memory_space<vmem>>
        %get3A_587 = arith.index_cast %add3A_581 : i32 to index
        %get3A_588 = arith.constant 0 : index
        %get3A_589 = tpu.vector_load %get3A_586[%get3A_587, %get3A_588] {strides = array<i32>} : memref<256x64xf32, #tpu.memory_space<vmem>>, vector<16xf32>,
        %mul3A_590 = arith.constant 8.000000e+00 : f32
        %mul3A_591 = vector.broadcast %mul3A_590 : f32 to vector<16xf32>
        %mul3A_592 = arith.mulf %get3A_589, %mul3A_591 : vector<16xf32>
        %scatter3A_593 = arith.constant 0 : i32
        %scatter3A_594 = arith.constant 0 : i32
        %scatter3A_595 = arith.constant 0 : i32
        %scatter3A_596 = arith.constant 0 : i32
        %scatter3A_597 = tpu.memref_slice %arg7[%scan3A_199, %scatter3A_593, %scatter3A_594, %scatter3A_595, %scatter3A_596] : memref<2x2x8x8x129xf32, #tpu.memory_space<vmem>> -> memref<1x2x8x8x129xf32, #tpu.memory_space<vmem>>
        %scatter3A_598 = tpu.memref_squeeze %scatter3A_597 : memref<1x2x8x8x129xf32, #tpu.memory_space<vmem>> -> memref<2x8x8x129xf32, #tpu.memory_space<vmem>>
        tpu.vector_store_idx %scatter3A_598[%broadcast_in_dim3A_197, %shift_right_arithmetic3A_5, %and3A_25, %broadcast_in_dim3A_582], %mul3A_592 : memref<2x8x8x129xf32, #tpu.memory_space<vmem>>[vector<16xi32>, vector<16xi32>, vector<16xi32>, vector<16xi32>], vector<16xf32>,
        %get3A_599 = arith.constant 0 : i32
        %get3A_600 = arith.constant 0 : i32
        %get3A_601 = tpu.memref_slice %arg6[%scan3A_198, %get3A_599, %get3A_600] : memref<2x256x64xf32, #tpu.memory_space<vmem>> -> memref<1x256x64xf32, #tpu.memory_space<vmem>>
        %get3A_602 = tpu.memref_squeeze %get3A_601 : memref<1x256x64xf32, #tpu.memory_space<vmem>> -> memref<256x64xf32, #tpu.memory_space<vmem>>
        %get3A_603 = arith.index_cast %add3A_581 : i32 to index
        %get3A_604 = arith.constant 16 : index
        %get3A_605 = tpu.vector_load %get3A_602[%get3A_603, %get3A_604] {strides = array<i32>} : memref<256x64xf32, #tpu.memory_space<vmem>>, vector<16xf32>,
        %mul3A_606 = arith.constant 8.000000e+00 : f32
        %mul3A_607 = vector.broadcast %mul3A_606 : f32 to vector<16xf32>
        %mul3A_608 = arith.mulf %get3A_605, %mul3A_607 : vector<16xf32>
        %scatter3A_609 = arith.constant 0 : i32
        %scatter3A_610 = arith.constant 0 : i32
        %scatter3A_611 = arith.constant 0 : i32
        %scatter3A_612 = arith.constant 0 : i32
        %scatter3A_613 = tpu.memref_slice %arg7[%scan3A_199, %scatter3A_609, %scatter3A_610, %scatter3A_611, %scatter3A_612] : memref<2x2x8x8x129xf32, #tpu.memory_space<vmem>> -> memref<1x2x8x8x129xf32, #tpu.memory_space<vmem>>
        %scatter3A_614 = tpu.memref_squeeze %scatter3A_613 : memref<1x2x8x8x129xf32, #tpu.memory_space<vmem>> -> memref<2x8x8x129xf32, #tpu.memory_space<vmem>>
        tpu.vector_store_idx %scatter3A_614[%broadcast_in_dim3A_197, %shift_right_arithmetic3A_11, %and3A_25, %broadcast_in_dim3A_582], %mul3A_608 : memref<2x8x8x129xf32, #tpu.memory_space<vmem>>[vector<16xi32>, vector<16xi32>, vector<16xi32>, vector<16xi32>], vector<16xf32>,
        %get3A_615 = arith.constant 0 : i32
        %get3A_616 = arith.constant 0 : i32
        %get3A_617 = tpu.memref_slice %arg6[%scan3A_198, %get3A_615, %get3A_616] : memref<2x256x64xf32, #tpu.memory_space<vmem>> -> memref<1x256x64xf32, #tpu.memory_space<vmem>>
        %get3A_618 = tpu.memref_squeeze %get3A_617 : memref<1x256x64xf32, #tpu.memory_space<vmem>> -> memref<256x64xf32, #tpu.memory_space<vmem>>
        %get3A_619 = arith.index_cast %add3A_581 : i32 to index
        %get3A_620 = arith.constant 32 : index
        %get3A_621 = tpu.vector_load %get3A_618[%get3A_619, %get3A_620] {strides = array<i32>} : memref<256x64xf32, #tpu.memory_space<vmem>>, vector<16xf32>,
        %mul3A_622 = arith.constant 8.000000e+00 : f32
        %mul3A_623 = vector.broadcast %mul3A_622 : f32 to vector<16xf32>
        %mul3A_624 = arith.mulf %get3A_621, %mul3A_623 : vector<16xf32>
        %scatter3A_625 = arith.constant 0 : i32
        %scatter3A_626 = arith.constant 0 : i32
        %scatter3A_627 = arith.constant 0 : i32
        %scatter3A_628 = arith.constant 0 : i32
        %scatter3A_629 = tpu.memref_slice %arg7[%scan3A_199, %scatter3A_625, %scatter3A_626, %scatter3A_627, %scatter3A_628] : memref<2x2x8x8x129xf32, #tpu.memory_space<vmem>> -> memref<1x2x8x8x129xf32, #tpu.memory_space<vmem>>
        %scatter3A_630 = tpu.memref_squeeze %scatter3A_629 : memref<1x2x8x8x129xf32, #tpu.memory_space<vmem>> -> memref<2x8x8x129xf32, #tpu.memory_space<vmem>>
        tpu.vector_store_idx %scatter3A_630[%broadcast_in_dim3A_197, %shift_right_arithmetic3A_17, %and3A_25, %broadcast_in_dim3A_582], %mul3A_624 : memref<2x8x8x129xf32, #tpu.memory_space<vmem>>[vector<16xi32>, vector<16xi32>, vector<16xi32>, vector<16xi32>], vector<16xf32>,
        %get3A_631 = arith.constant 0 : i32
        %get3A_632 = arith.constant 0 : i32
        %get3A_633 = tpu.memref_slice %arg6[%scan3A_198, %get3A_631, %get3A_632] : memref<2x256x64xf32, #tpu.memory_space<vmem>> -> memref<1x256x64xf32, #tpu.memory_space<vmem>>
        %get3A_634 = tpu.memref_squeeze %get3A_633 : memref<1x256x64xf32, #tpu.memory_space<vmem>> -> memref<256x64xf32, #tpu.memory_space<vmem>>
        %get3A_635 = arith.index_cast %add3A_581 : i32 to index
        %get3A_636 = arith.constant 48 : index
        %get3A_637 = tpu.vector_load %get3A_634[%get3A_635, %get3A_636] {strides = array<i32>} : memref<256x64xf32, #tpu.memory_space<vmem>>, vector<16xf32>,
        %mul3A_638 = arith.constant 8.000000e+00 : f32
        %mul3A_639 = vector.broadcast %mul3A_638 : f32 to vector<16xf32>
        %mul3A_640 = arith.mulf %get3A_637, %mul3A_639 : vector<16xf32>
        %scatter3A_641 = arith.constant 0 : i32
        %scatter3A_642 = arith.constant 0 : i32
        %scatter3A_643 = arith.constant 0 : i32
        %scatter3A_644 = arith.constant 0 : i32
        %scatter3A_645 = tpu.memref_slice %arg7[%scan3A_199, %scatter3A_641, %scatter3A_642, %scatter3A_643, %scatter3A_644] : memref<2x2x8x8x129xf32, #tpu.memory_space<vmem>> -> memref<1x2x8x8x129xf32, #tpu.memory_space<vmem>>
        %scatter3A_646 = tpu.memref_squeeze %scatter3A_645 : memref<1x2x8x8x129xf32, #tpu.memory_space<vmem>> -> memref<2x8x8x129xf32, #tpu.memory_space<vmem>>
        tpu.vector_store_idx %scatter3A_646[%broadcast_in_dim3A_197, %shift_right_arithmetic3A_23, %and3A_25, %broadcast_in_dim3A_582], %mul3A_640 : memref<2x8x8x129xf32, #tpu.memory_space<vmem>>[vector<16xi32>, vector<16xi32>, vector<16xi32>, vector<16xi32>], vector<16xf32>,
        %scan3A_647 = arith.constant 3 : i32
        %scan3A_648 = arith.addi %scan3A_431, %scan3A_647 : i32
        %mul3A_649 = arith.constant 1 : i32
        %mul3A_650 = arith.muli %scan3A_648, %mul3A_649 : i32
        %add3A_651 = arith.constant 0 : i32
        %add3A_652 = arith.addi %add3A_651, %mul3A_650 : i32
        %add3A_653 = arith.constant 0 : i32
        %add3A_654 = arith.addi %add3A_653, %add3A_652 : i32
        %broadcast_in_dim3A_655 = vector.broadcast %add3A_652 : i32 to vector<16xi32>
        %get3A_656 = arith.constant 0 : i32
        %get3A_657 = arith.constant 0 : i32
        %get3A_658 = tpu.memref_slice %arg6[%scan3A_198, %get3A_656, %get3A_657] : memref<2x256x64xf32, #tpu.memory_space<vmem>> -> memref<1x256x64xf32, #tpu.memory_space<vmem>>
        %get3A_659 = tpu.memref_squeeze %get3A_658 : memref<1x256x64xf32, #tpu.memory_space<vmem>> -> memref<256x64xf32, #tpu.memory_space<vmem>>
        %get3A_660 = arith.index_cast %add3A_654 : i32 to index
        %get3A_661 = arith.constant 0 : index
        %get3A_662 = tpu.vector_load %get3A_659[%get3A_660, %get3A_661] {strides = array<i32>} : memref<256x64xf32, #tpu.memory_space<vmem>>, vector<16xf32>,
        %mul3A_663 = arith.constant 8.000000e+00 : f32
        %mul3A_664 = vector.broadcast %mul3A_663 : f32 to vector<16xf32>
        %mul3A_665 = arith.mulf %get3A_662, %mul3A_664 : vector<16xf32>
        %scatter3A_666 = arith.constant 0 : i32
        %scatter3A_667 = arith.constant 0 : i32
        %scatter3A_668 = arith.constant 0 : i32
        %scatter3A_669 = arith.constant 0 : i32
        %scatter3A_670 = tpu.memref_slice %arg7[%scan3A_199, %scatter3A_666, %scatter3A_667, %scatter3A_668, %scatter3A_669] : memref<2x2x8x8x129xf32, #tpu.memory_space<vmem>> -> memref<1x2x8x8x129xf32, #tpu.memory_space<vmem>>
        %scatter3A_671 = tpu.memref_squeeze %scatter3A_670 : memref<1x2x8x8x129xf32, #tpu.memory_space<vmem>> -> memref<2x8x8x129xf32, #tpu.memory_space<vmem>>
        tpu.vector_store_idx %scatter3A_671[%broadcast_in_dim3A_197, %shift_right_arithmetic3A_5, %and3A_25, %broadcast_in_dim3A_655], %mul3A_665 : memref<2x8x8x129xf32, #tpu.memory_space<vmem>>[vector<16xi32>, vector<16xi32>, vector<16xi32>, vector<16xi32>], vector<16xf32>,
        %get3A_672 = arith.constant 0 : i32
        %get3A_673 = arith.constant 0 : i32
        %get3A_674 = tpu.memref_slice %arg6[%scan3A_198, %get3A_672, %get3A_673] : memref<2x256x64xf32, #tpu.memory_space<vmem>> -> memref<1x256x64xf32, #tpu.memory_space<vmem>>
        %get3A_675 = tpu.memref_squeeze %get3A_674 : memref<1x256x64xf32, #tpu.memory_space<vmem>> -> memref<256x64xf32, #tpu.memory_space<vmem>>
        %get3A_676 = arith.index_cast %add3A_654 : i32 to index
        %get3A_677 = arith.constant 16 : index
        %get3A_678 = tpu.vector_load %get3A_675[%get3A_676, %get3A_677] {strides = array<i32>} : memref<256x64xf32, #tpu.memory_space<vmem>>, vector<16xf32>,
        %mul3A_679 = arith.constant 8.000000e+00 : f32
        %mul3A_680 = vector.broadcast %mul3A_679 : f32 to vector<16xf32>
        %mul3A_681 = arith.mulf %get3A_678, %mul3A_680 : vector<16xf32>
        %scatter3A_682 = arith.constant 0 : i32
        %scatter3A_683 = arith.constant 0 : i32
        %scatter3A_684 = arith.constant 0 : i32
        %scatter3A_685 = arith.constant 0 : i32
        %scatter3A_686 = tpu.memref_slice %arg7[%scan3A_199, %scatter3A_682, %scatter3A_683, %scatter3A_684, %scatter3A_685] : memref<2x2x8x8x129xf32, #tpu.memory_space<vmem>> -> memref<1x2x8x8x129xf32, #tpu.memory_space<vmem>>
        %scatter3A_687 = tpu.memref_squeeze %scatter3A_686 : memref<1x2x8x8x129xf32, #tpu.memory_space<vmem>> -> memref<2x8x8x129xf32, #tpu.memory_space<vmem>>
        tpu.vector_store_idx %scatter3A_687[%broadcast_in_dim3A_197, %shift_right_arithmetic3A_11, %and3A_25, %broadcast_in_dim3A_655], %mul3A_681 : memref<2x8x8x129xf32, #tpu.memory_space<vmem>>[vector<16xi32>, vector<16xi32>, vector<16xi32>, vector<16xi32>], vector<16xf32>,
        %get3A_688 = arith.constant 0 : i32
        %get3A_689 = arith.constant 0 : i32
        %get3A_690 = tpu.memref_slice %arg6[%scan3A_198, %get3A_688, %get3A_689] : memref<2x256x64xf32, #tpu.memory_space<vmem>> -> memref<1x256x64xf32, #tpu.memory_space<vmem>>
        %get3A_691 = tpu.memref_squeeze %get3A_690 : memref<1x256x64xf32, #tpu.memory_space<vmem>> -> memref<256x64xf32, #tpu.memory_space<vmem>>
        %get3A_692 = arith.index_cast %add3A_654 : i32 to index
        %get3A_693 = arith.constant 32 : index
        %get3A_694 = tpu.vector_load %get3A_691[%get3A_692, %get3A_693] {strides = array<i32>} : memref<256x64xf32, #tpu.memory_space<vmem>>, vector<16xf32>,
        %mul3A_695 = arith.constant 8.000000e+00 : f32
        %mul3A_696 = vector.broadcast %mul3A_695 : f32 to vector<16xf32>
        %mul3A_697 = arith.mulf %get3A_694, %mul3A_696 : vector<16xf32>
        %scatter3A_698 = arith.constant 0 : i32
        %scatter3A_699 = arith.constant 0 : i32
        %scatter3A_700 = arith.constant 0 : i32
        %scatter3A_701 = arith.constant 0 : i32
        %scatter3A_702 = tpu.memref_slice %arg7[%scan3A_199, %scatter3A_698, %scatter3A_699, %scatter3A_700, %scatter3A_701] : memref<2x2x8x8x129xf32, #tpu.memory_space<vmem>> -> memref<1x2x8x8x129xf32, #tpu.memory_space<vmem>>
        %scatter3A_703 = tpu.memref_squeeze %scatter3A_702 : memref<1x2x8x8x129xf32, #tpu.memory_space<vmem>> -> memref<2x8x8x129xf32, #tpu.memory_space<vmem>>
        tpu.vector_store_idx %scatter3A_703[%broadcast_in_dim3A_197, %shift_right_arithmetic3A_17, %and3A_25, %broadcast_in_dim3A_655], %mul3A_697 : memref<2x8x8x129xf32, #tpu.memory_space<vmem>>[vector<16xi32>, vector<16xi32>, vector<16xi32>, vector<16xi32>], vector<16xf32>,
        %get3A_704 = arith.constant 0 : i32
        %get3A_705 = arith.constant 0 : i32
        %get3A_706 = tpu.memref_slice %arg6[%scan3A_198, %get3A_704, %get3A_705] : memref<2x256x64xf32, #tpu.memory_space<vmem>> -> memref<1x256x64xf32, #tpu.memory_space<vmem>>
        %get3A_707 = tpu.memref_squeeze %get3A_706 : memref<1x256x64xf32, #tpu.memory_space<vmem>> -> memref<256x64xf32, #tpu.memory_space<vmem>>
        %get3A_708 = arith.index_cast %add3A_654 : i32 to index
        %get3A_709 = arith.constant 48 : index
        %get3A_710 = tpu.vector_load %get3A_707[%get3A_708, %get3A_709] {strides = array<i32>} : memref<256x64xf32, #tpu.memory_space<vmem>>, vector<16xf32>,
        %mul3A_711 = arith.constant 8.000000e+00 : f32
        %mul3A_712 = vector.broadcast %mul3A_711 : f32 to vector<16xf32>
        %mul3A_713 = arith.mulf %get3A_710, %mul3A_712 : vector<16xf32>
        %scatter3A_714 = arith.constant 0 : i32
        %scatter3A_715 = arith.constant 0 : i32
        %scatter3A_716 = arith.constant 0 : i32
        %scatter3A_717 = arith.constant 0 : i32
        %scatter3A_718 = tpu.memref_slice %arg7[%scan3A_199, %scatter3A_714, %scatter3A_715, %scatter3A_716, %scatter3A_717] : memref<2x2x8x8x129xf32, #tpu.memory_space<vmem>> -> memref<1x2x8x8x129xf32, #tpu.memory_space<vmem>>
        %scatter3A_719 = tpu.memref_squeeze %scatter3A_718 : memref<1x2x8x8x129xf32, #tpu.memory_space<vmem>> -> memref<2x8x8x129xf32, #tpu.memory_space<vmem>>
        tpu.vector_store_idx %scatter3A_719[%broadcast_in_dim3A_197, %shift_right_arithmetic3A_23, %and3A_25, %broadcast_in_dim3A_655], %mul3A_713 : memref<2x8x8x129xf32, #tpu.memory_space<vmem>>[vector<16xi32>, vector<16xi32>, vector<16xi32>, vector<16xi32>], vector<16xf32>,
      }
      %scan3A_204 = arith.constant 128 : i32
      %broadcast_in_dim3A_205 = arith.constant 1 : i32
      %broadcast_in_dim3A_206 = vector.broadcast %broadcast_in_dim3A_205 : i32 to vector<16xi32>
      %scan3A_207 = arith.constant 0 : i32
      %scan3A_208 = arith.constant 0 : i32
      %scan3A_209 = arith.constant 0 : i32
      %scan3A_210 = arith.constant 128 : i32
      %scan3A_211 = arith.addi %scan3A_209, %scan3A_210 : i32
      %scan3A_212 = arith.constant 4 : i32
      scf.for %scan3A_431 = %scan3A_209 to %scan3A_211 step %scan3A_212  : i32 {
        %mul3A_432 = arith.constant 1 : i32
        %mul3A_433 = arith.muli %scan3A_431, %mul3A_432 : i32
        %add3A_434 = arith.constant 0 : i32
        %add3A_435 = arith.addi %add3A_434, %mul3A_433 : i32
        %add3A_436 = arith.constant 128 : i32
        %add3A_437 = arith.addi %add3A_436, %add3A_435 : i32
        %broadcast_in_dim3A_438 = vector.broadcast %add3A_435 : i32 to vector<16xi32>
        %get3A = arith.constant 0 : i32
        %get3A_439 = arith.constant 0 : i32
        %get3A_440 = tpu.memref_slice %arg6[%scan3A_207, %get3A, %get3A_439] : memref<2x256x64xf32, #tpu.memory_space<vmem>> -> memref<1x256x64xf32, #tpu.memory_space<vmem>>
        %get3A_441 = tpu.memref_squeeze %get3A_440 : memref<1x256x64xf32, #tpu.memory_space<vmem>> -> memref<256x64xf32, #tpu.memory_space<vmem>>
        %get3A_442 = arith.index_cast %add3A_437 : i32 to index
        %get3A_443 = arith.constant 0 : index
        %get3A_444 = tpu.vector_load %get3A_441[%get3A_442, %get3A_443] {strides = array<i32>} : memref<256x64xf32, #tpu.memory_space<vmem>>, vector<16xf32>,
        %mul3A_445 = arith.constant 8.000000e+00 : f32
        %mul3A_446 = vector.broadcast %mul3A_445 : f32 to vector<16xf32>
        %mul3A_447 = arith.mulf %get3A_444, %mul3A_446 : vector<16xf32>
        %scatter3A = arith.constant 0 : i32
        %scatter3A_448 = arith.constant 0 : i32
        %scatter3A_449 = arith.constant 0 : i32
        %scatter3A_450 = arith.constant 0 : i32
        %scatter3A_451 = tpu.memref_slice %arg7[%scan3A_208, %scatter3A, %scatter3A_448, %scatter3A_449, %scatter3A_450] : memref<2x2x8x8x129xf32, #tpu.memory_space<vmem>> -> memref<1x2x8x8x129xf32, #tpu.memory_space<vmem>>
        %scatter3A_452 = tpu.memref_squeeze %scatter3A_451 : memref<1x2x8x8x129xf32, #tpu.memory_space<vmem>> -> memref<2x8x8x129xf32, #tpu.memory_space<vmem>>
        tpu.vector_store_idx %scatter3A_452[%broadcast_in_dim3A_206, %shift_right_arithmetic3A_5, %and3A_25, %broadcast_in_dim3A_438], %mul3A_447 : memref<2x8x8x129xf32, #tpu.memory_space<vmem>>[vector<16xi32>, vector<16xi32>, vector<16xi32>, vector<16xi32>], vector<16xf32>,
        %get3A_453 = arith.constant 0 : i32
        %get3A_454 = arith.constant 0 : i32
        %get3A_455 = tpu.memref_slice %arg6[%scan3A_207, %get3A_453, %get3A_454] : memref<2x256x64xf32, #tpu.memory_space<vmem>> -> memref<1x256x64xf32, #tpu.memory_space<vmem>>
        %get3A_456 = tpu.memref_squeeze %get3A_455 : memref<1x256x64xf32, #tpu.memory_space<vmem>> -> memref<256x64xf32, #tpu.memory_space<vmem>>
        %get3A_457 = arith.index_cast %add3A_437 : i32 to index
        %get3A_458 = arith.constant 16 : index
        %get3A_459 = tpu.vector_load %get3A_456[%get3A_457, %get3A_458] {strides = array<i32>} : memref<256x64xf32, #tpu.memory_space<vmem>>, vector<16xf32>,
        %mul3A_460 = arith.constant 8.000000e+00 : f32
        %mul3A_461 = vector.broadcast %mul3A_460 : f32 to vector<16xf32>
        %mul3A_462 = arith.mulf %get3A_459, %mul3A_461 : vector<16xf32>
        %scatter3A_463 = arith.constant 0 : i32
        %scatter3A_464 = arith.constant 0 : i32
        %scatter3A_465 = arith.constant 0 : i32
        %scatter3A_466 = arith.constant 0 : i32
        %scatter3A_467 = tpu.memref_slice %arg7[%scan3A_208, %scatter3A_463, %scatter3A_464, %scatter3A_465, %scatter3A_466] : memref<2x2x8x8x129xf32, #tpu.memory_space<vmem>> -> memref<1x2x8x8x129xf32, #tpu.memory_space<vmem>>
        %scatter3A_468 = tpu.memref_squeeze %scatter3A_467 : memref<1x2x8x8x129xf32, #tpu.memory_space<vmem>> -> memref<2x8x8x129xf32, #tpu.memory_space<vmem>>
        tpu.vector_store_idx %scatter3A_468[%broadcast_in_dim3A_206, %shift_right_arithmetic3A_11, %and3A_25, %broadcast_in_dim3A_438], %mul3A_462 : memref<2x8x8x129xf32, #tpu.memory_space<vmem>>[vector<16xi32>, vector<16xi32>, vector<16xi32>, vector<16xi32>], vector<16xf32>,
        %get3A_469 = arith.constant 0 : i32
        %get3A_470 = arith.constant 0 : i32
        %get3A_471 = tpu.memref_slice %arg6[%scan3A_207, %get3A_469, %get3A_470] : memref<2x256x64xf32, #tpu.memory_space<vmem>> -> memref<1x256x64xf32, #tpu.memory_space<vmem>>
        %get3A_472 = tpu.memref_squeeze %get3A_471 : memref<1x256x64xf32, #tpu.memory_space<vmem>> -> memref<256x64xf32, #tpu.memory_space<vmem>>
        %get3A_473 = arith.index_cast %add3A_437 : i32 to index
        %get3A_474 = arith.constant 32 : index
        %get3A_475 = tpu.vector_load %get3A_472[%get3A_473, %get3A_474] {strides = array<i32>} : memref<256x64xf32, #tpu.memory_space<vmem>>, vector<16xf32>,
        %mul3A_476 = arith.constant 8.000000e+00 : f32
        %mul3A_477 = vector.broadcast %mul3A_476 : f32 to vector<16xf32>
        %mul3A_478 = arith.mulf %get3A_475, %mul3A_477 : vector<16xf32>
        %scatter3A_479 = arith.constant 0 : i32
        %scatter3A_480 = arith.constant 0 : i32
        %scatter3A_481 = arith.constant 0 : i32
        %scatter3A_482 = arith.constant 0 : i32
        %scatter3A_483 = tpu.memref_slice %arg7[%scan3A_208, %scatter3A_479, %scatter3A_480, %scatter3A_481, %scatter3A_482] : memref<2x2x8x8x129xf32, #tpu.memory_space<vmem>> -> memref<1x2x8x8x129xf32, #tpu.memory_space<vmem>>
        %scatter3A_484 = tpu.memref_squeeze %scatter3A_483 : memref<1x2x8x8x129xf32, #tpu.memory_space<vmem>> -> memref<2x8x8x129xf32, #tpu.memory_space<vmem>>
        tpu.vector_store_idx %scatter3A_484[%broadcast_in_dim3A_206, %shift_right_arithmetic3A_17, %and3A_25, %broadcast_in_dim3A_438], %mul3A_478 : memref<2x8x8x129xf32, #tpu.memory_space<vmem>>[vector<16xi32>, vector<16xi32>, vector<16xi32>, vector<16xi32>], vector<16xf32>,
        %get3A_485 = arith.constant 0 : i32
        %get3A_486 = arith.constant 0 : i32
        %get3A_487 = tpu.memref_slice %arg6[%scan3A_207, %get3A_485, %get3A_486] : memref<2x256x64xf32, #tpu.memory_space<vmem>> -> memref<1x256x64xf32, #tpu.memory_space<vmem>>
        %get3A_488 = tpu.memref_squeeze %get3A_487 : memref<1x256x64xf32, #tpu.memory_space<vmem>> -> memref<256x64xf32, #tpu.memory_space<vmem>>
        %get3A_489 = arith.index_cast %add3A_437 : i32 to index
        %get3A_490 = arith.constant 48 : index
        %get3A_491 = tpu.vector_load %get3A_488[%get3A_489, %get3A_490] {strides = array<i32>} : memref<256x64xf32, #tpu.memory_space<vmem>>, vector<16xf32>,
        %mul3A_492 = arith.constant 8.000000e+00 : f32
        %mul3A_493 = vector.broadcast %mul3A_492 : f32 to vector<16xf32>
        %mul3A_494 = arith.mulf %get3A_491, %mul3A_493 : vector<16xf32>
        %scatter3A_495 = arith.constant 0 : i32
        %scatter3A_496 = arith.constant 0 : i32
        %scatter3A_497 = arith.constant 0 : i32
        %scatter3A_498 = arith.constant 0 : i32
        %scatter3A_499 = tpu.memref_slice %arg7[%scan3A_208, %scatter3A_495, %scatter3A_496, %scatter3A_497, %scatter3A_498] : memref<2x2x8x8x129xf32, #tpu.memory_space<vmem>> -> memref<1x2x8x8x129xf32, #tpu.memory_space<vmem>>
        %scatter3A_500 = tpu.memref_squeeze %scatter3A_499 : memref<1x2x8x8x129xf32, #tpu.memory_space<vmem>> -> memref<2x8x8x129xf32, #tpu.memory_space<vmem>>
        tpu.vector_store_idx %scatter3A_500[%broadcast_in_dim3A_206, %shift_right_arithmetic3A_23, %and3A_25, %broadcast_in_dim3A_438], %mul3A_494 : memref<2x8x8x129xf32, #tpu.memory_space<vmem>>[vector<16xi32>, vector<16xi32>, vector<16xi32>, vector<16xi32>], vector<16xf32>,
        %scan3A_501 = arith.constant 1 : i32
        %scan3A_502 = arith.addi %scan3A_431, %scan3A_501 : i32
        %mul3A_503 = arith.constant 1 : i32
        %mul3A_504 = arith.muli %scan3A_502, %mul3A_503 : i32
        %add3A_505 = arith.constant 0 : i32
        %add3A_506 = arith.addi %add3A_505, %mul3A_504 : i32
        %add3A_507 = arith.constant 128 : i32
        %add3A_508 = arith.addi %add3A_507, %add3A_506 : i32
        %broadcast_in_dim3A_509 = vector.broadcast %add3A_506 : i32 to vector<16xi32>
        %get3A_510 = arith.constant 0 : i32
        %get3A_511 = arith.constant 0 : i32
        %get3A_512 = tpu.memref_slice %arg6[%scan3A_207, %get3A_510, %get3A_511] : memref<2x256x64xf32, #tpu.memory_space<vmem>> -> memref<1x256x64xf32, #tpu.memory_space<vmem>>
        %get3A_513 = tpu.memref_squeeze %get3A_512 : memref<1x256x64xf32, #tpu.memory_space<vmem>> -> memref<256x64xf32, #tpu.memory_space<vmem>>
        %get3A_514 = arith.index_cast %add3A_508 : i32 to index
        %get3A_515 = arith.constant 0 : index
        %get3A_516 = tpu.vector_load %get3A_513[%get3A_514, %get3A_515] {strides = array<i32>} : memref<256x64xf32, #tpu.memory_space<vmem>>, vector<16xf32>,
        %mul3A_517 = arith.constant 8.000000e+00 : f32
        %mul3A_518 = vector.broadcast %mul3A_517 : f32 to vector<16xf32>
        %mul3A_519 = arith.mulf %get3A_516, %mul3A_518 : vector<16xf32>
        %scatter3A_520 = arith.constant 0 : i32
        %scatter3A_521 = arith.constant 0 : i32
        %scatter3A_522 = arith.constant 0 : i32
        %scatter3A_523 = arith.constant 0 : i32
        %scatter3A_524 = tpu.memref_slice %arg7[%scan3A_208, %scatter3A_520, %scatter3A_521, %scatter3A_522, %scatter3A_523] : memref<2x2x8x8x129xf32, #tpu.memory_space<vmem>> -> memref<1x2x8x8x129xf32, #tpu.memory_space<vmem>>
        %scatter3A_525 = tpu.memref_squeeze %scatter3A_524 : memref<1x2x8x8x129xf32, #tpu.memory_space<vmem>> -> memref<2x8x8x129xf32, #tpu.memory_space<vmem>>
        tpu.vector_store_idx %scatter3A_525[%broadcast_in_dim3A_206, %shift_right_arithmetic3A_5, %and3A_25, %broadcast_in_dim3A_509], %mul3A_519 : memref<2x8x8x129xf32, #tpu.memory_space<vmem>>[vector<16xi32>, vector<16xi32>, vector<16xi32>, vector<16xi32>], vector<16xf32>,
        %get3A_526 = arith.constant 0 : i32
        %get3A_527 = arith.constant 0 : i32
        %get3A_528 = tpu.memref_slice %arg6[%scan3A_207, %get3A_526, %get3A_527] : memref<2x256x64xf32, #tpu.memory_space<vmem>> -> memref<1x256x64xf32, #tpu.memory_space<vmem>>
        %get3A_529 = tpu.memref_squeeze %get3A_528 : memref<1x256x64xf32, #tpu.memory_space<vmem>> -> memref<256x64xf32, #tpu.memory_space<vmem>>
        %get3A_530 = arith.index_cast %add3A_508 : i32 to index
        %get3A_531 = arith.constant 16 : index
        %get3A_532 = tpu.vector_load %get3A_529[%get3A_530, %get3A_531] {strides = array<i32>} : memref<256x64xf32, #tpu.memory_space<vmem>>, vector<16xf32>,
        %mul3A_533 = arith.constant 8.000000e+00 : f32
        %mul3A_534 = vector.broadcast %mul3A_533 : f32 to vector<16xf32>
        %mul3A_535 = arith.mulf %get3A_532, %mul3A_534 : vector<16xf32>
        %scatter3A_536 = arith.constant 0 : i32
        %scatter3A_537 = arith.constant 0 : i32
        %scatter3A_538 = arith.constant 0 : i32
        %scatter3A_539 = arith.constant 0 : i32
        %scatter3A_540 = tpu.memref_slice %arg7[%scan3A_208, %scatter3A_536, %scatter3A_537, %scatter3A_538, %scatter3A_539] : memref<2x2x8x8x129xf32, #tpu.memory_space<vmem>> -> memref<1x2x8x8x129xf32, #tpu.memory_space<vmem>>
        %scatter3A_541 = tpu.memref_squeeze %scatter3A_540 : memref<1x2x8x8x129xf32, #tpu.memory_space<vmem>> -> memref<2x8x8x129xf32, #tpu.memory_space<vmem>>
        tpu.vector_store_idx %scatter3A_541[%broadcast_in_dim3A_206, %shift_right_arithmetic3A_11, %and3A_25, %broadcast_in_dim3A_509], %mul3A_535 : memref<2x8x8x129xf32, #tpu.memory_space<vmem>>[vector<16xi32>, vector<16xi32>, vector<16xi32>, vector<16xi32>], vector<16xf32>,
        %get3A_542 = arith.constant 0 : i32
        %get3A_543 = arith.constant 0 : i32
        %get3A_544 = tpu.memref_slice %arg6[%scan3A_207, %get3A_542, %get3A_543] : memref<2x256x64xf32, #tpu.memory_space<vmem>> -> memref<1x256x64xf32, #tpu.memory_space<vmem>>
        %get3A_545 = tpu.memref_squeeze %get3A_544 : memref<1x256x64xf32, #tpu.memory_space<vmem>> -> memref<256x64xf32, #tpu.memory_space<vmem>>
        %get3A_546 = arith.index_cast %add3A_508 : i32 to index
        %get3A_547 = arith.constant 32 : index
        %get3A_548 = tpu.vector_load %get3A_545[%get3A_546, %get3A_547] {strides = array<i32>} : memref<256x64xf32, #tpu.memory_space<vmem>>, vector<16xf32>,
        %mul3A_549 = arith.constant 8.000000e+00 : f32
        %mul3A_550 = vector.broadcast %mul3A_549 : f32 to vector<16xf32>
        %mul3A_551 = arith.mulf %get3A_548, %mul3A_550 : vector<16xf32>
        %scatter3A_552 = arith.constant 0 : i32
        %scatter3A_553 = arith.constant 0 : i32
        %scatter3A_554 = arith.constant 0 : i32
        %scatter3A_555 = arith.constant 0 : i32
        %scatter3A_556 = tpu.memref_slice %arg7[%scan3A_208, %scatter3A_552, %scatter3A_553, %scatter3A_554, %scatter3A_555] : memref<2x2x8x8x129xf32, #tpu.memory_space<vmem>> -> memref<1x2x8x8x129xf32, #tpu.memory_space<vmem>>
        %scatter3A_557 = tpu.memref_squeeze %scatter3A_556 : memref<1x2x8x8x129xf32, #tpu.memory_space<vmem>> -> memref<2x8x8x129xf32, #tpu.memory_space<vmem>>
        tpu.vector_store_idx %scatter3A_557[%broadcast_in_dim3A_206, %shift_right_arithmetic3A_17, %and3A_25, %broadcast_in_dim3A_509], %mul3A_551 : memref<2x8x8x129xf32, #tpu.memory_space<vmem>>[vector<16xi32>, vector<16xi32>, vector<16xi32>, vector<16xi32>], vector<16xf32>,
        %get3A_558 = arith.constant 0 : i32
        %get3A_559 = arith.constant 0 : i32
        %get3A_560 = tpu.memref_slice %arg6[%scan3A_207, %get3A_558, %get3A_559] : memref<2x256x64xf32, #tpu.memory_space<vmem>> -> memref<1x256x64xf32, #tpu.memory_space<vmem>>
        %get3A_561 = tpu.memref_squeeze %get3A_560 : memref<1x256x64xf32, #tpu.memory_space<vmem>> -> memref<256x64xf32, #tpu.memory_space<vmem>>
        %get3A_562 = arith.index_cast %add3A_508 : i32 to index
        %get3A_563 = arith.constant 48 : index
        %get3A_564 = tpu.vector_load %get3A_561[%get3A_562, %get3A_563] {strides = array<i32>} : memref<256x64xf32, #tpu.memory_space<vmem>>, vector<16xf32>,
        %mul3A_565 = arith.constant 8.000000e+00 : f32
        %mul3A_566 = vector.broadcast %mul3A_565 : f32 to vector<16xf32>
        %mul3A_567 = arith.mulf %get3A_564, %mul3A_566 : vector<16xf32>
        %scatter3A_568 = arith.constant 0 : i32
        %scatter3A_569 = arith.constant 0 : i32
        %scatter3A_570 = arith.constant 0 : i32
        %scatter3A_571 = arith.constant 0 : i32
        %scatter3A_572 = tpu.memref_slice %arg7[%scan3A_208, %scatter3A_568, %scatter3A_569, %scatter3A_570, %scatter3A_571] : memref<2x2x8x8x129xf32, #tpu.memory_space<vmem>> -> memref<1x2x8x8x129xf32, #tpu.memory_space<vmem>>
        %scatter3A_573 = tpu.memref_squeeze %scatter3A_572 : memref<1x2x8x8x129xf32, #tpu.memory_space<vmem>> -> memref<2x8x8x129xf32, #tpu.memory_space<vmem>>
        tpu.vector_store_idx %scatter3A_573[%broadcast_in_dim3A_206, %shift_right_arithmetic3A_23, %and3A_25, %broadcast_in_dim3A_509], %mul3A_567 : memref<2x8x8x129xf32, #tpu.memory_space<vmem>>[vector<16xi32>, vector<16xi32>, vector<16xi32>, vector<16xi32>], vector<16xf32>,
        %scan3A_574 = arith.constant 2 : i32
        %scan3A_575 = arith.addi %scan3A_431, %scan3A_574 : i32
        %mul3A_576 = arith.constant 1 : i32
        %mul3A_577 = arith.muli %scan3A_575, %mul3A_576 : i32
        %add3A_578 = arith.constant 0 : i32
        %add3A_579 = arith.addi %add3A_578, %mul3A_577 : i32
        %add3A_580 = arith.constant 128 : i32
        %add3A_581 = arith.addi %add3A_580, %add3A_579 : i32
        %broadcast_in_dim3A_582 = vector.broadcast %add3A_579 : i32 to vector<16xi32>
        %get3A_583 = arith.constant 0 : i32
        %get3A_584 = arith.constant 0 : i32
        %get3A_585 = tpu.memref_slice %arg6[%scan3A_207, %get3A_583, %get3A_584] : memref<2x256x64xf32, #tpu.memory_space<vmem>> -> memref<1x256x64xf32, #tpu.memory_space<vmem>>
        %get3A_586 = tpu.memref_squeeze %get3A_585 : memref<1x256x64xf32, #tpu.memory_space<vmem>> -> memref<256x64xf32, #tpu.memory_space<vmem>>
        %get3A_587 = arith.index_cast %add3A_581 : i32 to index
        %get3A_588 = arith.constant 0 : index
        %get3A_589 = tpu.vector_load %get3A_586[%get3A_587, %get3A_588] {strides = array<i32>} : memref<256x64xf32, #tpu.memory_space<vmem>>, vector<16xf32>,
        %mul3A_590 = arith.constant 8.000000e+00 : f32
        %mul3A_591 = vector.broadcast %mul3A_590 : f32 to vector<16xf32>
        %mul3A_592 = arith.mulf %get3A_589, %mul3A_591 : vector<16xf32>
        %scatter3A_593 = arith.constant 0 : i32
        %scatter3A_594 = arith.constant 0 : i32
        %scatter3A_595 = arith.constant 0 : i32
        %scatter3A_596 = arith.constant 0 : i32
        %scatter3A_597 = tpu.memref_slice %arg7[%scan3A_208, %scatter3A_593, %scatter3A_594, %scatter3A_595, %scatter3A_596] : memref<2x2x8x8x129xf32, #tpu.memory_space<vmem>> -> memref<1x2x8x8x129xf32, #tpu.memory_space<vmem>>
        %scatter3A_598 = tpu.memref_squeeze %scatter3A_597 : memref<1x2x8x8x129xf32, #tpu.memory_space<vmem>> -> memref<2x8x8x129xf32, #tpu.memory_space<vmem>>
        tpu.vector_store_idx %scatter3A_598[%broadcast_in_dim3A_206, %shift_right_arithmetic3A_5, %and3A_25, %broadcast_in_dim3A_582], %mul3A_592 : memref<2x8x8x129xf32, #tpu.memory_space<vmem>>[vector<16xi32>, vector<16xi32>, vector<16xi32>, vector<16xi32>], vector<16xf32>,
        %get3A_599 = arith.constant 0 : i32
        %get3A_600 = arith.constant 0 : i32
        %get3A_601 = tpu.memref_slice %arg6[%scan3A_207, %get3A_599, %get3A_600] : memref<2x256x64xf32, #tpu.memory_space<vmem>> -> memref<1x256x64xf32, #tpu.memory_space<vmem>>
        %get3A_602 = tpu.memref_squeeze %get3A_601 : memref<1x256x64xf32, #tpu.memory_space<vmem>> -> memref<256x64xf32, #tpu.memory_space<vmem>>
        %get3A_603 = arith.index_cast %add3A_581 : i32 to index
        %get3A_604 = arith.constant 16 : index
        %get3A_605 = tpu.vector_load %get3A_602[%get3A_603, %get3A_604] {strides = array<i32>} : memref<256x64xf32, #tpu.memory_space<vmem>>, vector<16xf32>,
        %mul3A_606 = arith.constant 8.000000e+00 : f32
        %mul3A_607 = vector.broadcast %mul3A_606 : f32 to vector<16xf32>
        %mul3A_608 = arith.mulf %get3A_605, %mul3A_607 : vector<16xf32>
        %scatter3A_609 = arith.constant 0 : i32
        %scatter3A_610 = arith.constant 0 : i32
        %scatter3A_611 = arith.constant 0 : i32
        %scatter3A_612 = arith.constant 0 : i32
        %scatter3A_613 = tpu.memref_slice %arg7[%scan3A_208, %scatter3A_609, %scatter3A_610, %scatter3A_611, %scatter3A_612] : memref<2x2x8x8x129xf32, #tpu.memory_space<vmem>> -> memref<1x2x8x8x129xf32, #tpu.memory_space<vmem>>
        %scatter3A_614 = tpu.memref_squeeze %scatter3A_613 : memref<1x2x8x8x129xf32, #tpu.memory_space<vmem>> -> memref<2x8x8x129xf32, #tpu.memory_space<vmem>>
        tpu.vector_store_idx %scatter3A_614[%broadcast_in_dim3A_206, %shift_right_arithmetic3A_11, %and3A_25, %broadcast_in_dim3A_582], %mul3A_608 : memref<2x8x8x129xf32, #tpu.memory_space<vmem>>[vector<16xi32>, vector<16xi32>, vector<16xi32>, vector<16xi32>], vector<16xf32>,
        %get3A_615 = arith.constant 0 : i32
        %get3A_616 = arith.constant 0 : i32
        %get3A_617 = tpu.memref_slice %arg6[%scan3A_207, %get3A_615, %get3A_616] : memref<2x256x64xf32, #tpu.memory_space<vmem>> -> memref<1x256x64xf32, #tpu.memory_space<vmem>>
        %get3A_618 = tpu.memref_squeeze %get3A_617 : memref<1x256x64xf32, #tpu.memory_space<vmem>> -> memref<256x64xf32, #tpu.memory_space<vmem>>
        %get3A_619 = arith.index_cast %add3A_581 : i32 to index
        %get3A_620 = arith.constant 32 : index
        %get3A_621 = tpu.vector_load %get3A_618[%get3A_619, %get3A_620] {strides = array<i32>} : memref<256x64xf32, #tpu.memory_space<vmem>>, vector<16xf32>,
        %mul3A_622 = arith.constant 8.000000e+00 : f32
        %mul3A_623 = vector.broadcast %mul3A_622 : f32 to vector<16xf32>
        %mul3A_624 = arith.mulf %get3A_621, %mul3A_623 : vector<16xf32>
        %scatter3A_625 = arith.constant 0 : i32
        %scatter3A_626 = arith.constant 0 : i32
        %scatter3A_627 = arith.constant 0 : i32
        %scatter3A_628 = arith.constant 0 : i32
        %scatter3A_629 = tpu.memref_slice %arg7[%scan3A_208, %scatter3A_625, %scatter3A_626, %scatter3A_627, %scatter3A_628] : memref<2x2x8x8x129xf32, #tpu.memory_space<vmem>> -> memref<1x2x8x8x129xf32, #tpu.memory_space<vmem>>
        %scatter3A_630 = tpu.memref_squeeze %scatter3A_629 : memref<1x2x8x8x129xf32, #tpu.memory_space<vmem>> -> memref<2x8x8x129xf32, #tpu.memory_space<vmem>>
        tpu.vector_store_idx %scatter3A_630[%broadcast_in_dim3A_206, %shift_right_arithmetic3A_17, %and3A_25, %broadcast_in_dim3A_582], %mul3A_624 : memref<2x8x8x129xf32, #tpu.memory_space<vmem>>[vector<16xi32>, vector<16xi32>, vector<16xi32>, vector<16xi32>], vector<16xf32>,
        %get3A_631 = arith.constant 0 : i32
        %get3A_632 = arith.constant 0 : i32
        %get3A_633 = tpu.memref_slice %arg6[%scan3A_207, %get3A_631, %get3A_632] : memref<2x256x64xf32, #tpu.memory_space<vmem>> -> memref<1x256x64xf32, #tpu.memory_space<vmem>>
        %get3A_634 = tpu.memref_squeeze %get3A_633 : memref<1x256x64xf32, #tpu.memory_space<vmem>> -> memref<256x64xf32, #tpu.memory_space<vmem>>
        %get3A_635 = arith.index_cast %add3A_581 : i32 to index
        %get3A_636 = arith.constant 48 : index
        %get3A_637 = tpu.vector_load %get3A_634[%get3A_635, %get3A_636] {strides = array<i32>} : memref<256x64xf32, #tpu.memory_space<vmem>>, vector<16xf32>,
        %mul3A_638 = arith.constant 8.000000e+00 : f32
        %mul3A_639 = vector.broadcast %mul3A_638 : f32 to vector<16xf32>
        %mul3A_640 = arith.mulf %get3A_637, %mul3A_639 : vector<16xf32>
        %scatter3A_641 = arith.constant 0 : i32
        %scatter3A_642 = arith.constant 0 : i32
        %scatter3A_643 = arith.constant 0 : i32
        %scatter3A_644 = arith.constant 0 : i32
        %scatter3A_645 = tpu.memref_slice %arg7[%scan3A_208, %scatter3A_641, %scatter3A_642, %scatter3A_643, %scatter3A_644] : memref<2x2x8x8x129xf32, #tpu.memory_space<vmem>> -> memref<1x2x8x8x129xf32, #tpu.memory_space<vmem>>
        %scatter3A_646 = tpu.memref_squeeze %scatter3A_645 : memref<1x2x8x8x129xf32, #tpu.memory_space<vmem>> -> memref<2x8x8x129xf32, #tpu.memory_space<vmem>>
        tpu.vector_store_idx %scatter3A_646[%broadcast_in_dim3A_206, %shift_right_arithmetic3A_23, %and3A_25, %broadcast_in_dim3A_582], %mul3A_640 : memref<2x8x8x129xf32, #tpu.memory_space<vmem>>[vector<16xi32>, vector<16xi32>, vector<16xi32>, vector<16xi32>], vector<16xf32>,
        %scan3A_647 = arith.constant 3 : i32
        %scan3A_648 = arith.addi %scan3A_431, %scan3A_647 : i32
        %mul3A_649 = arith.constant 1 : i32
        %mul3A_650 = arith.muli %scan3A_648, %mul3A_649 : i32
        %add3A_651 = arith.constant 0 : i32
        %add3A_652 = arith.addi %add3A_651, %mul3A_650 : i32
        %add3A_653 = arith.constant 128 : i32
        %add3A_654 = arith.addi %add3A_653, %add3A_652 : i32
        %broadcast_in_dim3A_655 = vector.broadcast %add3A_652 : i32 to vector<16xi32>
        %get3A_656 = arith.constant 0 : i32
        %get3A_657 = arith.constant 0 : i32
        %get3A_658 = tpu.memref_slice %arg6[%scan3A_207, %get3A_656, %get3A_657] : memref<2x256x64xf32, #tpu.memory_space<vmem>> -> memref<1x256x64xf32, #tpu.memory_space<vmem>>
        %get3A_659 = tpu.memref_squeeze %get3A_658 : memref<1x256x64xf32, #tpu.memory_space<vmem>> -> memref<256x64xf32, #tpu.memory_space<vmem>>
        %get3A_660 = arith.index_cast %add3A_654 : i32 to index
        %get3A_661 = arith.constant 0 : index
        %get3A_662 = tpu.vector_load %get3A_659[%get3A_660, %get3A_661] {strides = array<i32>} : memref<256x64xf32, #tpu.memory_space<vmem>>, vector<16xf32>,
        %mul3A_663 = arith.constant 8.000000e+00 : f32
        %mul3A_664 = vector.broadcast %mul3A_663 : f32 to vector<16xf32>
        %mul3A_665 = arith.mulf %get3A_662, %mul3A_664 : vector<16xf32>
        %scatter3A_666 = arith.constant 0 : i32
        %scatter3A_667 = arith.constant 0 : i32
        %scatter3A_668 = arith.constant 0 : i32
        %scatter3A_669 = arith.constant 0 : i32
        %scatter3A_670 = tpu.memref_slice %arg7[%scan3A_208, %scatter3A_666, %scatter3A_667, %scatter3A_668, %scatter3A_669] : memref<2x2x8x8x129xf32, #tpu.memory_space<vmem>> -> memref<1x2x8x8x129xf32, #tpu.memory_space<vmem>>
        %scatter3A_671 = tpu.memref_squeeze %scatter3A_670 : memref<1x2x8x8x129xf32, #tpu.memory_space<vmem>> -> memref<2x8x8x129xf32, #tpu.memory_space<vmem>>
        tpu.vector_store_idx %scatter3A_671[%broadcast_in_dim3A_206, %shift_right_arithmetic3A_5, %and3A_25, %broadcast_in_dim3A_655], %mul3A_665 : memref<2x8x8x129xf32, #tpu.memory_space<vmem>>[vector<16xi32>, vector<16xi32>, vector<16xi32>, vector<16xi32>], vector<16xf32>,
        %get3A_672 = arith.constant 0 : i32
        %get3A_673 = arith.constant 0 : i32
        %get3A_674 = tpu.memref_slice %arg6[%scan3A_207, %get3A_672, %get3A_673] : memref<2x256x64xf32, #tpu.memory_space<vmem>> -> memref<1x256x64xf32, #tpu.memory_space<vmem>>
        %get3A_675 = tpu.memref_squeeze %get3A_674 : memref<1x256x64xf32, #tpu.memory_space<vmem>> -> memref<256x64xf32, #tpu.memory_space<vmem>>
        %get3A_676 = arith.index_cast %add3A_654 : i32 to index
        %get3A_677 = arith.constant 16 : index
        %get3A_678 = tpu.vector_load %get3A_675[%get3A_676, %get3A_677] {strides = array<i32>} : memref<256x64xf32, #tpu.memory_space<vmem>>, vector<16xf32>,
        %mul3A_679 = arith.constant 8.000000e+00 : f32
        %mul3A_680 = vector.broadcast %mul3A_679 : f32 to vector<16xf32>
        %mul3A_681 = arith.mulf %get3A_678, %mul3A_680 : vector<16xf32>
        %scatter3A_682 = arith.constant 0 : i32
        %scatter3A_683 = arith.constant 0 : i32
        %scatter3A_684 = arith.constant 0 : i32
        %scatter3A_685 = arith.constant 0 : i32
        %scatter3A_686 = tpu.memref_slice %arg7[%scan3A_208, %scatter3A_682, %scatter3A_683, %scatter3A_684, %scatter3A_685] : memref<2x2x8x8x129xf32, #tpu.memory_space<vmem>> -> memref<1x2x8x8x129xf32, #tpu.memory_space<vmem>>
        %scatter3A_687 = tpu.memref_squeeze %scatter3A_686 : memref<1x2x8x8x129xf32, #tpu.memory_space<vmem>> -> memref<2x8x8x129xf32, #tpu.memory_space<vmem>>
        tpu.vector_store_idx %scatter3A_687[%broadcast_in_dim3A_206, %shift_right_arithmetic3A_11, %and3A_25, %broadcast_in_dim3A_655], %mul3A_681 : memref<2x8x8x129xf32, #tpu.memory_space<vmem>>[vector<16xi32>, vector<16xi32>, vector<16xi32>, vector<16xi32>], vector<16xf32>,
        %get3A_688 = arith.constant 0 : i32
        %get3A_689 = arith.constant 0 : i32
        %get3A_690 = tpu.memref_slice %arg6[%scan3A_207, %get3A_688, %get3A_689] : memref<2x256x64xf32, #tpu.memory_space<vmem>> -> memref<1x256x64xf32, #tpu.memory_space<vmem>>
        %get3A_691 = tpu.memref_squeeze %get3A_690 : memref<1x256x64xf32, #tpu.memory_space<vmem>> -> memref<256x64xf32, #tpu.memory_space<vmem>>
        %get3A_692 = arith.index_cast %add3A_654 : i32 to index
        %get3A_693 = arith.constant 32 : index
        %get3A_694 = tpu.vector_load %get3A_691[%get3A_692, %get3A_693] {strides = array<i32>} : memref<256x64xf32, #tpu.memory_space<vmem>>, vector<16xf32>,
        %mul3A_695 = arith.constant 8.000000e+00 : f32
        %mul3A_696 = vector.broadcast %mul3A_695 : f32 to vector<16xf32>
        %mul3A_697 = arith.mulf %get3A_694, %mul3A_696 : vector<16xf32>
        %scatter3A_698 = arith.constant 0 : i32
        %scatter3A_699 = arith.constant 0 : i32
        %scatter3A_700 = arith.constant 0 : i32
        %scatter3A_701 = arith.constant 0 : i32
        %scatter3A_702 = tpu.memref_slice %arg7[%scan3A_208, %scatter3A_698, %scatter3A_699, %scatter3A_700, %scatter3A_701] : memref<2x2x8x8x129xf32, #tpu.memory_space<vmem>> -> memref<1x2x8x8x129xf32, #tpu.memory_space<vmem>>
        %scatter3A_703 = tpu.memref_squeeze %scatter3A_702 : memref<1x2x8x8x129xf32, #tpu.memory_space<vmem>> -> memref<2x8x8x129xf32, #tpu.memory_space<vmem>>
        tpu.vector_store_idx %scatter3A_703[%broadcast_in_dim3A_206, %shift_right_arithmetic3A_17, %and3A_25, %broadcast_in_dim3A_655], %mul3A_697 : memref<2x8x8x129xf32, #tpu.memory_space<vmem>>[vector<16xi32>, vector<16xi32>, vector<16xi32>, vector<16xi32>], vector<16xf32>,
        %get3A_704 = arith.constant 0 : i32
        %get3A_705 = arith.constant 0 : i32
        %get3A_706 = tpu.memref_slice %arg6[%scan3A_207, %get3A_704, %get3A_705] : memref<2x256x64xf32, #tpu.memory_space<vmem>> -> memref<1x256x64xf32, #tpu.memory_space<vmem>>
        %get3A_707 = tpu.memref_squeeze %get3A_706 : memref<1x256x64xf32, #tpu.memory_space<vmem>> -> memref<256x64xf32, #tpu.memory_space<vmem>>
        %get3A_708 = arith.index_cast %add3A_654 : i32 to index
        %get3A_709 = arith.constant 48 : index
        %get3A_710 = tpu.vector_load %get3A_707[%get3A_708, %get3A_709] {strides = array<i32>} : memref<256x64xf32, #tpu.memory_space<vmem>>, vector<16xf32>,
        %mul3A_711 = arith.constant 8.000000e+00 : f32
        %mul3A_712 = vector.broadcast %mul3A_711 : f32 to vector<16xf32>
        %mul3A_713 = arith.mulf %get3A_710, %mul3A_712 : vector<16xf32>
        %scatter3A_714 = arith.constant 0 : i32
        %scatter3A_715 = arith.constant 0 : i32
        %scatter3A_716 = arith.constant 0 : i32
        %scatter3A_717 = arith.constant 0 : i32
        %scatter3A_718 = tpu.memref_slice %arg7[%scan3A_208, %scatter3A_714, %scatter3A_715, %scatter3A_716, %scatter3A_717] : memref<2x2x8x8x129xf32, #tpu.memory_space<vmem>> -> memref<1x2x8x8x129xf32, #tpu.memory_space<vmem>>
        %scatter3A_719 = tpu.memref_squeeze %scatter3A_718 : memref<1x2x8x8x129xf32, #tpu.memory_space<vmem>> -> memref<2x8x8x129xf32, #tpu.memory_space<vmem>>
        tpu.vector_store_idx %scatter3A_719[%broadcast_in_dim3A_206, %shift_right_arithmetic3A_23, %and3A_25, %broadcast_in_dim3A_655], %mul3A_713 : memref<2x8x8x129xf32, #tpu.memory_space<vmem>>[vector<16xi32>, vector<16xi32>, vector<16xi32>, vector<16xi32>], vector<16xf32>,
      }
      %scan3A_213 = arith.constant 128 : i32
      %mul3A_214 = arith.constant 4 : i32
      %mul3A_215 = arith.muli %mul3A_214, %add3A : i32
      %add3A_216 = arith.constant 0 : i32
      %add3A_217 = arith.addi %mul3A_215, %add3A_216 : i32
      %add3A_218 = arith.constant 0 : i32
      %add3A_219 = arith.addi %add3A_217, %add3A_218 : i32
      %dma_start3A_220 = arith.constant 0 : i32
      %dma_start3A_221 = arith.constant 0 : i32
      %dma_start3A_222 = arith.constant 0 : i32
      %dma_start3A_223 = arith.constant 0 : i32
      %dma_start3A_224 = arith.constant 0 : i32
      %dma_start3A_225 = arith.constant 0 : i32
      %dma_start3A_226 = tpu.memref_slice %arg7[%dma_start3A_220, %dma_start3A_222, %dma_start3A_223, %dma_start3A_224, %dma_start3A_225] : memref<2x2x8x8x129xf32, #tpu.memory_space<vmem>> -> memref<1x2x8x8x129xf32, #tpu.memory_space<vmem>>
      %dma_start3A_227 = tpu.memref_squeeze %dma_start3A_226 : memref<1x2x8x8x129xf32, #tpu.memory_space<vmem>> -> memref<2x8x8x129xf32, #tpu.memory_space<vmem>>
      %dma_start3A_228 = arith.constant 0 : i32
      %dma_start3A_229 = arith.constant 0 : i32
      %dma_start3A_230 = arith.constant 0 : i32
      %dma_start3A_231 = tpu.memref_slice %dma_start3A_227[%dma_start3A_221, %dma_start3A_228, %dma_start3A_229, %dma_start3A_230] : memref<2x8x8x129xf32, #tpu.memory_space<vmem>> -> memref<1x8x8x128xf32, #tpu.memory_space<vmem>>
      %dma_start3A_232 = tpu.memref_squeeze %dma_start3A_231 : memref<1x8x8x128xf32, #tpu.memory_space<vmem>> -> memref<8x8x128xf32, #tpu.memory_space<vmem>>
      %dma_start3A_233 = arith.constant 0 : i32
      %dma_start3A_234 = arith.constant 0 : i32
      %dma_start3A_235 = arith.constant 0 : i32
      %dma_start3A_236 = tpu.memref_slice %arg4[%add3A_158, %dma_start3A_233, %add3A_219, %dma_start3A_234, %dma_start3A_235] : memref<50x8x128x8x128xf32, #tpu.memory_space<hbm>> -> memref<1x8x1x8x128xf32, #tpu.memory_space<hbm>>
      %dma_start3A_237 = tpu.memref_squeeze %dma_start3A_236 : memref<1x8x1x8x128xf32, #tpu.memory_space<hbm>> -> memref<8x8x128xf32, #tpu.memory_space<hbm>>
      %dma_start3A_238 = arith.constant 0 : i32
      %dma_start3A_239 = arith.constant 0 : i32
      %dma_start3A_240 = arith.constant 0 : i32
      %dma_start3A_241 = tpu.memref_slice %arg4[%add3A_158, %dma_start3A_238, %add3A_219, %dma_start3A_239, %dma_start3A_240] : memref<50x8x128x8x128xf32, #tpu.memory_space<hbm>> -> memref<1x8x1x8x128xf32, #tpu.memory_space<hbm>>
      %dma_start3A_242 = tpu.memref_squeeze %dma_start3A_241 : memref<1x8x1x8x128xf32, #tpu.memory_space<hbm>> -> memref<8x8x128xf32, #tpu.memory_space<hbm>>
      %dma_start3A_243 = arith.constant 0 : i32
      %dma_start3A_244 = arith.constant 0 : i32
      %dma_start3A_245 = arith.constant 0 : i32
      %dma_start3A_246 = arith.constant 0 : i32
      %dma_start3A_247 = tpu.memref_slice %arg7[%dma_start3A_220, %dma_start3A_243, %dma_start3A_244, %dma_start3A_245, %dma_start3A_246] : memref<2x2x8x8x129xf32, #tpu.memory_space<vmem>> -> memref<1x2x8x8x129xf32, #tpu.memory_space<vmem>>
      %dma_start3A_248 = tpu.memref_squeeze %dma_start3A_247 : memref<1x2x8x8x129xf32, #tpu.memory_space<vmem>> -> memref<2x8x8x129xf32, #tpu.memory_space<vmem>>
      %dma_start3A_249 = arith.constant 0 : i32
      %dma_start3A_250 = arith.constant 0 : i32
      %dma_start3A_251 = arith.constant 0 : i32
      %dma_start3A_252 = tpu.memref_slice %dma_start3A_248[%dma_start3A_221, %dma_start3A_249, %dma_start3A_250, %dma_start3A_251] : memref<2x8x8x129xf32, #tpu.memory_space<vmem>> -> memref<1x8x8x128xf32, #tpu.memory_space<vmem>>
      %dma_start3A_253 = tpu.memref_squeeze %dma_start3A_252 : memref<1x8x8x128xf32, #tpu.memory_space<vmem>> -> memref<8x8x128xf32, #tpu.memory_space<vmem>>
      tpu.enqueue_dma source(%dma_start3A_253 : memref<8x8x128xf32, #tpu.memory_space<vmem>>) target(%dma_start3A_242 : memref<8x8x128xf32, #tpu.memory_space<hbm>>) target_semaphore(%arg10 : memref<!tpu.dma_semaphore, #tpu.memory_space<semaphore_mem>>)
      %add3A_254 = arith.constant 1 : i32
      %add3A_255 = arith.addi %add3A_217, %add3A_254 : i32
      %dma_start3A_256 = arith.constant 0 : i32
      %dma_start3A_257 = arith.constant 1 : i32
      %dma_start3A_258 = arith.constant 0 : i32
      %dma_start3A_259 = arith.constant 0 : i32
      %dma_start3A_260 = arith.constant 0 : i32
      %dma_start3A_261 = arith.constant 0 : i32
      %dma_start3A_262 = tpu.memref_slice %arg7[%dma_start3A_256, %dma_start3A_258, %dma_start3A_259, %dma_start3A_260, %dma_start3A_261] : memref<2x2x8x8x129xf32, #tpu.memory_space<vmem>> -> memref<1x2x8x8x129xf32, #tpu.memory_space<vmem>>
      %dma_start3A_263 = tpu.memref_squeeze %dma_start3A_262 : memref<1x2x8x8x129xf32, #tpu.memory_space<vmem>> -> memref<2x8x8x129xf32, #tpu.memory_space<vmem>>
      %dma_start3A_264 = arith.constant 0 : i32
      %dma_start3A_265 = arith.constant 0 : i32
      %dma_start3A_266 = arith.constant 0 : i32
      %dma_start3A_267 = tpu.memref_slice %dma_start3A_263[%dma_start3A_257, %dma_start3A_264, %dma_start3A_265, %dma_start3A_266] : memref<2x8x8x129xf32, #tpu.memory_space<vmem>> -> memref<1x8x8x128xf32, #tpu.memory_space<vmem>>
      %dma_start3A_268 = tpu.memref_squeeze %dma_start3A_267 : memref<1x8x8x128xf32, #tpu.memory_space<vmem>> -> memref<8x8x128xf32, #tpu.memory_space<vmem>>
      %dma_start3A_269 = arith.constant 0 : i32
      %dma_start3A_270 = arith.constant 0 : i32
      %dma_start3A_271 = arith.constant 0 : i32
      %dma_start3A_272 = tpu.memref_slice %arg4[%add3A_158, %dma_start3A_269, %add3A_255, %dma_start3A_270, %dma_start3A_271] : memref<50x8x128x8x128xf32, #tpu.memory_space<hbm>> -> memref<1x8x1x8x128xf32, #tpu.memory_space<hbm>>
      %dma_start3A_273 = tpu.memref_squeeze %dma_start3A_272 : memref<1x8x1x8x128xf32, #tpu.memory_space<hbm>> -> memref<8x8x128xf32, #tpu.memory_space<hbm>>
      %dma_start3A_274 = arith.constant 0 : i32
      %dma_start3A_275 = arith.constant 0 : i32
      %dma_start3A_276 = arith.constant 0 : i32
      %dma_start3A_277 = tpu.memref_slice %arg4[%add3A_158, %dma_start3A_274, %add3A_255, %dma_start3A_275, %dma_start3A_276] : memref<50x8x128x8x128xf32, #tpu.memory_space<hbm>> -> memref<1x8x1x8x128xf32, #tpu.memory_space<hbm>>
      %dma_start3A_278 = tpu.memref_squeeze %dma_start3A_277 : memref<1x8x1x8x128xf32, #tpu.memory_space<hbm>> -> memref<8x8x128xf32, #tpu.memory_space<hbm>>
      %dma_start3A_279 = arith.constant 0 : i32
      %dma_start3A_280 = arith.constant 0 : i32
      %dma_start3A_281 = arith.constant 0 : i32
      %dma_start3A_282 = arith.constant 0 : i32
      %dma_start3A_283 = tpu.memref_slice %arg7[%dma_start3A_256, %dma_start3A_279, %dma_start3A_280, %dma_start3A_281, %dma_start3A_282] : memref<2x2x8x8x129xf32, #tpu.memory_space<vmem>> -> memref<1x2x8x8x129xf32, #tpu.memory_space<vmem>>
      %dma_start3A_284 = tpu.memref_squeeze %dma_start3A_283 : memref<1x2x8x8x129xf32, #tpu.memory_space<vmem>> -> memref<2x8x8x129xf32, #tpu.memory_space<vmem>>
      %dma_start3A_285 = arith.constant 0 : i32
      %dma_start3A_286 = arith.constant 0 : i32
      %dma_start3A_287 = arith.constant 0 : i32
      %dma_start3A_288 = tpu.memref_slice %dma_start3A_284[%dma_start3A_257, %dma_start3A_285, %dma_start3A_286, %dma_start3A_287] : memref<2x8x8x129xf32, #tpu.memory_space<vmem>> -> memref<1x8x8x128xf32, #tpu.memory_space<vmem>>
      %dma_start3A_289 = tpu.memref_squeeze %dma_start3A_288 : memref<1x8x8x128xf32, #tpu.memory_space<vmem>> -> memref<8x8x128xf32, #tpu.memory_space<vmem>>
      tpu.enqueue_dma source(%dma_start3A_289 : memref<8x8x128xf32, #tpu.memory_space<vmem>>) target(%dma_start3A_278 : memref<8x8x128xf32, #tpu.memory_space<hbm>>) target_semaphore(%arg10 : memref<!tpu.dma_semaphore, #tpu.memory_space<semaphore_mem>>)
      %mul3A_290 = arith.constant 1 : i32
      %mul3A_291 = arith.muli %mul3A_290, %add3A_154 : i32
      %add3A_292 = arith.constant 0 : i32
      %add3A_293 = arith.addi %mul3A_291, %add3A_292 : i32
      %mul3A_294 = arith.constant 2 : i32
      %mul3A_295 = arith.muli %mul3A_294, %add3A_154 : i32
      %add3A_296 = arith.constant 1 : i32
      %add3A_297 = arith.addi %mul3A_295, %add3A_296 : i32
      %add3A_298 = arith.constant 2 : i32
      %add3A_299 = arith.addi %add3A_297, %add3A_298 : i32
      %sub3A_300 = arith.constant 1 : i32
      %sub3A_301 = arith.subi %add3A_299, %sub3A_300 : i32
      %lt3A_302 = arith.constant 100 : i32
      %lt3A_303 = arith.cmpi slt, %sub3A_301, %lt3A_302 : i32
      %convert_element_type3A_304 = arith.extui %lt3A_303 : i1 to i32
      %cond3A_305 = arith.constant 0 : i32
      %cond3A_306 = arith.cmpi ne, %convert_element_type3A_304, %cond3A_305 : i32
      scf.if %cond3A_306 {
        %jit3A = arith.constant 2 : i32
        %div3A = arith.divsi %sub3A_301, %jit3A : i32
        %sign3A = arith.constant 0 : i32
        %sign3A_431 = arith.cmpi sgt, %sub3A_301, %sign3A : i32
        %sign3A_432 = arith.extui %sign3A_431 : i1 to i32
        %sign3A_433 = arith.constant 0 : i32
        %sign3A_434 = arith.cmpi slt, %sub3A_301, %sign3A_433 : i32
        %sign3A_435 = arith.extui %sign3A_434 : i1 to i32
        %sign3A_436 = arith.subi %sign3A_432, %sign3A_435 : i32
        %sign3A_437 = arith.constant 0 : i32
        %sign3A_438 = arith.cmpi sgt, %jit3A, %sign3A_437 : i32
        %sign3A_439 = arith.extui %sign3A_438 : i1 to i32
        %sign3A_440 = arith.constant 0 : i32
        %sign3A_441 = arith.cmpi slt, %jit3A, %sign3A_440 : i32
        %sign3A_442 = arith.extui %sign3A_441 : i1 to i32
        %sign3A_443 = arith.subi %sign3A_439, %sign3A_442 : i32
        %ne3A = arith.cmpi ne, %sign3A_436, %sign3A_443 : i32
        %rem3A = arith.remsi %sub3A_301, %jit3A : i32
        %ne3A_444 = arith.constant 0 : i32
        %ne3A_445 = arith.cmpi ne, %rem3A, %ne3A_444 : i32
        %and3A_446 = arith.andi %ne3A, %ne3A_445 : i1
        %sub3A_447 = arith.constant 1 : i32
        %sub3A_448 = arith.subi %div3A, %sub3A_447 : i32
        %select_n3A = arith.select %and3A_446, %sub3A_448, %div3A : i32
        %jit3A_449 = arith.constant 2 : i32
        %eq3A = arith.constant 0 : i32
        %eq3A_450 = arith.cmpi eq, %jit3A_449, %eq3A : i32
        %jit3A_451 = arith.constant 1 : i32
        %select_n3A_452 = arith.select %eq3A_450, %jit3A_451, %jit3A_449 : i32
        %rem3A_453 = arith.remsi %sub3A_301, %select_n3A_452 : i32
        %ne3A_454 = arith.constant 0 : i32
        %ne3A_455 = arith.cmpi ne, %rem3A_453, %ne3A_454 : i32
        %lt3A_456 = arith.constant 0 : i32
        %lt3A_457 = arith.cmpi slt, %rem3A_453, %lt3A_456 : i32
        %lt3A_458 = arith.constant 0 : i32
        %lt3A_459 = arith.cmpi slt, %select_n3A_452, %lt3A_458 : i32
        %ne3A_460 = arith.xori %lt3A_457, %lt3A_459 : i1
        %and3A_461 = arith.andi %ne3A_460, %ne3A_455 : i1
        %add3A_462 = arith.addi %rem3A_453, %select_n3A_452 : i32
        %select_n3A_463 = arith.select %and3A_461, %add3A_462, %rem3A_453 : i32
        %mul3A_464 = arith.constant 256 : i32
        %mul3A_465 = arith.muli %mul3A_464, %select_n3A_463 : i32
        %add3A_466 = arith.constant 0 : i32
        %add3A_467 = arith.addi %mul3A_465, %add3A_466 : i32
        %dma_start3A_468 = arith.constant 0 : i32
        %dma_start3A_469 = arith.constant 0 : i32
        %dma_start3A_470 = arith.constant 0 : i32
        %dma_start3A_471 = tpu.memref_slice %arg6[%dma_start3A_468, %dma_start3A_469, %dma_start3A_470] : memref<2x256x64xf32, #tpu.memory_space<vmem>> -> memref<1x128x64xf32, #tpu.memory_space<vmem>>
        %dma_start3A_472 = tpu.memref_squeeze %dma_start3A_471 : memref<1x128x64xf32, #tpu.memory_space<vmem>> -> memref<128x64xf32, #tpu.memory_space<vmem>>
        %dma_start3A_473 = tpu.memref_slice %arg5[%select_n3A, %add3A_467] : memref<50x512xi32, #tpu.memory_space<vmem>> -> memref<1x128xi32, #tpu.memory_space<vmem>>
        %dma_start3A_474 = tpu.memref_squeeze %dma_start3A_473 : memref<1x128xi32, #tpu.memory_space<vmem>> -> memref<128xi32, #tpu.memory_space<vmem>>
        %dma_start3A_475 = arith.constant 0 : i32
        %dma_start3A_476 = arith.constant 0 : i32
        %dma_start3A_477 = tpu.memref_slice %arg3[%dma_start3A_475, %dma_start3A_476] : memref<1000000x64xf32, #tpu.memory_space<hbm>> -> memref<1000000x64xf32, #tpu.memory_space<hbm>>
        tpu.enqueue_indirect_dma source(%dma_start3A_477 : memref<1000000x64xf32, #tpu.memory_space<hbm>>) target(%dma_start3A_472 : memref<128x64xf32, #tpu.memory_space<vmem>>) offsets(%dma_start3A_474 : memref<128xi32, #tpu.memory_space<vmem>>) semaphore(%arg8 : memref<!tpu.dma_semaphore, #tpu.memory_space<semaphore_mem>>)
        %mul3A_478 = arith.constant 256 : i32
        %mul3A_479 = arith.muli %mul3A_478, %select_n3A_463 : i32
        %add3A_480 = arith.constant 128 : i32
        %add3A_481 = arith.addi %mul3A_479, %add3A_480 : i32
        %dma_start3A_482 = arith.constant 0 : i32
        %dma_start3A_483 = arith.constant 128 : i32
        %dma_start3A_484 = arith.constant 0 : i32
        %dma_start3A_485 = tpu.memref_slice %arg6[%dma_start3A_482, %dma_start3A_483, %dma_start3A_484] : memref<2x256x64xf32, #tpu.memory_space<vmem>> -> memref<1x128x64xf32, #tpu.memory_space<vmem>>
        %dma_start3A_486 = tpu.memref_squeeze %dma_start3A_485 : memref<1x128x64xf32, #tpu.memory_space<vmem>> -> memref<128x64xf32, #tpu.memory_space<vmem>>
        %dma_start3A_487 = tpu.memref_slice %arg5[%select_n3A, %add3A_481] : memref<50x512xi32, #tpu.memory_space<vmem>> -> memref<1x128xi32, #tpu.memory_space<vmem>>
        %dma_start3A_488 = tpu.memref_squeeze %dma_start3A_487 : memref<1x128xi32, #tpu.memory_space<vmem>> -> memref<128xi32, #tpu.memory_space<vmem>>
        %dma_start3A_489 = arith.constant 0 : i32
        %dma_start3A_490 = arith.constant 0 : i32
        %dma_start3A_491 = tpu.memref_slice %arg3[%dma_start3A_489, %dma_start3A_490] : memref<1000000x64xf32, #tpu.memory_space<hbm>> -> memref<1000000x64xf32, #tpu.memory_space<hbm>>
        tpu.enqueue_indirect_dma source(%dma_start3A_491 : memref<1000000x64xf32, #tpu.memory_space<hbm>>) target(%dma_start3A_486 : memref<128x64xf32, #tpu.memory_space<vmem>>) offsets(%dma_start3A_488 : memref<128xi32, #tpu.memory_space<vmem>>) semaphore(%arg8 : memref<!tpu.dma_semaphore, #tpu.memory_space<semaphore_mem>>)
      } else {
      }
      %dma_wait3A_307 = arith.constant 0 : i32
      %dma_wait3A_308 = arith.constant 1 : i32
      %dma_wait3A_309 = arith.constant 0 : i32
      %dma_wait3A_310 = arith.constant 0 : i32
      %dma_wait3A_311 = tpu.memref_slice %arg6[%dma_wait3A_308, %dma_wait3A_309, %dma_wait3A_310] : memref<2x256x64xf32, #tpu.memory_space<vmem>> -> memref<1x128x64xf32, #tpu.memory_space<vmem>>
      %dma_wait3A_312 = tpu.memref_squeeze %dma_wait3A_311 : memref<1x128x64xf32, #tpu.memory_space<vmem>> -> memref<128x64xf32, #tpu.memory_space<vmem>>
      %dma_wait3A_313 = arith.constant 0 : i32
      %dma_wait3A_314 = tpu.memref_slice %arg5[%dma_wait3A_307, %dma_wait3A_313] : memref<50x512xi32, #tpu.memory_space<vmem>> -> memref<1x128xi32, #tpu.memory_space<vmem>>
      %dma_wait3A_315 = tpu.memref_squeeze %dma_wait3A_314 : memref<1x128xi32, #tpu.memory_space<vmem>> -> memref<128xi32, #tpu.memory_space<vmem>>
      %dma_wait3A_316 = arith.constant 0 : i32
      %dma_wait3A_317 = arith.constant 0 : i32
      %dma_wait3A_318 = tpu.memref_slice %arg3[%dma_wait3A_316, %dma_wait3A_317] : memref<1000000x64xf32, #tpu.memory_space<hbm>> -> memref<1000000x64xf32, #tpu.memory_space<hbm>>
      tpu.wait_indirect_dma semaphore(%arg9 : memref<!tpu.dma_semaphore, #tpu.memory_space<semaphore_mem>>) src(%dma_wait3A_318 : memref<1000000x64xf32, #tpu.memory_space<hbm>>) dst(%dma_wait3A_312 : memref<128x64xf32, #tpu.memory_space<vmem>>)
      %dma_wait3A_319 = arith.constant 0 : i32
      %dma_wait3A_320 = arith.constant 1 : i32
      %dma_wait3A_321 = arith.constant 128 : i32
      %dma_wait3A_322 = arith.constant 0 : i32
      %dma_wait3A_323 = tpu.memref_slice %arg6[%dma_wait3A_320, %dma_wait3A_321, %dma_wait3A_322] : memref<2x256x64xf32, #tpu.memory_space<vmem>> -> memref<1x128x64xf32, #tpu.memory_space<vmem>>
      %dma_wait3A_324 = tpu.memref_squeeze %dma_wait3A_323 : memref<1x128x64xf32, #tpu.memory_space<vmem>> -> memref<128x64xf32, #tpu.memory_space<vmem>>
      %dma_wait3A_325 = arith.constant 128 : i32
      %dma_wait3A_326 = tpu.memref_slice %arg5[%dma_wait3A_319, %dma_wait3A_325] : memref<50x512xi32, #tpu.memory_space<vmem>> -> memref<1x128xi32, #tpu.memory_space<vmem>>
      %dma_wait3A_327 = tpu.memref_squeeze %dma_wait3A_326 : memref<1x128xi32, #tpu.memory_space<vmem>> -> memref<128xi32, #tpu.memory_space<vmem>>
      %dma_wait3A_328 = arith.constant 0 : i32
      %dma_wait3A_329 = arith.constant 0 : i32
      %dma_wait3A_330 = tpu.memref_slice %arg3[%dma_wait3A_328, %dma_wait3A_329] : memref<1000000x64xf32, #tpu.memory_space<hbm>> -> memref<1000000x64xf32, #tpu.memory_space<hbm>>
      tpu.wait_indirect_dma semaphore(%arg9 : memref<!tpu.dma_semaphore, #tpu.memory_space<semaphore_mem>>) src(%dma_wait3A_330 : memref<1000000x64xf32, #tpu.memory_space<hbm>>) dst(%dma_wait3A_324 : memref<128x64xf32, #tpu.memory_space<vmem>>)
      %gt3A_331 = arith.constant 0 : i32
      %gt3A_332 = arith.cmpi sgt, %add3A_154, %gt3A_331 : i32
      %convert_element_type3A_333 = arith.extui %gt3A_332 : i1 to i32
      %cond3A_334 = arith.constant 1 : i32
      %cond3A_335 = arith.constant 0 : i32
      %cond3A_336 = arith.cmpi ne, %convert_element_type3A_333, %cond3A_335 : i32
      scf.if %cond3A_336 {
        %dma_wait3A_431 = arith.constant 0 : i32
        %dma_wait3A_432 = arith.constant 0 : i32
        %dma_wait3A_433 = arith.constant 0 : i32
        %dma_wait3A_434 = arith.constant 0 : i32
        %dma_wait3A_435 = arith.constant 0 : i32
        %dma_wait3A_436 = arith.constant 0 : i32
        %dma_wait3A_437 = arith.constant 0 : i32
        %dma_wait3A_438 = tpu.memref_slice %arg7[%cond3A_334, %dma_wait3A_434, %dma_wait3A_435, %dma_wait3A_436, %dma_wait3A_437] : memref<2x2x8x8x129xf32, #tpu.memory_space<vmem>> -> memref<1x2x8x8x129xf32, #tpu.memory_space<vmem>>
        %dma_wait3A_439 = tpu.memref_squeeze %dma_wait3A_438 : memref<1x2x8x8x129xf32, #tpu.memory_space<vmem>> -> memref<2x8x8x129xf32, #tpu.memory_space<vmem>>
        %dma_wait3A_440 = arith.constant 0 : i32
        %dma_wait3A_441 = arith.constant 0 : i32
        %dma_wait3A_442 = arith.constant 0 : i32
        %dma_wait3A_443 = tpu.memref_slice %dma_wait3A_439[%dma_wait3A_431, %dma_wait3A_440, %dma_wait3A_441, %dma_wait3A_442] : memref<2x8x8x129xf32, #tpu.memory_space<vmem>> -> memref<1x8x8x128xf32, #tpu.memory_space<vmem>>
        %dma_wait3A_444 = tpu.memref_squeeze %dma_wait3A_443 : memref<1x8x8x128xf32, #tpu.memory_space<vmem>> -> memref<8x8x128xf32, #tpu.memory_space<vmem>>
        %dma_wait3A_445 = arith.constant 0 : i32
        %dma_wait3A_446 = arith.constant 0 : i32
        %dma_wait3A_447 = arith.constant 0 : i32
        %dma_wait3A_448 = tpu.memref_slice %arg4[%dma_wait3A_432, %dma_wait3A_445, %dma_wait3A_433, %dma_wait3A_446, %dma_wait3A_447] : memref<50x8x128x8x128xf32, #tpu.memory_space<hbm>> -> memref<1x8x1x8x128xf32, #tpu.memory_space<hbm>>
        %dma_wait3A_449 = tpu.memref_squeeze %dma_wait3A_448 : memref<1x8x1x8x128xf32, #tpu.memory_space<hbm>> -> memref<8x8x128xf32, #tpu.memory_space<hbm>>
        %dma_wait3A_450 = arith.constant 0 : i32
        %dma_wait3A_451 = arith.constant 0 : i32
        %dma_wait3A_452 = arith.constant 0 : i32
        %dma_wait3A_453 = tpu.memref_slice %arg4[%dma_wait3A_432, %dma_wait3A_450, %dma_wait3A_433, %dma_wait3A_451, %dma_wait3A_452] : memref<50x8x128x8x128xf32, #tpu.memory_space<hbm>> -> memref<1x8x1x8x128xf32, #tpu.memory_space<hbm>>
        %dma_wait3A_454 = tpu.memref_squeeze %dma_wait3A_453 : memref<1x8x1x8x128xf32, #tpu.memory_space<hbm>> -> memref<8x8x128xf32, #tpu.memory_space<hbm>>
        %dma_wait3A_455 = arith.constant 0 : i32
        %dma_wait3A_456 = arith.constant 0 : i32
        %dma_wait3A_457 = arith.constant 0 : i32
        %dma_wait3A_458 = arith.constant 0 : i32
        %dma_wait3A_459 = tpu.memref_slice %arg7[%cond3A_334, %dma_wait3A_455, %dma_wait3A_456, %dma_wait3A_457, %dma_wait3A_458] : memref<2x2x8x8x129xf32, #tpu.memory_space<vmem>> -> memref<1x2x8x8x129xf32, #tpu.memory_space<vmem>>
        %dma_wait3A_460 = tpu.memref_squeeze %dma_wait3A_459 : memref<1x2x8x8x129xf32, #tpu.memory_space<vmem>> -> memref<2x8x8x129xf32, #tpu.memory_space<vmem>>
        %dma_wait3A_461 = arith.constant 0 : i32
        %dma_wait3A_462 = arith.constant 0 : i32
        %dma_wait3A_463 = arith.constant 0 : i32
        %dma_wait3A_464 = tpu.memref_slice %dma_wait3A_460[%dma_wait3A_431, %dma_wait3A_461, %dma_wait3A_462, %dma_wait3A_463] : memref<2x8x8x129xf32, #tpu.memory_space<vmem>> -> memref<1x8x8x128xf32, #tpu.memory_space<vmem>>
        %dma_wait3A_465 = tpu.memref_squeeze %dma_wait3A_464 : memref<1x8x8x128xf32, #tpu.memory_space<vmem>> -> memref<8x8x128xf32, #tpu.memory_space<vmem>>
        tpu.wait_dma2 semaphore(%arg11 : memref<!tpu.dma_semaphore, #tpu.memory_space<semaphore_mem>>) src(%dma_wait3A_465 : memref<8x8x128xf32, #tpu.memory_space<vmem>>) dst(%dma_wait3A_454 : memref<8x8x128xf32, #tpu.memory_space<hbm>>)
        %dma_wait3A_466 = arith.constant 1 : i32
        %dma_wait3A_467 = arith.constant 0 : i32
        %dma_wait3A_468 = arith.constant 1 : i32
        %dma_wait3A_469 = arith.constant 0 : i32
        %dma_wait3A_470 = arith.constant 0 : i32
        %dma_wait3A_471 = arith.constant 0 : i32
        %dma_wait3A_472 = arith.constant 0 : i32
        %dma_wait3A_473 = tpu.memref_slice %arg7[%cond3A_334, %dma_wait3A_469, %dma_wait3A_470, %dma_wait3A_471, %dma_wait3A_472] : memref<2x2x8x8x129xf32, #tpu.memory_space<vmem>> -> memref<1x2x8x8x129xf32, #tpu.memory_space<vmem>>
        %dma_wait3A_474 = tpu.memref_squeeze %dma_wait3A_473 : memref<1x2x8x8x129xf32, #tpu.memory_space<vmem>> -> memref<2x8x8x129xf32, #tpu.memory_space<vmem>>
        %dma_wait3A_475 = arith.constant 0 : i32
        %dma_wait3A_476 = arith.constant 0 : i32
        %dma_wait3A_477 = arith.constant 0 : i32
        %dma_wait3A_478 = tpu.memref_slice %dma_wait3A_474[%dma_wait3A_466, %dma_wait3A_475, %dma_wait3A_476, %dma_wait3A_477] : memref<2x8x8x129xf32, #tpu.memory_space<vmem>> -> memref<1x8x8x128xf32, #tpu.memory_space<vmem>>
        %dma_wait3A_479 = tpu.memref_squeeze %dma_wait3A_478 : memref<1x8x8x128xf32, #tpu.memory_space<vmem>> -> memref<8x8x128xf32, #tpu.memory_space<vmem>>
        %dma_wait3A_480 = arith.constant 0 : i32
        %dma_wait3A_481 = arith.constant 0 : i32
        %dma_wait3A_482 = arith.constant 0 : i32
        %dma_wait3A_483 = tpu.memref_slice %arg4[%dma_wait3A_467, %dma_wait3A_480, %dma_wait3A_468, %dma_wait3A_481, %dma_wait3A_482] : memref<50x8x128x8x128xf32, #tpu.memory_space<hbm>> -> memref<1x8x1x8x128xf32, #tpu.memory_space<hbm>>
        %dma_wait3A_484 = tpu.memref_squeeze %dma_wait3A_483 : memref<1x8x1x8x128xf32, #tpu.memory_space<hbm>> -> memref<8x8x128xf32, #tpu.memory_space<hbm>>
        %dma_wait3A_485 = arith.constant 0 : i32
        %dma_wait3A_486 = arith.constant 0 : i32
        %dma_wait3A_487 = arith.constant 0 : i32
        %dma_wait3A_488 = tpu.memref_slice %arg4[%dma_wait3A_467, %dma_wait3A_485, %dma_wait3A_468, %dma_wait3A_486, %dma_wait3A_487] : memref<50x8x128x8x128xf32, #tpu.memory_space<hbm>> -> memref<1x8x1x8x128xf32, #tpu.memory_space<hbm>>
        %dma_wait3A_489 = tpu.memref_squeeze %dma_wait3A_488 : memref<1x8x1x8x128xf32, #tpu.memory_space<hbm>> -> memref<8x8x128xf32, #tpu.memory_space<hbm>>
        %dma_wait3A_490 = arith.constant 0 : i32
        %dma_wait3A_491 = arith.constant 0 : i32
        %dma_wait3A_492 = arith.constant 0 : i32
        %dma_wait3A_493 = arith.constant 0 : i32
        %dma_wait3A_494 = tpu.memref_slice %arg7[%cond3A_334, %dma_wait3A_490, %dma_wait3A_491, %dma_wait3A_492, %dma_wait3A_493] : memref<2x2x8x8x129xf32, #tpu.memory_space<vmem>> -> memref<1x2x8x8x129xf32, #tpu.memory_space<vmem>>
        %dma_wait3A_495 = tpu.memref_squeeze %dma_wait3A_494 : memref<1x2x8x8x129xf32, #tpu.memory_space<vmem>> -> memref<2x8x8x129xf32, #tpu.memory_space<vmem>>
        %dma_wait3A_496 = arith.constant 0 : i32
        %dma_wait3A_497 = arith.constant 0 : i32
        %dma_wait3A_498 = arith.constant 0 : i32
        %dma_wait3A_499 = tpu.memref_slice %dma_wait3A_495[%dma_wait3A_466, %dma_wait3A_496, %dma_wait3A_497, %dma_wait3A_498] : memref<2x8x8x129xf32, #tpu.memory_space<vmem>> -> memref<1x8x8x128xf32, #tpu.memory_space<vmem>>
        %dma_wait3A_500 = tpu.memref_squeeze %dma_wait3A_499 : memref<1x8x8x128xf32, #tpu.memory_space<vmem>> -> memref<8x8x128xf32, #tpu.memory_space<vmem>>
        tpu.wait_dma2 semaphore(%arg11 : memref<!tpu.dma_semaphore, #tpu.memory_space<semaphore_mem>>) src(%dma_wait3A_500 : memref<8x8x128xf32, #tpu.memory_space<vmem>>) dst(%dma_wait3A_489 : memref<8x8x128xf32, #tpu.memory_space<hbm>>)
      } else {
      }
      %broadcast_in_dim3A_337 = arith.constant 0 : i32
      %broadcast_in_dim3A_338 = vector.broadcast %broadcast_in_dim3A_337 : i32 to vector<16xi32>
      %scan3A_339 = arith.constant 1 : i32
      %scan3A_340 = arith.constant 1 : i32
      %scan3A_341 = arith.constant 0 : i32
      %scan3A_342 = arith.constant 128 : i32
      %scan3A_343 = arith.addi %scan3A_341, %scan3A_342 : i32
      %scan3A_344 = arith.constant 4 : i32
      scf.for %scan3A_431 = %scan3A_341 to %scan3A_343 step %scan3A_344  : i32 {
        %mul3A_432 = arith.constant 1 : i32
        %mul3A_433 = arith.muli %scan3A_431, %mul3A_432 : i32
        %add3A_434 = arith.constant 0 : i32
        %add3A_435 = arith.addi %add3A_434, %mul3A_433 : i32
        %add3A_436 = arith.constant 0 : i32
        %add3A_437 = arith.addi %add3A_436, %add3A_435 : i32
        %broadcast_in_dim3A_438 = vector.broadcast %add3A_435 : i32 to vector<16xi32>
        %get3A = arith.constant 0 : i32
        %get3A_439 = arith.constant 0 : i32
        %get3A_440 = tpu.memref_slice %arg6[%scan3A_339, %get3A, %get3A_439] : memref<2x256x64xf32, #tpu.memory_space<vmem>> -> memref<1x256x64xf32, #tpu.memory_space<vmem>>
        %get3A_441 = tpu.memref_squeeze %get3A_440 : memref<1x256x64xf32, #tpu.memory_space<vmem>> -> memref<256x64xf32, #tpu.memory_space<vmem>>
        %get3A_442 = arith.index_cast %add3A_437 : i32 to index
        %get3A_443 = arith.constant 0 : index
        %get3A_444 = tpu.vector_load %get3A_441[%get3A_442, %get3A_443] {strides = array<i32>} : memref<256x64xf32, #tpu.memory_space<vmem>>, vector<16xf32>,
        %mul3A_445 = arith.constant 8.000000e+00 : f32
        %mul3A_446 = vector.broadcast %mul3A_445 : f32 to vector<16xf32>
        %mul3A_447 = arith.mulf %get3A_444, %mul3A_446 : vector<16xf32>
        %scatter3A = arith.constant 0 : i32
        %scatter3A_448 = arith.constant 0 : i32
        %scatter3A_449 = arith.constant 0 : i32
        %scatter3A_450 = arith.constant 0 : i32
        %scatter3A_451 = tpu.memref_slice %arg7[%scan3A_340, %scatter3A, %scatter3A_448, %scatter3A_449, %scatter3A_450] : memref<2x2x8x8x129xf32, #tpu.memory_space<vmem>> -> memref<1x2x8x8x129xf32, #tpu.memory_space<vmem>>
        %scatter3A_452 = tpu.memref_squeeze %scatter3A_451 : memref<1x2x8x8x129xf32, #tpu.memory_space<vmem>> -> memref<2x8x8x129xf32, #tpu.memory_space<vmem>>
        tpu.vector_store_idx %scatter3A_452[%broadcast_in_dim3A_338, %shift_right_arithmetic3A_5, %and3A_25, %broadcast_in_dim3A_438], %mul3A_447 : memref<2x8x8x129xf32, #tpu.memory_space<vmem>>[vector<16xi32>, vector<16xi32>, vector<16xi32>, vector<16xi32>], vector<16xf32>,
        %get3A_453 = arith.constant 0 : i32
        %get3A_454 = arith.constant 0 : i32
        %get3A_455 = tpu.memref_slice %arg6[%scan3A_339, %get3A_453, %get3A_454] : memref<2x256x64xf32, #tpu.memory_space<vmem>> -> memref<1x256x64xf32, #tpu.memory_space<vmem>>
        %get3A_456 = tpu.memref_squeeze %get3A_455 : memref<1x256x64xf32, #tpu.memory_space<vmem>> -> memref<256x64xf32, #tpu.memory_space<vmem>>
        %get3A_457 = arith.index_cast %add3A_437 : i32 to index
        %get3A_458 = arith.constant 16 : index
        %get3A_459 = tpu.vector_load %get3A_456[%get3A_457, %get3A_458] {strides = array<i32>} : memref<256x64xf32, #tpu.memory_space<vmem>>, vector<16xf32>,
        %mul3A_460 = arith.constant 8.000000e+00 : f32
        %mul3A_461 = vector.broadcast %mul3A_460 : f32 to vector<16xf32>
        %mul3A_462 = arith.mulf %get3A_459, %mul3A_461 : vector<16xf32>
        %scatter3A_463 = arith.constant 0 : i32
        %scatter3A_464 = arith.constant 0 : i32
        %scatter3A_465 = arith.constant 0 : i32
        %scatter3A_466 = arith.constant 0 : i32
        %scatter3A_467 = tpu.memref_slice %arg7[%scan3A_340, %scatter3A_463, %scatter3A_464, %scatter3A_465, %scatter3A_466] : memref<2x2x8x8x129xf32, #tpu.memory_space<vmem>> -> memref<1x2x8x8x129xf32, #tpu.memory_space<vmem>>
        %scatter3A_468 = tpu.memref_squeeze %scatter3A_467 : memref<1x2x8x8x129xf32, #tpu.memory_space<vmem>> -> memref<2x8x8x129xf32, #tpu.memory_space<vmem>>
        tpu.vector_store_idx %scatter3A_468[%broadcast_in_dim3A_338, %shift_right_arithmetic3A_11, %and3A_25, %broadcast_in_dim3A_438], %mul3A_462 : memref<2x8x8x129xf32, #tpu.memory_space<vmem>>[vector<16xi32>, vector<16xi32>, vector<16xi32>, vector<16xi32>], vector<16xf32>,
        %get3A_469 = arith.constant 0 : i32
        %get3A_470 = arith.constant 0 : i32
        %get3A_471 = tpu.memref_slice %arg6[%scan3A_339, %get3A_469, %get3A_470] : memref<2x256x64xf32, #tpu.memory_space<vmem>> -> memref<1x256x64xf32, #tpu.memory_space<vmem>>
        %get3A_472 = tpu.memref_squeeze %get3A_471 : memref<1x256x64xf32, #tpu.memory_space<vmem>> -> memref<256x64xf32, #tpu.memory_space<vmem>>
        %get3A_473 = arith.index_cast %add3A_437 : i32 to index
        %get3A_474 = arith.constant 32 : index
        %get3A_475 = tpu.vector_load %get3A_472[%get3A_473, %get3A_474] {strides = array<i32>} : memref<256x64xf32, #tpu.memory_space<vmem>>, vector<16xf32>,
        %mul3A_476 = arith.constant 8.000000e+00 : f32
        %mul3A_477 = vector.broadcast %mul3A_476 : f32 to vector<16xf32>
        %mul3A_478 = arith.mulf %get3A_475, %mul3A_477 : vector<16xf32>
        %scatter3A_479 = arith.constant 0 : i32
        %scatter3A_480 = arith.constant 0 : i32
        %scatter3A_481 = arith.constant 0 : i32
        %scatter3A_482 = arith.constant 0 : i32
        %scatter3A_483 = tpu.memref_slice %arg7[%scan3A_340, %scatter3A_479, %scatter3A_480, %scatter3A_481, %scatter3A_482] : memref<2x2x8x8x129xf32, #tpu.memory_space<vmem>> -> memref<1x2x8x8x129xf32, #tpu.memory_space<vmem>>
        %scatter3A_484 = tpu.memref_squeeze %scatter3A_483 : memref<1x2x8x8x129xf32, #tpu.memory_space<vmem>> -> memref<2x8x8x129xf32, #tpu.memory_space<vmem>>
        tpu.vector_store_idx %scatter3A_484[%broadcast_in_dim3A_338, %shift_right_arithmetic3A_17, %and3A_25, %broadcast_in_dim3A_438], %mul3A_478 : memref<2x8x8x129xf32, #tpu.memory_space<vmem>>[vector<16xi32>, vector<16xi32>, vector<16xi32>, vector<16xi32>], vector<16xf32>,
        %get3A_485 = arith.constant 0 : i32
        %get3A_486 = arith.constant 0 : i32
        %get3A_487 = tpu.memref_slice %arg6[%scan3A_339, %get3A_485, %get3A_486] : memref<2x256x64xf32, #tpu.memory_space<vmem>> -> memref<1x256x64xf32, #tpu.memory_space<vmem>>
        %get3A_488 = tpu.memref_squeeze %get3A_487 : memref<1x256x64xf32, #tpu.memory_space<vmem>> -> memref<256x64xf32, #tpu.memory_space<vmem>>
        %get3A_489 = arith.index_cast %add3A_437 : i32 to index
        %get3A_490 = arith.constant 48 : index
        %get3A_491 = tpu.vector_load %get3A_488[%get3A_489, %get3A_490] {strides = array<i32>} : memref<256x64xf32, #tpu.memory_space<vmem>>, vector<16xf32>,
        %mul3A_492 = arith.constant 8.000000e+00 : f32
        %mul3A_493 = vector.broadcast %mul3A_492 : f32 to vector<16xf32>
        %mul3A_494 = arith.mulf %get3A_491, %mul3A_493 : vector<16xf32>
        %scatter3A_495 = arith.constant 0 : i32
        %scatter3A_496 = arith.constant 0 : i32
        %scatter3A_497 = arith.constant 0 : i32
        %scatter3A_498 = arith.constant 0 : i32
        %scatter3A_499 = tpu.memref_slice %arg7[%scan3A_340, %scatter3A_495, %scatter3A_496, %scatter3A_497, %scatter3A_498] : memref<2x2x8x8x129xf32, #tpu.memory_space<vmem>> -> memref<1x2x8x8x129xf32, #tpu.memory_space<vmem>>
        %scatter3A_500 = tpu.memref_squeeze %scatter3A_499 : memref<1x2x8x8x129xf32, #tpu.memory_space<vmem>> -> memref<2x8x8x129xf32, #tpu.memory_space<vmem>>
        tpu.vector_store_idx %scatter3A_500[%broadcast_in_dim3A_338, %shift_right_arithmetic3A_23, %and3A_25, %broadcast_in_dim3A_438], %mul3A_494 : memref<2x8x8x129xf32, #tpu.memory_space<vmem>>[vector<16xi32>, vector<16xi32>, vector<16xi32>, vector<16xi32>], vector<16xf32>,
        %scan3A_501 = arith.constant 1 : i32
        %scan3A_502 = arith.addi %scan3A_431, %scan3A_501 : i32
        %mul3A_503 = arith.constant 1 : i32
        %mul3A_504 = arith.muli %scan3A_502, %mul3A_503 : i32
        %add3A_505 = arith.constant 0 : i32
        %add3A_506 = arith.addi %add3A_505, %mul3A_504 : i32
        %add3A_507 = arith.constant 0 : i32
        %add3A_508 = arith.addi %add3A_507, %add3A_506 : i32
        %broadcast_in_dim3A_509 = vector.broadcast %add3A_506 : i32 to vector<16xi32>
        %get3A_510 = arith.constant 0 : i32
        %get3A_511 = arith.constant 0 : i32
        %get3A_512 = tpu.memref_slice %arg6[%scan3A_339, %get3A_510, %get3A_511] : memref<2x256x64xf32, #tpu.memory_space<vmem>> -> memref<1x256x64xf32, #tpu.memory_space<vmem>>
        %get3A_513 = tpu.memref_squeeze %get3A_512 : memref<1x256x64xf32, #tpu.memory_space<vmem>> -> memref<256x64xf32, #tpu.memory_space<vmem>>
        %get3A_514 = arith.index_cast %add3A_508 : i32 to index
        %get3A_515 = arith.constant 0 : index
        %get3A_516 = tpu.vector_load %get3A_513[%get3A_514, %get3A_515] {strides = array<i32>} : memref<256x64xf32, #tpu.memory_space<vmem>>, vector<16xf32>,
        %mul3A_517 = arith.constant 8.000000e+00 : f32
        %mul3A_518 = vector.broadcast %mul3A_517 : f32 to vector<16xf32>
        %mul3A_519 = arith.mulf %get3A_516, %mul3A_518 : vector<16xf32>
        %scatter3A_520 = arith.constant 0 : i32
        %scatter3A_521 = arith.constant 0 : i32
        %scatter3A_522 = arith.constant 0 : i32
        %scatter3A_523 = arith.constant 0 : i32
        %scatter3A_524 = tpu.memref_slice %arg7[%scan3A_340, %scatter3A_520, %scatter3A_521, %scatter3A_522, %scatter3A_523] : memref<2x2x8x8x129xf32, #tpu.memory_space<vmem>> -> memref<1x2x8x8x129xf32, #tpu.memory_space<vmem>>
        %scatter3A_525 = tpu.memref_squeeze %scatter3A_524 : memref<1x2x8x8x129xf32, #tpu.memory_space<vmem>> -> memref<2x8x8x129xf32, #tpu.memory_space<vmem>>
        tpu.vector_store_idx %scatter3A_525[%broadcast_in_dim3A_338, %shift_right_arithmetic3A_5, %and3A_25, %broadcast_in_dim3A_509], %mul3A_519 : memref<2x8x8x129xf32, #tpu.memory_space<vmem>>[vector<16xi32>, vector<16xi32>, vector<16xi32>, vector<16xi32>], vector<16xf32>,
        %get3A_526 = arith.constant 0 : i32
        %get3A_527 = arith.constant 0 : i32
        %get3A_528 = tpu.memref_slice %arg6[%scan3A_339, %get3A_526, %get3A_527] : memref<2x256x64xf32, #tpu.memory_space<vmem>> -> memref<1x256x64xf32, #tpu.memory_space<vmem>>
        %get3A_529 = tpu.memref_squeeze %get3A_528 : memref<1x256x64xf32, #tpu.memory_space<vmem>> -> memref<256x64xf32, #tpu.memory_space<vmem>>
        %get3A_530 = arith.index_cast %add3A_508 : i32 to index
        %get3A_531 = arith.constant 16 : index
        %get3A_532 = tpu.vector_load %get3A_529[%get3A_530, %get3A_531] {strides = array<i32>} : memref<256x64xf32, #tpu.memory_space<vmem>>, vector<16xf32>,
        %mul3A_533 = arith.constant 8.000000e+00 : f32
        %mul3A_534 = vector.broadcast %mul3A_533 : f32 to vector<16xf32>
        %mul3A_535 = arith.mulf %get3A_532, %mul3A_534 : vector<16xf32>
        %scatter3A_536 = arith.constant 0 : i32
        %scatter3A_537 = arith.constant 0 : i32
        %scatter3A_538 = arith.constant 0 : i32
        %scatter3A_539 = arith.constant 0 : i32
        %scatter3A_540 = tpu.memref_slice %arg7[%scan3A_340, %scatter3A_536, %scatter3A_537, %scatter3A_538, %scatter3A_539] : memref<2x2x8x8x129xf32, #tpu.memory_space<vmem>> -> memref<1x2x8x8x129xf32, #tpu.memory_space<vmem>>
        %scatter3A_541 = tpu.memref_squeeze %scatter3A_540 : memref<1x2x8x8x129xf32, #tpu.memory_space<vmem>> -> memref<2x8x8x129xf32, #tpu.memory_space<vmem>>
        tpu.vector_store_idx %scatter3A_541[%broadcast_in_dim3A_338, %shift_right_arithmetic3A_11, %and3A_25, %broadcast_in_dim3A_509], %mul3A_535 : memref<2x8x8x129xf32, #tpu.memory_space<vmem>>[vector<16xi32>, vector<16xi32>, vector<16xi32>, vector<16xi32>], vector<16xf32>,
        %get3A_542 = arith.constant 0 : i32
        %get3A_543 = arith.constant 0 : i32
        %get3A_544 = tpu.memref_slice %arg6[%scan3A_339, %get3A_542, %get3A_543] : memref<2x256x64xf32, #tpu.memory_space<vmem>> -> memref<1x256x64xf32, #tpu.memory_space<vmem>>
        %get3A_545 = tpu.memref_squeeze %get3A_544 : memref<1x256x64xf32, #tpu.memory_space<vmem>> -> memref<256x64xf32, #tpu.memory_space<vmem>>
        %get3A_546 = arith.index_cast %add3A_508 : i32 to index
        %get3A_547 = arith.constant 32 : index
        %get3A_548 = tpu.vector_load %get3A_545[%get3A_546, %get3A_547] {strides = array<i32>} : memref<256x64xf32, #tpu.memory_space<vmem>>, vector<16xf32>,
        %mul3A_549 = arith.constant 8.000000e+00 : f32
        %mul3A_550 = vector.broadcast %mul3A_549 : f32 to vector<16xf32>
        %mul3A_551 = arith.mulf %get3A_548, %mul3A_550 : vector<16xf32>
        %scatter3A_552 = arith.constant 0 : i32
        %scatter3A_553 = arith.constant 0 : i32
        %scatter3A_554 = arith.constant 0 : i32
        %scatter3A_555 = arith.constant 0 : i32
        %scatter3A_556 = tpu.memref_slice %arg7[%scan3A_340, %scatter3A_552, %scatter3A_553, %scatter3A_554, %scatter3A_555] : memref<2x2x8x8x129xf32, #tpu.memory_space<vmem>> -> memref<1x2x8x8x129xf32, #tpu.memory_space<vmem>>
        %scatter3A_557 = tpu.memref_squeeze %scatter3A_556 : memref<1x2x8x8x129xf32, #tpu.memory_space<vmem>> -> memref<2x8x8x129xf32, #tpu.memory_space<vmem>>
        tpu.vector_store_idx %scatter3A_557[%broadcast_in_dim3A_338, %shift_right_arithmetic3A_17, %and3A_25, %broadcast_in_dim3A_509], %mul3A_551 : memref<2x8x8x129xf32, #tpu.memory_space<vmem>>[vector<16xi32>, vector<16xi32>, vector<16xi32>, vector<16xi32>], vector<16xf32>,
        %get3A_558 = arith.constant 0 : i32
        %get3A_559 = arith.constant 0 : i32
        %get3A_560 = tpu.memref_slice %arg6[%scan3A_339, %get3A_558, %get3A_559] : memref<2x256x64xf32, #tpu.memory_space<vmem>> -> memref<1x256x64xf32, #tpu.memory_space<vmem>>
        %get3A_561 = tpu.memref_squeeze %get3A_560 : memref<1x256x64xf32, #tpu.memory_space<vmem>> -> memref<256x64xf32, #tpu.memory_space<vmem>>
        %get3A_562 = arith.index_cast %add3A_508 : i32 to index
        %get3A_563 = arith.constant 48 : index
        %get3A_564 = tpu.vector_load %get3A_561[%get3A_562, %get3A_563] {strides = array<i32>} : memref<256x64xf32, #tpu.memory_space<vmem>>, vector<16xf32>,
        %mul3A_565 = arith.constant 8.000000e+00 : f32
        %mul3A_566 = vector.broadcast %mul3A_565 : f32 to vector<16xf32>
        %mul3A_567 = arith.mulf %get3A_564, %mul3A_566 : vector<16xf32>
        %scatter3A_568 = arith.constant 0 : i32
        %scatter3A_569 = arith.constant 0 : i32
        %scatter3A_570 = arith.constant 0 : i32
        %scatter3A_571 = arith.constant 0 : i32
        %scatter3A_572 = tpu.memref_slice %arg7[%scan3A_340, %scatter3A_568, %scatter3A_569, %scatter3A_570, %scatter3A_571] : memref<2x2x8x8x129xf32, #tpu.memory_space<vmem>> -> memref<1x2x8x8x129xf32, #tpu.memory_space<vmem>>
        %scatter3A_573 = tpu.memref_squeeze %scatter3A_572 : memref<1x2x8x8x129xf32, #tpu.memory_space<vmem>> -> memref<2x8x8x129xf32, #tpu.memory_space<vmem>>
        tpu.vector_store_idx %scatter3A_573[%broadcast_in_dim3A_338, %shift_right_arithmetic3A_23, %and3A_25, %broadcast_in_dim3A_509], %mul3A_567 : memref<2x8x8x129xf32, #tpu.memory_space<vmem>>[vector<16xi32>, vector<16xi32>, vector<16xi32>, vector<16xi32>], vector<16xf32>,
        %scan3A_574 = arith.constant 2 : i32
        %scan3A_575 = arith.addi %scan3A_431, %scan3A_574 : i32
        %mul3A_576 = arith.constant 1 : i32
        %mul3A_577 = arith.muli %scan3A_575, %mul3A_576 : i32
        %add3A_578 = arith.constant 0 : i32
        %add3A_579 = arith.addi %add3A_578, %mul3A_577 : i32
        %add3A_580 = arith.constant 0 : i32
        %add3A_581 = arith.addi %add3A_580, %add3A_579 : i32
        %broadcast_in_dim3A_582 = vector.broadcast %add3A_579 : i32 to vector<16xi32>
        %get3A_583 = arith.constant 0 : i32
        %get3A_584 = arith.constant 0 : i32
        %get3A_585 = tpu.memref_slice %arg6[%scan3A_339, %get3A_583, %get3A_584] : memref<2x256x64xf32, #tpu.memory_space<vmem>> -> memref<1x256x64xf32, #tpu.memory_space<vmem>>
        %get3A_586 = tpu.memref_squeeze %get3A_585 : memref<1x256x64xf32, #tpu.memory_space<vmem>> -> memref<256x64xf32, #tpu.memory_space<vmem>>
        %get3A_587 = arith.index_cast %add3A_581 : i32 to index
        %get3A_588 = arith.constant 0 : index
        %get3A_589 = tpu.vector_load %get3A_586[%get3A_587, %get3A_588] {strides = array<i32>} : memref<256x64xf32, #tpu.memory_space<vmem>>, vector<16xf32>,
        %mul3A_590 = arith.constant 8.000000e+00 : f32
        %mul3A_591 = vector.broadcast %mul3A_590 : f32 to vector<16xf32>
        %mul3A_592 = arith.mulf %get3A_589, %mul3A_591 : vector<16xf32>
        %scatter3A_593 = arith.constant 0 : i32
        %scatter3A_594 = arith.constant 0 : i32
        %scatter3A_595 = arith.constant 0 : i32
        %scatter3A_596 = arith.constant 0 : i32
        %scatter3A_597 = tpu.memref_slice %arg7[%scan3A_340, %scatter3A_593, %scatter3A_594, %scatter3A_595, %scatter3A_596] : memref<2x2x8x8x129xf32, #tpu.memory_space<vmem>> -> memref<1x2x8x8x129xf32, #tpu.memory_space<vmem>>
        %scatter3A_598 = tpu.memref_squeeze %scatter3A_597 : memref<1x2x8x8x129xf32, #tpu.memory_space<vmem>> -> memref<2x8x8x129xf32, #tpu.memory_space<vmem>>
        tpu.vector_store_idx %scatter3A_598[%broadcast_in_dim3A_338, %shift_right_arithmetic3A_5, %and3A_25, %broadcast_in_dim3A_582], %mul3A_592 : memref<2x8x8x129xf32, #tpu.memory_space<vmem>>[vector<16xi32>, vector<16xi32>, vector<16xi32>, vector<16xi32>], vector<16xf32>,
        %get3A_599 = arith.constant 0 : i32
        %get3A_600 = arith.constant 0 : i32
        %get3A_601 = tpu.memref_slice %arg6[%scan3A_339, %get3A_599, %get3A_600] : memref<2x256x64xf32, #tpu.memory_space<vmem>> -> memref<1x256x64xf32, #tpu.memory_space<vmem>>
        %get3A_602 = tpu.memref_squeeze %get3A_601 : memref<1x256x64xf32, #tpu.memory_space<vmem>> -> memref<256x64xf32, #tpu.memory_space<vmem>>
        %get3A_603 = arith.index_cast %add3A_581 : i32 to index
        %get3A_604 = arith.constant 16 : index
        %get3A_605 = tpu.vector_load %get3A_602[%get3A_603, %get3A_604] {strides = array<i32>} : memref<256x64xf32, #tpu.memory_space<vmem>>, vector<16xf32>,
        %mul3A_606 = arith.constant 8.000000e+00 : f32
        %mul3A_607 = vector.broadcast %mul3A_606 : f32 to vector<16xf32>
        %mul3A_608 = arith.mulf %get3A_605, %mul3A_607 : vector<16xf32>
        %scatter3A_609 = arith.constant 0 : i32
        %scatter3A_610 = arith.constant 0 : i32
        %scatter3A_611 = arith.constant 0 : i32
        %scatter3A_612 = arith.constant 0 : i32
        %scatter3A_613 = tpu.memref_slice %arg7[%scan3A_340, %scatter3A_609, %scatter3A_610, %scatter3A_611, %scatter3A_612] : memref<2x2x8x8x129xf32, #tpu.memory_space<vmem>> -> memref<1x2x8x8x129xf32, #tpu.memory_space<vmem>>
        %scatter3A_614 = tpu.memref_squeeze %scatter3A_613 : memref<1x2x8x8x129xf32, #tpu.memory_space<vmem>> -> memref<2x8x8x129xf32, #tpu.memory_space<vmem>>
        tpu.vector_store_idx %scatter3A_614[%broadcast_in_dim3A_338, %shift_right_arithmetic3A_11, %and3A_25, %broadcast_in_dim3A_582], %mul3A_608 : memref<2x8x8x129xf32, #tpu.memory_space<vmem>>[vector<16xi32>, vector<16xi32>, vector<16xi32>, vector<16xi32>], vector<16xf32>,
        %get3A_615 = arith.constant 0 : i32
        %get3A_616 = arith.constant 0 : i32
        %get3A_617 = tpu.memref_slice %arg6[%scan3A_339, %get3A_615, %get3A_616] : memref<2x256x64xf32, #tpu.memory_space<vmem>> -> memref<1x256x64xf32, #tpu.memory_space<vmem>>
        %get3A_618 = tpu.memref_squeeze %get3A_617 : memref<1x256x64xf32, #tpu.memory_space<vmem>> -> memref<256x64xf32, #tpu.memory_space<vmem>>
        %get3A_619 = arith.index_cast %add3A_581 : i32 to index
        %get3A_620 = arith.constant 32 : index
        %get3A_621 = tpu.vector_load %get3A_618[%get3A_619, %get3A_620] {strides = array<i32>} : memref<256x64xf32, #tpu.memory_space<vmem>>, vector<16xf32>,
        %mul3A_622 = arith.constant 8.000000e+00 : f32
        %mul3A_623 = vector.broadcast %mul3A_622 : f32 to vector<16xf32>
        %mul3A_624 = arith.mulf %get3A_621, %mul3A_623 : vector<16xf32>
        %scatter3A_625 = arith.constant 0 : i32
        %scatter3A_626 = arith.constant 0 : i32
        %scatter3A_627 = arith.constant 0 : i32
        %scatter3A_628 = arith.constant 0 : i32
        %scatter3A_629 = tpu.memref_slice %arg7[%scan3A_340, %scatter3A_625, %scatter3A_626, %scatter3A_627, %scatter3A_628] : memref<2x2x8x8x129xf32, #tpu.memory_space<vmem>> -> memref<1x2x8x8x129xf32, #tpu.memory_space<vmem>>
        %scatter3A_630 = tpu.memref_squeeze %scatter3A_629 : memref<1x2x8x8x129xf32, #tpu.memory_space<vmem>> -> memref<2x8x8x129xf32, #tpu.memory_space<vmem>>
        tpu.vector_store_idx %scatter3A_630[%broadcast_in_dim3A_338, %shift_right_arithmetic3A_17, %and3A_25, %broadcast_in_dim3A_582], %mul3A_624 : memref<2x8x8x129xf32, #tpu.memory_space<vmem>>[vector<16xi32>, vector<16xi32>, vector<16xi32>, vector<16xi32>], vector<16xf32>,
        %get3A_631 = arith.constant 0 : i32
        %get3A_632 = arith.constant 0 : i32
        %get3A_633 = tpu.memref_slice %arg6[%scan3A_339, %get3A_631, %get3A_632] : memref<2x256x64xf32, #tpu.memory_space<vmem>> -> memref<1x256x64xf32, #tpu.memory_space<vmem>>
        %get3A_634 = tpu.memref_squeeze %get3A_633 : memref<1x256x64xf32, #tpu.memory_space<vmem>> -> memref<256x64xf32, #tpu.memory_space<vmem>>
        %get3A_635 = arith.index_cast %add3A_581 : i32 to index
        %get3A_636 = arith.constant 48 : index
        %get3A_637 = tpu.vector_load %get3A_634[%get3A_635, %get3A_636] {strides = array<i32>} : memref<256x64xf32, #tpu.memory_space<vmem>>, vector<16xf32>,
        %mul3A_638 = arith.constant 8.000000e+00 : f32
        %mul3A_639 = vector.broadcast %mul3A_638 : f32 to vector<16xf32>
        %mul3A_640 = arith.mulf %get3A_637, %mul3A_639 : vector<16xf32>
        %scatter3A_641 = arith.constant 0 : i32
        %scatter3A_642 = arith.constant 0 : i32
        %scatter3A_643 = arith.constant 0 : i32
        %scatter3A_644 = arith.constant 0 : i32
        %scatter3A_645 = tpu.memref_slice %arg7[%scan3A_340, %scatter3A_641, %scatter3A_642, %scatter3A_643, %scatter3A_644] : memref<2x2x8x8x129xf32, #tpu.memory_space<vmem>> -> memref<1x2x8x8x129xf32, #tpu.memory_space<vmem>>
        %scatter3A_646 = tpu.memref_squeeze %scatter3A_645 : memref<1x2x8x8x129xf32, #tpu.memory_space<vmem>> -> memref<2x8x8x129xf32, #tpu.memory_space<vmem>>
        tpu.vector_store_idx %scatter3A_646[%broadcast_in_dim3A_338, %shift_right_arithmetic3A_23, %and3A_25, %broadcast_in_dim3A_582], %mul3A_640 : memref<2x8x8x129xf32, #tpu.memory_space<vmem>>[vector<16xi32>, vector<16xi32>, vector<16xi32>, vector<16xi32>], vector<16xf32>,
        %scan3A_647 = arith.constant 3 : i32
        %scan3A_648 = arith.addi %scan3A_431, %scan3A_647 : i32
        %mul3A_649 = arith.constant 1 : i32
        %mul3A_650 = arith.muli %scan3A_648, %mul3A_649 : i32
        %add3A_651 = arith.constant 0 : i32
        %add3A_652 = arith.addi %add3A_651, %mul3A_650 : i32
        %add3A_653 = arith.constant 0 : i32
        %add3A_654 = arith.addi %add3A_653, %add3A_652 : i32
        %broadcast_in_dim3A_655 = vector.broadcast %add3A_652 : i32 to vector<16xi32>
        %get3A_656 = arith.constant 0 : i32
        %get3A_657 = arith.constant 0 : i32
        %get3A_658 = tpu.memref_slice %arg6[%scan3A_339, %get3A_656, %get3A_657] : memref<2x256x64xf32, #tpu.memory_space<vmem>> -> memref<1x256x64xf32, #tpu.memory_space<vmem>>
        %get3A_659 = tpu.memref_squeeze %get3A_658 : memref<1x256x64xf32, #tpu.memory_space<vmem>> -> memref<256x64xf32, #tpu.memory_space<vmem>>
        %get3A_660 = arith.index_cast %add3A_654 : i32 to index
        %get3A_661 = arith.constant 0 : index
        %get3A_662 = tpu.vector_load %get3A_659[%get3A_660, %get3A_661] {strides = array<i32>} : memref<256x64xf32, #tpu.memory_space<vmem>>, vector<16xf32>,
        %mul3A_663 = arith.constant 8.000000e+00 : f32
        %mul3A_664 = vector.broadcast %mul3A_663 : f32 to vector<16xf32>
        %mul3A_665 = arith.mulf %get3A_662, %mul3A_664 : vector<16xf32>
        %scatter3A_666 = arith.constant 0 : i32
        %scatter3A_667 = arith.constant 0 : i32
        %scatter3A_668 = arith.constant 0 : i32
        %scatter3A_669 = arith.constant 0 : i32
        %scatter3A_670 = tpu.memref_slice %arg7[%scan3A_340, %scatter3A_666, %scatter3A_667, %scatter3A_668, %scatter3A_669] : memref<2x2x8x8x129xf32, #tpu.memory_space<vmem>> -> memref<1x2x8x8x129xf32, #tpu.memory_space<vmem>>
        %scatter3A_671 = tpu.memref_squeeze %scatter3A_670 : memref<1x2x8x8x129xf32, #tpu.memory_space<vmem>> -> memref<2x8x8x129xf32, #tpu.memory_space<vmem>>
        tpu.vector_store_idx %scatter3A_671[%broadcast_in_dim3A_338, %shift_right_arithmetic3A_5, %and3A_25, %broadcast_in_dim3A_655], %mul3A_665 : memref<2x8x8x129xf32, #tpu.memory_space<vmem>>[vector<16xi32>, vector<16xi32>, vector<16xi32>, vector<16xi32>], vector<16xf32>,
        %get3A_672 = arith.constant 0 : i32
        %get3A_673 = arith.constant 0 : i32
        %get3A_674 = tpu.memref_slice %arg6[%scan3A_339, %get3A_672, %get3A_673] : memref<2x256x64xf32, #tpu.memory_space<vmem>> -> memref<1x256x64xf32, #tpu.memory_space<vmem>>
        %get3A_675 = tpu.memref_squeeze %get3A_674 : memref<1x256x64xf32, #tpu.memory_space<vmem>> -> memref<256x64xf32, #tpu.memory_space<vmem>>
        %get3A_676 = arith.index_cast %add3A_654 : i32 to index
        %get3A_677 = arith.constant 16 : index
        %get3A_678 = tpu.vector_load %get3A_675[%get3A_676, %get3A_677] {strides = array<i32>} : memref<256x64xf32, #tpu.memory_space<vmem>>, vector<16xf32>,
        %mul3A_679 = arith.constant 8.000000e+00 : f32
        %mul3A_680 = vector.broadcast %mul3A_679 : f32 to vector<16xf32>
        %mul3A_681 = arith.mulf %get3A_678, %mul3A_680 : vector<16xf32>
        %scatter3A_682 = arith.constant 0 : i32
        %scatter3A_683 = arith.constant 0 : i32
        %scatter3A_684 = arith.constant 0 : i32
        %scatter3A_685 = arith.constant 0 : i32
        %scatter3A_686 = tpu.memref_slice %arg7[%scan3A_340, %scatter3A_682, %scatter3A_683, %scatter3A_684, %scatter3A_685] : memref<2x2x8x8x129xf32, #tpu.memory_space<vmem>> -> memref<1x2x8x8x129xf32, #tpu.memory_space<vmem>>
        %scatter3A_687 = tpu.memref_squeeze %scatter3A_686 : memref<1x2x8x8x129xf32, #tpu.memory_space<vmem>> -> memref<2x8x8x129xf32, #tpu.memory_space<vmem>>
        tpu.vector_store_idx %scatter3A_687[%broadcast_in_dim3A_338, %shift_right_arithmetic3A_11, %and3A_25, %broadcast_in_dim3A_655], %mul3A_681 : memref<2x8x8x129xf32, #tpu.memory_space<vmem>>[vector<16xi32>, vector<16xi32>, vector<16xi32>, vector<16xi32>], vector<16xf32>,
        %get3A_688 = arith.constant 0 : i32
        %get3A_689 = arith.constant 0 : i32
        %get3A_690 = tpu.memref_slice %arg6[%scan3A_339, %get3A_688, %get3A_689] : memref<2x256x64xf32, #tpu.memory_space<vmem>> -> memref<1x256x64xf32, #tpu.memory_space<vmem>>
        %get3A_691 = tpu.memref_squeeze %get3A_690 : memref<1x256x64xf32, #tpu.memory_space<vmem>> -> memref<256x64xf32, #tpu.memory_space<vmem>>
        %get3A_692 = arith.index_cast %add3A_654 : i32 to index
        %get3A_693 = arith.constant 32 : index
        %get3A_694 = tpu.vector_load %get3A_691[%get3A_692, %get3A_693] {strides = array<i32>} : memref<256x64xf32, #tpu.memory_space<vmem>>, vector<16xf32>,
        %mul3A_695 = arith.constant 8.000000e+00 : f32
        %mul3A_696 = vector.broadcast %mul3A_695 : f32 to vector<16xf32>
        %mul3A_697 = arith.mulf %get3A_694, %mul3A_696 : vector<16xf32>
        %scatter3A_698 = arith.constant 0 : i32
        %scatter3A_699 = arith.constant 0 : i32
        %scatter3A_700 = arith.constant 0 : i32
        %scatter3A_701 = arith.constant 0 : i32
        %scatter3A_702 = tpu.memref_slice %arg7[%scan3A_340, %scatter3A_698, %scatter3A_699, %scatter3A_700, %scatter3A_701] : memref<2x2x8x8x129xf32, #tpu.memory_space<vmem>> -> memref<1x2x8x8x129xf32, #tpu.memory_space<vmem>>
        %scatter3A_703 = tpu.memref_squeeze %scatter3A_702 : memref<1x2x8x8x129xf32, #tpu.memory_space<vmem>> -> memref<2x8x8x129xf32, #tpu.memory_space<vmem>>
        tpu.vector_store_idx %scatter3A_703[%broadcast_in_dim3A_338, %shift_right_arithmetic3A_17, %and3A_25, %broadcast_in_dim3A_655], %mul3A_697 : memref<2x8x8x129xf32, #tpu.memory_space<vmem>>[vector<16xi32>, vector<16xi32>, vector<16xi32>, vector<16xi32>], vector<16xf32>,
        %get3A_704 = arith.constant 0 : i32
        %get3A_705 = arith.constant 0 : i32
        %get3A_706 = tpu.memref_slice %arg6[%scan3A_339, %get3A_704, %get3A_705] : memref<2x256x64xf32, #tpu.memory_space<vmem>> -> memref<1x256x64xf32, #tpu.memory_space<vmem>>
        %get3A_707 = tpu.memref_squeeze %get3A_706 : memref<1x256x64xf32, #tpu.memory_space<vmem>> -> memref<256x64xf32, #tpu.memory_space<vmem>>
        %get3A_708 = arith.index_cast %add3A_654 : i32 to index
        %get3A_709 = arith.constant 48 : index
        %get3A_710 = tpu.vector_load %get3A_707[%get3A_708, %get3A_709] {strides = array<i32>} : memref<256x64xf32, #tpu.memory_space<vmem>>, vector<16xf32>,
        %mul3A_711 = arith.constant 8.000000e+00 : f32
        %mul3A_712 = vector.broadcast %mul3A_711 : f32 to vector<16xf32>
        %mul3A_713 = arith.mulf %get3A_710, %mul3A_712 : vector<16xf32>
        %scatter3A_714 = arith.constant 0 : i32
        %scatter3A_715 = arith.constant 0 : i32
        %scatter3A_716 = arith.constant 0 : i32
        %scatter3A_717 = arith.constant 0 : i32
        %scatter3A_718 = tpu.memref_slice %arg7[%scan3A_340, %scatter3A_714, %scatter3A_715, %scatter3A_716, %scatter3A_717] : memref<2x2x8x8x129xf32, #tpu.memory_space<vmem>> -> memref<1x2x8x8x129xf32, #tpu.memory_space<vmem>>
        %scatter3A_719 = tpu.memref_squeeze %scatter3A_718 : memref<1x2x8x8x129xf32, #tpu.memory_space<vmem>> -> memref<2x8x8x129xf32, #tpu.memory_space<vmem>>
        tpu.vector_store_idx %scatter3A_719[%broadcast_in_dim3A_338, %shift_right_arithmetic3A_23, %and3A_25, %broadcast_in_dim3A_655], %mul3A_713 : memref<2x8x8x129xf32, #tpu.memory_space<vmem>>[vector<16xi32>, vector<16xi32>, vector<16xi32>, vector<16xi32>], vector<16xf32>,
      }
      %scan3A_345 = arith.constant 128 : i32
      %broadcast_in_dim3A_346 = arith.constant 1 : i32
      %broadcast_in_dim3A_347 = vector.broadcast %broadcast_in_dim3A_346 : i32 to vector<16xi32>
      %scan3A_348 = arith.constant 1 : i32
      %scan3A_349 = arith.constant 1 : i32
      %scan3A_350 = arith.constant 0 : i32
      %scan3A_351 = arith.constant 128 : i32
      %scan3A_352 = arith.addi %scan3A_350, %scan3A_351 : i32
      %scan3A_353 = arith.constant 4 : i32
      scf.for %scan3A_431 = %scan3A_350 to %scan3A_352 step %scan3A_353  : i32 {
        %mul3A_432 = arith.constant 1 : i32
        %mul3A_433 = arith.muli %scan3A_431, %mul3A_432 : i32
        %add3A_434 = arith.constant 0 : i32
        %add3A_435 = arith.addi %add3A_434, %mul3A_433 : i32
        %add3A_436 = arith.constant 128 : i32
        %add3A_437 = arith.addi %add3A_436, %add3A_435 : i32
        %broadcast_in_dim3A_438 = vector.broadcast %add3A_435 : i32 to vector<16xi32>
        %get3A = arith.constant 0 : i32
        %get3A_439 = arith.constant 0 : i32
        %get3A_440 = tpu.memref_slice %arg6[%scan3A_348, %get3A, %get3A_439] : memref<2x256x64xf32, #tpu.memory_space<vmem>> -> memref<1x256x64xf32, #tpu.memory_space<vmem>>
        %get3A_441 = tpu.memref_squeeze %get3A_440 : memref<1x256x64xf32, #tpu.memory_space<vmem>> -> memref<256x64xf32, #tpu.memory_space<vmem>>
        %get3A_442 = arith.index_cast %add3A_437 : i32 to index
        %get3A_443 = arith.constant 0 : index
        %get3A_444 = tpu.vector_load %get3A_441[%get3A_442, %get3A_443] {strides = array<i32>} : memref<256x64xf32, #tpu.memory_space<vmem>>, vector<16xf32>,
        %mul3A_445 = arith.constant 8.000000e+00 : f32
        %mul3A_446 = vector.broadcast %mul3A_445 : f32 to vector<16xf32>
        %mul3A_447 = arith.mulf %get3A_444, %mul3A_446 : vector<16xf32>
        %scatter3A = arith.constant 0 : i32
        %scatter3A_448 = arith.constant 0 : i32
        %scatter3A_449 = arith.constant 0 : i32
        %scatter3A_450 = arith.constant 0 : i32
        %scatter3A_451 = tpu.memref_slice %arg7[%scan3A_349, %scatter3A, %scatter3A_448, %scatter3A_449, %scatter3A_450] : memref<2x2x8x8x129xf32, #tpu.memory_space<vmem>> -> memref<1x2x8x8x129xf32, #tpu.memory_space<vmem>>
        %scatter3A_452 = tpu.memref_squeeze %scatter3A_451 : memref<1x2x8x8x129xf32, #tpu.memory_space<vmem>> -> memref<2x8x8x129xf32, #tpu.memory_space<vmem>>
        tpu.vector_store_idx %scatter3A_452[%broadcast_in_dim3A_347, %shift_right_arithmetic3A_5, %and3A_25, %broadcast_in_dim3A_438], %mul3A_447 : memref<2x8x8x129xf32, #tpu.memory_space<vmem>>[vector<16xi32>, vector<16xi32>, vector<16xi32>, vector<16xi32>], vector<16xf32>,
        %get3A_453 = arith.constant 0 : i32
        %get3A_454 = arith.constant 0 : i32
        %get3A_455 = tpu.memref_slice %arg6[%scan3A_348, %get3A_453, %get3A_454] : memref<2x256x64xf32, #tpu.memory_space<vmem>> -> memref<1x256x64xf32, #tpu.memory_space<vmem>>
        %get3A_456 = tpu.memref_squeeze %get3A_455 : memref<1x256x64xf32, #tpu.memory_space<vmem>> -> memref<256x64xf32, #tpu.memory_space<vmem>>
        %get3A_457 = arith.index_cast %add3A_437 : i32 to index
        %get3A_458 = arith.constant 16 : index
        %get3A_459 = tpu.vector_load %get3A_456[%get3A_457, %get3A_458] {strides = array<i32>} : memref<256x64xf32, #tpu.memory_space<vmem>>, vector<16xf32>,
        %mul3A_460 = arith.constant 8.000000e+00 : f32
        %mul3A_461 = vector.broadcast %mul3A_460 : f32 to vector<16xf32>
        %mul3A_462 = arith.mulf %get3A_459, %mul3A_461 : vector<16xf32>
        %scatter3A_463 = arith.constant 0 : i32
        %scatter3A_464 = arith.constant 0 : i32
        %scatter3A_465 = arith.constant 0 : i32
        %scatter3A_466 = arith.constant 0 : i32
        %scatter3A_467 = tpu.memref_slice %arg7[%scan3A_349, %scatter3A_463, %scatter3A_464, %scatter3A_465, %scatter3A_466] : memref<2x2x8x8x129xf32, #tpu.memory_space<vmem>> -> memref<1x2x8x8x129xf32, #tpu.memory_space<vmem>>
        %scatter3A_468 = tpu.memref_squeeze %scatter3A_467 : memref<1x2x8x8x129xf32, #tpu.memory_space<vmem>> -> memref<2x8x8x129xf32, #tpu.memory_space<vmem>>
        tpu.vector_store_idx %scatter3A_468[%broadcast_in_dim3A_347, %shift_right_arithmetic3A_11, %and3A_25, %broadcast_in_dim3A_438], %mul3A_462 : memref<2x8x8x129xf32, #tpu.memory_space<vmem>>[vector<16xi32>, vector<16xi32>, vector<16xi32>, vector<16xi32>], vector<16xf32>,
        %get3A_469 = arith.constant 0 : i32
        %get3A_470 = arith.constant 0 : i32
        %get3A_471 = tpu.memref_slice %arg6[%scan3A_348, %get3A_469, %get3A_470] : memref<2x256x64xf32, #tpu.memory_space<vmem>> -> memref<1x256x64xf32, #tpu.memory_space<vmem>>
        %get3A_472 = tpu.memref_squeeze %get3A_471 : memref<1x256x64xf32, #tpu.memory_space<vmem>> -> memref<256x64xf32, #tpu.memory_space<vmem>>
        %get3A_473 = arith.index_cast %add3A_437 : i32 to index
        %get3A_474 = arith.constant 32 : index
        %get3A_475 = tpu.vector_load %get3A_472[%get3A_473, %get3A_474] {strides = array<i32>} : memref<256x64xf32, #tpu.memory_space<vmem>>, vector<16xf32>,
        %mul3A_476 = arith.constant 8.000000e+00 : f32
        %mul3A_477 = vector.broadcast %mul3A_476 : f32 to vector<16xf32>
        %mul3A_478 = arith.mulf %get3A_475, %mul3A_477 : vector<16xf32>
        %scatter3A_479 = arith.constant 0 : i32
        %scatter3A_480 = arith.constant 0 : i32
        %scatter3A_481 = arith.constant 0 : i32
        %scatter3A_482 = arith.constant 0 : i32
        %scatter3A_483 = tpu.memref_slice %arg7[%scan3A_349, %scatter3A_479, %scatter3A_480, %scatter3A_481, %scatter3A_482] : memref<2x2x8x8x129xf32, #tpu.memory_space<vmem>> -> memref<1x2x8x8x129xf32, #tpu.memory_space<vmem>>
        %scatter3A_484 = tpu.memref_squeeze %scatter3A_483 : memref<1x2x8x8x129xf32, #tpu.memory_space<vmem>> -> memref<2x8x8x129xf32, #tpu.memory_space<vmem>>
        tpu.vector_store_idx %scatter3A_484[%broadcast_in_dim3A_347, %shift_right_arithmetic3A_17, %and3A_25, %broadcast_in_dim3A_438], %mul3A_478 : memref<2x8x8x129xf32, #tpu.memory_space<vmem>>[vector<16xi32>, vector<16xi32>, vector<16xi32>, vector<16xi32>], vector<16xf32>,
        %get3A_485 = arith.constant 0 : i32
        %get3A_486 = arith.constant 0 : i32
        %get3A_487 = tpu.memref_slice %arg6[%scan3A_348, %get3A_485, %get3A_486] : memref<2x256x64xf32, #tpu.memory_space<vmem>> -> memref<1x256x64xf32, #tpu.memory_space<vmem>>
        %get3A_488 = tpu.memref_squeeze %get3A_487 : memref<1x256x64xf32, #tpu.memory_space<vmem>> -> memref<256x64xf32, #tpu.memory_space<vmem>>
        %get3A_489 = arith.index_cast %add3A_437 : i32 to index
        %get3A_490 = arith.constant 48 : index
        %get3A_491 = tpu.vector_load %get3A_488[%get3A_489, %get3A_490] {strides = array<i32>} : memref<256x64xf32, #tpu.memory_space<vmem>>, vector<16xf32>,
        %mul3A_492 = arith.constant 8.000000e+00 : f32
        %mul3A_493 = vector.broadcast %mul3A_492 : f32 to vector<16xf32>
        %mul3A_494 = arith.mulf %get3A_491, %mul3A_493 : vector<16xf32>
        %scatter3A_495 = arith.constant 0 : i32
        %scatter3A_496 = arith.constant 0 : i32
        %scatter3A_497 = arith.constant 0 : i32
        %scatter3A_498 = arith.constant 0 : i32
        %scatter3A_499 = tpu.memref_slice %arg7[%scan3A_349, %scatter3A_495, %scatter3A_496, %scatter3A_497, %scatter3A_498] : memref<2x2x8x8x129xf32, #tpu.memory_space<vmem>> -> memref<1x2x8x8x129xf32, #tpu.memory_space<vmem>>
        %scatter3A_500 = tpu.memref_squeeze %scatter3A_499 : memref<1x2x8x8x129xf32, #tpu.memory_space<vmem>> -> memref<2x8x8x129xf32, #tpu.memory_space<vmem>>
        tpu.vector_store_idx %scatter3A_500[%broadcast_in_dim3A_347, %shift_right_arithmetic3A_23, %and3A_25, %broadcast_in_dim3A_438], %mul3A_494 : memref<2x8x8x129xf32, #tpu.memory_space<vmem>>[vector<16xi32>, vector<16xi32>, vector<16xi32>, vector<16xi32>], vector<16xf32>,
        %scan3A_501 = arith.constant 1 : i32
        %scan3A_502 = arith.addi %scan3A_431, %scan3A_501 : i32
        %mul3A_503 = arith.constant 1 : i32
        %mul3A_504 = arith.muli %scan3A_502, %mul3A_503 : i32
        %add3A_505 = arith.constant 0 : i32
        %add3A_506 = arith.addi %add3A_505, %mul3A_504 : i32
        %add3A_507 = arith.constant 128 : i32
        %add3A_508 = arith.addi %add3A_507, %add3A_506 : i32
        %broadcast_in_dim3A_509 = vector.broadcast %add3A_506 : i32 to vector<16xi32>
        %get3A_510 = arith.constant 0 : i32
        %get3A_511 = arith.constant 0 : i32
        %get3A_512 = tpu.memref_slice %arg6[%scan3A_348, %get3A_510, %get3A_511] : memref<2x256x64xf32, #tpu.memory_space<vmem>> -> memref<1x256x64xf32, #tpu.memory_space<vmem>>
        %get3A_513 = tpu.memref_squeeze %get3A_512 : memref<1x256x64xf32, #tpu.memory_space<vmem>> -> memref<256x64xf32, #tpu.memory_space<vmem>>
        %get3A_514 = arith.index_cast %add3A_508 : i32 to index
        %get3A_515 = arith.constant 0 : index
        %get3A_516 = tpu.vector_load %get3A_513[%get3A_514, %get3A_515] {strides = array<i32>} : memref<256x64xf32, #tpu.memory_space<vmem>>, vector<16xf32>,
        %mul3A_517 = arith.constant 8.000000e+00 : f32
        %mul3A_518 = vector.broadcast %mul3A_517 : f32 to vector<16xf32>
        %mul3A_519 = arith.mulf %get3A_516, %mul3A_518 : vector<16xf32>
        %scatter3A_520 = arith.constant 0 : i32
        %scatter3A_521 = arith.constant 0 : i32
        %scatter3A_522 = arith.constant 0 : i32
        %scatter3A_523 = arith.constant 0 : i32
        %scatter3A_524 = tpu.memref_slice %arg7[%scan3A_349, %scatter3A_520, %scatter3A_521, %scatter3A_522, %scatter3A_523] : memref<2x2x8x8x129xf32, #tpu.memory_space<vmem>> -> memref<1x2x8x8x129xf32, #tpu.memory_space<vmem>>
        %scatter3A_525 = tpu.memref_squeeze %scatter3A_524 : memref<1x2x8x8x129xf32, #tpu.memory_space<vmem>> -> memref<2x8x8x129xf32, #tpu.memory_space<vmem>>
        tpu.vector_store_idx %scatter3A_525[%broadcast_in_dim3A_347, %shift_right_arithmetic3A_5, %and3A_25, %broadcast_in_dim3A_509], %mul3A_519 : memref<2x8x8x129xf32, #tpu.memory_space<vmem>>[vector<16xi32>, vector<16xi32>, vector<16xi32>, vector<16xi32>], vector<16xf32>,
        %get3A_526 = arith.constant 0 : i32
        %get3A_527 = arith.constant 0 : i32
        %get3A_528 = tpu.memref_slice %arg6[%scan3A_348, %get3A_526, %get3A_527] : memref<2x256x64xf32, #tpu.memory_space<vmem>> -> memref<1x256x64xf32, #tpu.memory_space<vmem>>
        %get3A_529 = tpu.memref_squeeze %get3A_528 : memref<1x256x64xf32, #tpu.memory_space<vmem>> -> memref<256x64xf32, #tpu.memory_space<vmem>>
        %get3A_530 = arith.index_cast %add3A_508 : i32 to index
        %get3A_531 = arith.constant 16 : index
        %get3A_532 = tpu.vector_load %get3A_529[%get3A_530, %get3A_531] {strides = array<i32>} : memref<256x64xf32, #tpu.memory_space<vmem>>, vector<16xf32>,
        %mul3A_533 = arith.constant 8.000000e+00 : f32
        %mul3A_534 = vector.broadcast %mul3A_533 : f32 to vector<16xf32>
        %mul3A_535 = arith.mulf %get3A_532, %mul3A_534 : vector<16xf32>
        %scatter3A_536 = arith.constant 0 : i32
        %scatter3A_537 = arith.constant 0 : i32
        %scatter3A_538 = arith.constant 0 : i32
        %scatter3A_539 = arith.constant 0 : i32
        %scatter3A_540 = tpu.memref_slice %arg7[%scan3A_349, %scatter3A_536, %scatter3A_537, %scatter3A_538, %scatter3A_539] : memref<2x2x8x8x129xf32, #tpu.memory_space<vmem>> -> memref<1x2x8x8x129xf32, #tpu.memory_space<vmem>>
        %scatter3A_541 = tpu.memref_squeeze %scatter3A_540 : memref<1x2x8x8x129xf32, #tpu.memory_space<vmem>> -> memref<2x8x8x129xf32, #tpu.memory_space<vmem>>
        tpu.vector_store_idx %scatter3A_541[%broadcast_in_dim3A_347, %shift_right_arithmetic3A_11, %and3A_25, %broadcast_in_dim3A_509], %mul3A_535 : memref<2x8x8x129xf32, #tpu.memory_space<vmem>>[vector<16xi32>, vector<16xi32>, vector<16xi32>, vector<16xi32>], vector<16xf32>,
        %get3A_542 = arith.constant 0 : i32
        %get3A_543 = arith.constant 0 : i32
        %get3A_544 = tpu.memref_slice %arg6[%scan3A_348, %get3A_542, %get3A_543] : memref<2x256x64xf32, #tpu.memory_space<vmem>> -> memref<1x256x64xf32, #tpu.memory_space<vmem>>
        %get3A_545 = tpu.memref_squeeze %get3A_544 : memref<1x256x64xf32, #tpu.memory_space<vmem>> -> memref<256x64xf32, #tpu.memory_space<vmem>>
        %get3A_546 = arith.index_cast %add3A_508 : i32 to index
        %get3A_547 = arith.constant 32 : index
        %get3A_548 = tpu.vector_load %get3A_545[%get3A_546, %get3A_547] {strides = array<i32>} : memref<256x64xf32, #tpu.memory_space<vmem>>, vector<16xf32>,
        %mul3A_549 = arith.constant 8.000000e+00 : f32
        %mul3A_550 = vector.broadcast %mul3A_549 : f32 to vector<16xf32>
        %mul3A_551 = arith.mulf %get3A_548, %mul3A_550 : vector<16xf32>
        %scatter3A_552 = arith.constant 0 : i32
        %scatter3A_553 = arith.constant 0 : i32
        %scatter3A_554 = arith.constant 0 : i32
        %scatter3A_555 = arith.constant 0 : i32
        %scatter3A_556 = tpu.memref_slice %arg7[%scan3A_349, %scatter3A_552, %scatter3A_553, %scatter3A_554, %scatter3A_555] : memref<2x2x8x8x129xf32, #tpu.memory_space<vmem>> -> memref<1x2x8x8x129xf32, #tpu.memory_space<vmem>>
        %scatter3A_557 = tpu.memref_squeeze %scatter3A_556 : memref<1x2x8x8x129xf32, #tpu.memory_space<vmem>> -> memref<2x8x8x129xf32, #tpu.memory_space<vmem>>
        tpu.vector_store_idx %scatter3A_557[%broadcast_in_dim3A_347, %shift_right_arithmetic3A_17, %and3A_25, %broadcast_in_dim3A_509], %mul3A_551 : memref<2x8x8x129xf32, #tpu.memory_space<vmem>>[vector<16xi32>, vector<16xi32>, vector<16xi32>, vector<16xi32>], vector<16xf32>,
        %get3A_558 = arith.constant 0 : i32
        %get3A_559 = arith.constant 0 : i32
        %get3A_560 = tpu.memref_slice %arg6[%scan3A_348, %get3A_558, %get3A_559] : memref<2x256x64xf32, #tpu.memory_space<vmem>> -> memref<1x256x64xf32, #tpu.memory_space<vmem>>
        %get3A_561 = tpu.memref_squeeze %get3A_560 : memref<1x256x64xf32, #tpu.memory_space<vmem>> -> memref<256x64xf32, #tpu.memory_space<vmem>>
        %get3A_562 = arith.index_cast %add3A_508 : i32 to index
        %get3A_563 = arith.constant 48 : index
        %get3A_564 = tpu.vector_load %get3A_561[%get3A_562, %get3A_563] {strides = array<i32>} : memref<256x64xf32, #tpu.memory_space<vmem>>, vector<16xf32>,
        %mul3A_565 = arith.constant 8.000000e+00 : f32
        %mul3A_566 = vector.broadcast %mul3A_565 : f32 to vector<16xf32>
        %mul3A_567 = arith.mulf %get3A_564, %mul3A_566 : vector<16xf32>
        %scatter3A_568 = arith.constant 0 : i32
        %scatter3A_569 = arith.constant 0 : i32
        %scatter3A_570 = arith.constant 0 : i32
        %scatter3A_571 = arith.constant 0 : i32
        %scatter3A_572 = tpu.memref_slice %arg7[%scan3A_349, %scatter3A_568, %scatter3A_569, %scatter3A_570, %scatter3A_571] : memref<2x2x8x8x129xf32, #tpu.memory_space<vmem>> -> memref<1x2x8x8x129xf32, #tpu.memory_space<vmem>>
        %scatter3A_573 = tpu.memref_squeeze %scatter3A_572 : memref<1x2x8x8x129xf32, #tpu.memory_space<vmem>> -> memref<2x8x8x129xf32, #tpu.memory_space<vmem>>
        tpu.vector_store_idx %scatter3A_573[%broadcast_in_dim3A_347, %shift_right_arithmetic3A_23, %and3A_25, %broadcast_in_dim3A_509], %mul3A_567 : memref<2x8x8x129xf32, #tpu.memory_space<vmem>>[vector<16xi32>, vector<16xi32>, vector<16xi32>, vector<16xi32>], vector<16xf32>,
        %scan3A_574 = arith.constant 2 : i32
        %scan3A_575 = arith.addi %scan3A_431, %scan3A_574 : i32
        %mul3A_576 = arith.constant 1 : i32
        %mul3A_577 = arith.muli %scan3A_575, %mul3A_576 : i32
        %add3A_578 = arith.constant 0 : i32
        %add3A_579 = arith.addi %add3A_578, %mul3A_577 : i32
        %add3A_580 = arith.constant 128 : i32
        %add3A_581 = arith.addi %add3A_580, %add3A_579 : i32
        %broadcast_in_dim3A_582 = vector.broadcast %add3A_579 : i32 to vector<16xi32>
        %get3A_583 = arith.constant 0 : i32
        %get3A_584 = arith.constant 0 : i32
        %get3A_585 = tpu.memref_slice %arg6[%scan3A_348, %get3A_583, %get3A_584] : memref<2x256x64xf32, #tpu.memory_space<vmem>> -> memref<1x256x64xf32, #tpu.memory_space<vmem>>
        %get3A_586 = tpu.memref_squeeze %get3A_585 : memref<1x256x64xf32, #tpu.memory_space<vmem>> -> memref<256x64xf32, #tpu.memory_space<vmem>>
        %get3A_587 = arith.index_cast %add3A_581 : i32 to index
        %get3A_588 = arith.constant 0 : index
        %get3A_589 = tpu.vector_load %get3A_586[%get3A_587, %get3A_588] {strides = array<i32>} : memref<256x64xf32, #tpu.memory_space<vmem>>, vector<16xf32>,
        %mul3A_590 = arith.constant 8.000000e+00 : f32
        %mul3A_591 = vector.broadcast %mul3A_590 : f32 to vector<16xf32>
        %mul3A_592 = arith.mulf %get3A_589, %mul3A_591 : vector<16xf32>
        %scatter3A_593 = arith.constant 0 : i32
        %scatter3A_594 = arith.constant 0 : i32
        %scatter3A_595 = arith.constant 0 : i32
        %scatter3A_596 = arith.constant 0 : i32
        %scatter3A_597 = tpu.memref_slice %arg7[%scan3A_349, %scatter3A_593, %scatter3A_594, %scatter3A_595, %scatter3A_596] : memref<2x2x8x8x129xf32, #tpu.memory_space<vmem>> -> memref<1x2x8x8x129xf32, #tpu.memory_space<vmem>>
        %scatter3A_598 = tpu.memref_squeeze %scatter3A_597 : memref<1x2x8x8x129xf32, #tpu.memory_space<vmem>> -> memref<2x8x8x129xf32, #tpu.memory_space<vmem>>
        tpu.vector_store_idx %scatter3A_598[%broadcast_in_dim3A_347, %shift_right_arithmetic3A_5, %and3A_25, %broadcast_in_dim3A_582], %mul3A_592 : memref<2x8x8x129xf32, #tpu.memory_space<vmem>>[vector<16xi32>, vector<16xi32>, vector<16xi32>, vector<16xi32>], vector<16xf32>,
        %get3A_599 = arith.constant 0 : i32
        %get3A_600 = arith.constant 0 : i32
        %get3A_601 = tpu.memref_slice %arg6[%scan3A_348, %get3A_599, %get3A_600] : memref<2x256x64xf32, #tpu.memory_space<vmem>> -> memref<1x256x64xf32, #tpu.memory_space<vmem>>
        %get3A_602 = tpu.memref_squeeze %get3A_601 : memref<1x256x64xf32, #tpu.memory_space<vmem>> -> memref<256x64xf32, #tpu.memory_space<vmem>>
        %get3A_603 = arith.index_cast %add3A_581 : i32 to index
        %get3A_604 = arith.constant 16 : index
        %get3A_605 = tpu.vector_load %get3A_602[%get3A_603, %get3A_604] {strides = array<i32>} : memref<256x64xf32, #tpu.memory_space<vmem>>, vector<16xf32>,
        %mul3A_606 = arith.constant 8.000000e+00 : f32
        %mul3A_607 = vector.broadcast %mul3A_606 : f32 to vector<16xf32>
        %mul3A_608 = arith.mulf %get3A_605, %mul3A_607 : vector<16xf32>
        %scatter3A_609 = arith.constant 0 : i32
        %scatter3A_610 = arith.constant 0 : i32
        %scatter3A_611 = arith.constant 0 : i32
        %scatter3A_612 = arith.constant 0 : i32
        %scatter3A_613 = tpu.memref_slice %arg7[%scan3A_349, %scatter3A_609, %scatter3A_610, %scatter3A_611, %scatter3A_612] : memref<2x2x8x8x129xf32, #tpu.memory_space<vmem>> -> memref<1x2x8x8x129xf32, #tpu.memory_space<vmem>>
        %scatter3A_614 = tpu.memref_squeeze %scatter3A_613 : memref<1x2x8x8x129xf32, #tpu.memory_space<vmem>> -> memref<2x8x8x129xf32, #tpu.memory_space<vmem>>
        tpu.vector_store_idx %scatter3A_614[%broadcast_in_dim3A_347, %shift_right_arithmetic3A_11, %and3A_25, %broadcast_in_dim3A_582], %mul3A_608 : memref<2x8x8x129xf32, #tpu.memory_space<vmem>>[vector<16xi32>, vector<16xi32>, vector<16xi32>, vector<16xi32>], vector<16xf32>,
        %get3A_615 = arith.constant 0 : i32
        %get3A_616 = arith.constant 0 : i32
        %get3A_617 = tpu.memref_slice %arg6[%scan3A_348, %get3A_615, %get3A_616] : memref<2x256x64xf32, #tpu.memory_space<vmem>> -> memref<1x256x64xf32, #tpu.memory_space<vmem>>
        %get3A_618 = tpu.memref_squeeze %get3A_617 : memref<1x256x64xf32, #tpu.memory_space<vmem>> -> memref<256x64xf32, #tpu.memory_space<vmem>>
        %get3A_619 = arith.index_cast %add3A_581 : i32 to index
        %get3A_620 = arith.constant 32 : index
        %get3A_621 = tpu.vector_load %get3A_618[%get3A_619, %get3A_620] {strides = array<i32>} : memref<256x64xf32, #tpu.memory_space<vmem>>, vector<16xf32>,
        %mul3A_622 = arith.constant 8.000000e+00 : f32
        %mul3A_623 = vector.broadcast %mul3A_622 : f32 to vector<16xf32>
        %mul3A_624 = arith.mulf %get3A_621, %mul3A_623 : vector<16xf32>
        %scatter3A_625 = arith.constant 0 : i32
        %scatter3A_626 = arith.constant 0 : i32
        %scatter3A_627 = arith.constant 0 : i32
        %scatter3A_628 = arith.constant 0 : i32
        %scatter3A_629 = tpu.memref_slice %arg7[%scan3A_349, %scatter3A_625, %scatter3A_626, %scatter3A_627, %scatter3A_628] : memref<2x2x8x8x129xf32, #tpu.memory_space<vmem>> -> memref<1x2x8x8x129xf32, #tpu.memory_space<vmem>>
        %scatter3A_630 = tpu.memref_squeeze %scatter3A_629 : memref<1x2x8x8x129xf32, #tpu.memory_space<vmem>> -> memref<2x8x8x129xf32, #tpu.memory_space<vmem>>
        tpu.vector_store_idx %scatter3A_630[%broadcast_in_dim3A_347, %shift_right_arithmetic3A_17, %and3A_25, %broadcast_in_dim3A_582], %mul3A_624 : memref<2x8x8x129xf32, #tpu.memory_space<vmem>>[vector<16xi32>, vector<16xi32>, vector<16xi32>, vector<16xi32>], vector<16xf32>,
        %get3A_631 = arith.constant 0 : i32
        %get3A_632 = arith.constant 0 : i32
        %get3A_633 = tpu.memref_slice %arg6[%scan3A_348, %get3A_631, %get3A_632] : memref<2x256x64xf32, #tpu.memory_space<vmem>> -> memref<1x256x64xf32, #tpu.memory_space<vmem>>
        %get3A_634 = tpu.memref_squeeze %get3A_633 : memref<1x256x64xf32, #tpu.memory_space<vmem>> -> memref<256x64xf32, #tpu.memory_space<vmem>>
        %get3A_635 = arith.index_cast %add3A_581 : i32 to index
        %get3A_636 = arith.constant 48 : index
        %get3A_637 = tpu.vector_load %get3A_634[%get3A_635, %get3A_636] {strides = array<i32>} : memref<256x64xf32, #tpu.memory_space<vmem>>, vector<16xf32>,
        %mul3A_638 = arith.constant 8.000000e+00 : f32
        %mul3A_639 = vector.broadcast %mul3A_638 : f32 to vector<16xf32>
        %mul3A_640 = arith.mulf %get3A_637, %mul3A_639 : vector<16xf32>
        %scatter3A_641 = arith.constant 0 : i32
        %scatter3A_642 = arith.constant 0 : i32
        %scatter3A_643 = arith.constant 0 : i32
        %scatter3A_644 = arith.constant 0 : i32
        %scatter3A_645 = tpu.memref_slice %arg7[%scan3A_349, %scatter3A_641, %scatter3A_642, %scatter3A_643, %scatter3A_644] : memref<2x2x8x8x129xf32, #tpu.memory_space<vmem>> -> memref<1x2x8x8x129xf32, #tpu.memory_space<vmem>>
        %scatter3A_646 = tpu.memref_squeeze %scatter3A_645 : memref<1x2x8x8x129xf32, #tpu.memory_space<vmem>> -> memref<2x8x8x129xf32, #tpu.memory_space<vmem>>
        tpu.vector_store_idx %scatter3A_646[%broadcast_in_dim3A_347, %shift_right_arithmetic3A_23, %and3A_25, %broadcast_in_dim3A_582], %mul3A_640 : memref<2x8x8x129xf32, #tpu.memory_space<vmem>>[vector<16xi32>, vector<16xi32>, vector<16xi32>, vector<16xi32>], vector<16xf32>,
        %scan3A_647 = arith.constant 3 : i32
        %scan3A_648 = arith.addi %scan3A_431, %scan3A_647 : i32
        %mul3A_649 = arith.constant 1 : i32
        %mul3A_650 = arith.muli %scan3A_648, %mul3A_649 : i32
        %add3A_651 = arith.constant 0 : i32
        %add3A_652 = arith.addi %add3A_651, %mul3A_650 : i32
        %add3A_653 = arith.constant 128 : i32
        %add3A_654 = arith.addi %add3A_653, %add3A_652 : i32
        %broadcast_in_dim3A_655 = vector.broadcast %add3A_652 : i32 to vector<16xi32>
        %get3A_656 = arith.constant 0 : i32
        %get3A_657 = arith.constant 0 : i32
        %get3A_658 = tpu.memref_slice %arg6[%scan3A_348, %get3A_656, %get3A_657] : memref<2x256x64xf32, #tpu.memory_space<vmem>> -> memref<1x256x64xf32, #tpu.memory_space<vmem>>
        %get3A_659 = tpu.memref_squeeze %get3A_658 : memref<1x256x64xf32, #tpu.memory_space<vmem>> -> memref<256x64xf32, #tpu.memory_space<vmem>>
        %get3A_660 = arith.index_cast %add3A_654 : i32 to index
        %get3A_661 = arith.constant 0 : index
        %get3A_662 = tpu.vector_load %get3A_659[%get3A_660, %get3A_661] {strides = array<i32>} : memref<256x64xf32, #tpu.memory_space<vmem>>, vector<16xf32>,
        %mul3A_663 = arith.constant 8.000000e+00 : f32
        %mul3A_664 = vector.broadcast %mul3A_663 : f32 to vector<16xf32>
        %mul3A_665 = arith.mulf %get3A_662, %mul3A_664 : vector<16xf32>
        %scatter3A_666 = arith.constant 0 : i32
        %scatter3A_667 = arith.constant 0 : i32
        %scatter3A_668 = arith.constant 0 : i32
        %scatter3A_669 = arith.constant 0 : i32
        %scatter3A_670 = tpu.memref_slice %arg7[%scan3A_349, %scatter3A_666, %scatter3A_667, %scatter3A_668, %scatter3A_669] : memref<2x2x8x8x129xf32, #tpu.memory_space<vmem>> -> memref<1x2x8x8x129xf32, #tpu.memory_space<vmem>>
        %scatter3A_671 = tpu.memref_squeeze %scatter3A_670 : memref<1x2x8x8x129xf32, #tpu.memory_space<vmem>> -> memref<2x8x8x129xf32, #tpu.memory_space<vmem>>
        tpu.vector_store_idx %scatter3A_671[%broadcast_in_dim3A_347, %shift_right_arithmetic3A_5, %and3A_25, %broadcast_in_dim3A_655], %mul3A_665 : memref<2x8x8x129xf32, #tpu.memory_space<vmem>>[vector<16xi32>, vector<16xi32>, vector<16xi32>, vector<16xi32>], vector<16xf32>,
        %get3A_672 = arith.constant 0 : i32
        %get3A_673 = arith.constant 0 : i32
        %get3A_674 = tpu.memref_slice %arg6[%scan3A_348, %get3A_672, %get3A_673] : memref<2x256x64xf32, #tpu.memory_space<vmem>> -> memref<1x256x64xf32, #tpu.memory_space<vmem>>
        %get3A_675 = tpu.memref_squeeze %get3A_674 : memref<1x256x64xf32, #tpu.memory_space<vmem>> -> memref<256x64xf32, #tpu.memory_space<vmem>>
        %get3A_676 = arith.index_cast %add3A_654 : i32 to index
        %get3A_677 = arith.constant 16 : index
        %get3A_678 = tpu.vector_load %get3A_675[%get3A_676, %get3A_677] {strides = array<i32>} : memref<256x64xf32, #tpu.memory_space<vmem>>, vector<16xf32>,
        %mul3A_679 = arith.constant 8.000000e+00 : f32
        %mul3A_680 = vector.broadcast %mul3A_679 : f32 to vector<16xf32>
        %mul3A_681 = arith.mulf %get3A_678, %mul3A_680 : vector<16xf32>
        %scatter3A_682 = arith.constant 0 : i32
        %scatter3A_683 = arith.constant 0 : i32
        %scatter3A_684 = arith.constant 0 : i32
        %scatter3A_685 = arith.constant 0 : i32
        %scatter3A_686 = tpu.memref_slice %arg7[%scan3A_349, %scatter3A_682, %scatter3A_683, %scatter3A_684, %scatter3A_685] : memref<2x2x8x8x129xf32, #tpu.memory_space<vmem>> -> memref<1x2x8x8x129xf32, #tpu.memory_space<vmem>>
        %scatter3A_687 = tpu.memref_squeeze %scatter3A_686 : memref<1x2x8x8x129xf32, #tpu.memory_space<vmem>> -> memref<2x8x8x129xf32, #tpu.memory_space<vmem>>
        tpu.vector_store_idx %scatter3A_687[%broadcast_in_dim3A_347, %shift_right_arithmetic3A_11, %and3A_25, %broadcast_in_dim3A_655], %mul3A_681 : memref<2x8x8x129xf32, #tpu.memory_space<vmem>>[vector<16xi32>, vector<16xi32>, vector<16xi32>, vector<16xi32>], vector<16xf32>,
        %get3A_688 = arith.constant 0 : i32
        %get3A_689 = arith.constant 0 : i32
        %get3A_690 = tpu.memref_slice %arg6[%scan3A_348, %get3A_688, %get3A_689] : memref<2x256x64xf32, #tpu.memory_space<vmem>> -> memref<1x256x64xf32, #tpu.memory_space<vmem>>
        %get3A_691 = tpu.memref_squeeze %get3A_690 : memref<1x256x64xf32, #tpu.memory_space<vmem>> -> memref<256x64xf32, #tpu.memory_space<vmem>>
        %get3A_692 = arith.index_cast %add3A_654 : i32 to index
        %get3A_693 = arith.constant 32 : index
        %get3A_694 = tpu.vector_load %get3A_691[%get3A_692, %get3A_693] {strides = array<i32>} : memref<256x64xf32, #tpu.memory_space<vmem>>, vector<16xf32>,
        %mul3A_695 = arith.constant 8.000000e+00 : f32
        %mul3A_696 = vector.broadcast %mul3A_695 : f32 to vector<16xf32>
        %mul3A_697 = arith.mulf %get3A_694, %mul3A_696 : vector<16xf32>
        %scatter3A_698 = arith.constant 0 : i32
        %scatter3A_699 = arith.constant 0 : i32
        %scatter3A_700 = arith.constant 0 : i32
        %scatter3A_701 = arith.constant 0 : i32
        %scatter3A_702 = tpu.memref_slice %arg7[%scan3A_349, %scatter3A_698, %scatter3A_699, %scatter3A_700, %scatter3A_701] : memref<2x2x8x8x129xf32, #tpu.memory_space<vmem>> -> memref<1x2x8x8x129xf32, #tpu.memory_space<vmem>>
        %scatter3A_703 = tpu.memref_squeeze %scatter3A_702 : memref<1x2x8x8x129xf32, #tpu.memory_space<vmem>> -> memref<2x8x8x129xf32, #tpu.memory_space<vmem>>
        tpu.vector_store_idx %scatter3A_703[%broadcast_in_dim3A_347, %shift_right_arithmetic3A_17, %and3A_25, %broadcast_in_dim3A_655], %mul3A_697 : memref<2x8x8x129xf32, #tpu.memory_space<vmem>>[vector<16xi32>, vector<16xi32>, vector<16xi32>, vector<16xi32>], vector<16xf32>,
        %get3A_704 = arith.constant 0 : i32
        %get3A_705 = arith.constant 0 : i32
        %get3A_706 = tpu.memref_slice %arg6[%scan3A_348, %get3A_704, %get3A_705] : memref<2x256x64xf32, #tpu.memory_space<vmem>> -> memref<1x256x64xf32, #tpu.memory_space<vmem>>
        %get3A_707 = tpu.memref_squeeze %get3A_706 : memref<1x256x64xf32, #tpu.memory_space<vmem>> -> memref<256x64xf32, #tpu.memory_space<vmem>>
        %get3A_708 = arith.index_cast %add3A_654 : i32 to index
        %get3A_709 = arith.constant 48 : index
        %get3A_710 = tpu.vector_load %get3A_707[%get3A_708, %get3A_709] {strides = array<i32>} : memref<256x64xf32, #tpu.memory_space<vmem>>, vector<16xf32>,
        %mul3A_711 = arith.constant 8.000000e+00 : f32
        %mul3A_712 = vector.broadcast %mul3A_711 : f32 to vector<16xf32>
        %mul3A_713 = arith.mulf %get3A_710, %mul3A_712 : vector<16xf32>
        %scatter3A_714 = arith.constant 0 : i32
        %scatter3A_715 = arith.constant 0 : i32
        %scatter3A_716 = arith.constant 0 : i32
        %scatter3A_717 = arith.constant 0 : i32
        %scatter3A_718 = tpu.memref_slice %arg7[%scan3A_349, %scatter3A_714, %scatter3A_715, %scatter3A_716, %scatter3A_717] : memref<2x2x8x8x129xf32, #tpu.memory_space<vmem>> -> memref<1x2x8x8x129xf32, #tpu.memory_space<vmem>>
        %scatter3A_719 = tpu.memref_squeeze %scatter3A_718 : memref<1x2x8x8x129xf32, #tpu.memory_space<vmem>> -> memref<2x8x8x129xf32, #tpu.memory_space<vmem>>
        tpu.vector_store_idx %scatter3A_719[%broadcast_in_dim3A_347, %shift_right_arithmetic3A_23, %and3A_25, %broadcast_in_dim3A_655], %mul3A_713 : memref<2x8x8x129xf32, #tpu.memory_space<vmem>>[vector<16xi32>, vector<16xi32>, vector<16xi32>, vector<16xi32>], vector<16xf32>,
      }
      %scan3A_354 = arith.constant 128 : i32
      %mul3A_355 = arith.constant 4 : i32
      %mul3A_356 = arith.muli %mul3A_355, %add3A : i32
      %add3A_357 = arith.constant 2 : i32
      %add3A_358 = arith.addi %mul3A_356, %add3A_357 : i32
      %add3A_359 = arith.constant 0 : i32
      %add3A_360 = arith.addi %add3A_358, %add3A_359 : i32
      %dma_start3A_361 = arith.constant 1 : i32
      %dma_start3A_362 = arith.constant 0 : i32
      %dma_start3A_363 = arith.constant 0 : i32
      %dma_start3A_364 = arith.constant 0 : i32
      %dma_start3A_365 = arith.constant 0 : i32
      %dma_start3A_366 = arith.constant 0 : i32
      %dma_start3A_367 = tpu.memref_slice %arg7[%dma_start3A_361, %dma_start3A_363, %dma_start3A_364, %dma_start3A_365, %dma_start3A_366] : memref<2x2x8x8x129xf32, #tpu.memory_space<vmem>> -> memref<1x2x8x8x129xf32, #tpu.memory_space<vmem>>
      %dma_start3A_368 = tpu.memref_squeeze %dma_start3A_367 : memref<1x2x8x8x129xf32, #tpu.memory_space<vmem>> -> memref<2x8x8x129xf32, #tpu.memory_space<vmem>>
      %dma_start3A_369 = arith.constant 0 : i32
      %dma_start3A_370 = arith.constant 0 : i32
      %dma_start3A_371 = arith.constant 0 : i32
      %dma_start3A_372 = tpu.memref_slice %dma_start3A_368[%dma_start3A_362, %dma_start3A_369, %dma_start3A_370, %dma_start3A_371] : memref<2x8x8x129xf32, #tpu.memory_space<vmem>> -> memref<1x8x8x128xf32, #tpu.memory_space<vmem>>
      %dma_start3A_373 = tpu.memref_squeeze %dma_start3A_372 : memref<1x8x8x128xf32, #tpu.memory_space<vmem>> -> memref<8x8x128xf32, #tpu.memory_space<vmem>>
      %dma_start3A_374 = arith.constant 0 : i32
      %dma_start3A_375 = arith.constant 0 : i32
      %dma_start3A_376 = arith.constant 0 : i32
      %dma_start3A_377 = tpu.memref_slice %arg4[%add3A_293, %dma_start3A_374, %add3A_360, %dma_start3A_375, %dma_start3A_376] : memref<50x8x128x8x128xf32, #tpu.memory_space<hbm>> -> memref<1x8x1x8x128xf32, #tpu.memory_space<hbm>>
      %dma_start3A_378 = tpu.memref_squeeze %dma_start3A_377 : memref<1x8x1x8x128xf32, #tpu.memory_space<hbm>> -> memref<8x8x128xf32, #tpu.memory_space<hbm>>
      %dma_start3A_379 = arith.constant 0 : i32
      %dma_start3A_380 = arith.constant 0 : i32
      %dma_start3A_381 = arith.constant 0 : i32
      %dma_start3A_382 = tpu.memref_slice %arg4[%add3A_293, %dma_start3A_379, %add3A_360, %dma_start3A_380, %dma_start3A_381] : memref<50x8x128x8x128xf32, #tpu.memory_space<hbm>> -> memref<1x8x1x8x128xf32, #tpu.memory_space<hbm>>
      %dma_start3A_383 = tpu.memref_squeeze %dma_start3A_382 : memref<1x8x1x8x128xf32, #tpu.memory_space<hbm>> -> memref<8x8x128xf32, #tpu.memory_space<hbm>>
      %dma_start3A_384 = arith.constant 0 : i32
      %dma_start3A_385 = arith.constant 0 : i32
      %dma_start3A_386 = arith.constant 0 : i32
      %dma_start3A_387 = arith.constant 0 : i32
      %dma_start3A_388 = tpu.memref_slice %arg7[%dma_start3A_361, %dma_start3A_384, %dma_start3A_385, %dma_start3A_386, %dma_start3A_387] : memref<2x2x8x8x129xf32, #tpu.memory_space<vmem>> -> memref<1x2x8x8x129xf32, #tpu.memory_space<vmem>>
      %dma_start3A_389 = tpu.memref_squeeze %dma_start3A_388 : memref<1x2x8x8x129xf32, #tpu.memory_space<vmem>> -> memref<2x8x8x129xf32, #tpu.memory_space<vmem>>
      %dma_start3A_390 = arith.constant 0 : i32
      %dma_start3A_391 = arith.constant 0 : i32
      %dma_start3A_392 = arith.constant 0 : i32
      %dma_start3A_393 = tpu.memref_slice %dma_start3A_389[%dma_start3A_362, %dma_start3A_390, %dma_start3A_391, %dma_start3A_392] : memref<2x8x8x129xf32, #tpu.memory_space<vmem>> -> memref<1x8x8x128xf32, #tpu.memory_space<vmem>>
      %dma_start3A_394 = tpu.memref_squeeze %dma_start3A_393 : memref<1x8x8x128xf32, #tpu.memory_space<vmem>> -> memref<8x8x128xf32, #tpu.memory_space<vmem>>
      tpu.enqueue_dma source(%dma_start3A_394 : memref<8x8x128xf32, #tpu.memory_space<vmem>>) target(%dma_start3A_383 : memref<8x8x128xf32, #tpu.memory_space<hbm>>) target_semaphore(%arg11 : memref<!tpu.dma_semaphore, #tpu.memory_space<semaphore_mem>>)
      %add3A_395 = arith.constant 1 : i32
      %add3A_396 = arith.addi %add3A_358, %add3A_395 : i32
      %dma_start3A_397 = arith.constant 1 : i32
      %dma_start3A_398 = arith.constant 1 : i32
      %dma_start3A_399 = arith.constant 0 : i32
      %dma_start3A_400 = arith.constant 0 : i32
      %dma_start3A_401 = arith.constant 0 : i32
      %dma_start3A_402 = arith.constant 0 : i32
      %dma_start3A_403 = tpu.memref_slice %arg7[%dma_start3A_397, %dma_start3A_399, %dma_start3A_400, %dma_start3A_401, %dma_start3A_402] : memref<2x2x8x8x129xf32, #tpu.memory_space<vmem>> -> memref<1x2x8x8x129xf32, #tpu.memory_space<vmem>>
      %dma_start3A_404 = tpu.memref_squeeze %dma_start3A_403 : memref<1x2x8x8x129xf32, #tpu.memory_space<vmem>> -> memref<2x8x8x129xf32, #tpu.memory_space<vmem>>
      %dma_start3A_405 = arith.constant 0 : i32
      %dma_start3A_406 = arith.constant 0 : i32
      %dma_start3A_407 = arith.constant 0 : i32
      %dma_start3A_408 = tpu.memref_slice %dma_start3A_404[%dma_start3A_398, %dma_start3A_405, %dma_start3A_406, %dma_start3A_407] : memref<2x8x8x129xf32, #tpu.memory_space<vmem>> -> memref<1x8x8x128xf32, #tpu.memory_space<vmem>>
      %dma_start3A_409 = tpu.memref_squeeze %dma_start3A_408 : memref<1x8x8x128xf32, #tpu.memory_space<vmem>> -> memref<8x8x128xf32, #tpu.memory_space<vmem>>
      %dma_start3A_410 = arith.constant 0 : i32
      %dma_start3A_411 = arith.constant 0 : i32
      %dma_start3A_412 = arith.constant 0 : i32
      %dma_start3A_413 = tpu.memref_slice %arg4[%add3A_293, %dma_start3A_410, %add3A_396, %dma_start3A_411, %dma_start3A_412] : memref<50x8x128x8x128xf32, #tpu.memory_space<hbm>> -> memref<1x8x1x8x128xf32, #tpu.memory_space<hbm>>
      %dma_start3A_414 = tpu.memref_squeeze %dma_start3A_413 : memref<1x8x1x8x128xf32, #tpu.memory_space<hbm>> -> memref<8x8x128xf32, #tpu.memory_space<hbm>>
      %dma_start3A_415 = arith.constant 0 : i32
      %dma_start3A_416 = arith.constant 0 : i32
      %dma_start3A_417 = arith.constant 0 : i32
      %dma_start3A_418 = tpu.memref_slice %arg4[%add3A_293, %dma_start3A_415, %add3A_396, %dma_start3A_416, %dma_start3A_417] : memref<50x8x128x8x128xf32, #tpu.memory_space<hbm>> -> memref<1x8x1x8x128xf32, #tpu.memory_space<hbm>>
      %dma_start3A_419 = tpu.memref_squeeze %dma_start3A_418 : memref<1x8x1x8x128xf32, #tpu.memory_space<hbm>> -> memref<8x8x128xf32, #tpu.memory_space<hbm>>
      %dma_start3A_420 = arith.constant 0 : i32
      %dma_start3A_421 = arith.constant 0 : i32
      %dma_start3A_422 = arith.constant 0 : i32
      %dma_start3A_423 = arith.constant 0 : i32
      %dma_start3A_424 = tpu.memref_slice %arg7[%dma_start3A_397, %dma_start3A_420, %dma_start3A_421, %dma_start3A_422, %dma_start3A_423] : memref<2x2x8x8x129xf32, #tpu.memory_space<vmem>> -> memref<1x2x8x8x129xf32, #tpu.memory_space<vmem>>
      %dma_start3A_425 = tpu.memref_squeeze %dma_start3A_424 : memref<1x2x8x8x129xf32, #tpu.memory_space<vmem>> -> memref<2x8x8x129xf32, #tpu.memory_space<vmem>>
      %dma_start3A_426 = arith.constant 0 : i32
      %dma_start3A_427 = arith.constant 0 : i32
      %dma_start3A_428 = arith.constant 0 : i32
      %dma_start3A_429 = tpu.memref_slice %dma_start3A_425[%dma_start3A_398, %dma_start3A_426, %dma_start3A_427, %dma_start3A_428] : memref<2x8x8x129xf32, #tpu.memory_space<vmem>> -> memref<1x8x8x128xf32, #tpu.memory_space<vmem>>
      %dma_start3A_430 = tpu.memref_squeeze %dma_start3A_429 : memref<1x8x8x128xf32, #tpu.memory_space<vmem>> -> memref<8x8x128xf32, #tpu.memory_space<vmem>>
      tpu.enqueue_dma source(%dma_start3A_430 : memref<8x8x128xf32, #tpu.memory_space<vmem>>) target(%dma_start3A_419 : memref<8x8x128xf32, #tpu.memory_space<hbm>>) target_semaphore(%arg11 : memref<!tpu.dma_semaphore, #tpu.memory_space<semaphore_mem>>)
    }
    %scan3A_54 = arith.constant 50 : i32
    %dma_wait3A = arith.constant 0 : i32
    %dma_wait3A_55 = arith.constant 0 : i32
    %dma_wait3A_56 = arith.constant 0 : i32
    %dma_wait3A_57 = arith.constant 0 : i32
    %dma_wait3A_58 = arith.constant 0 : i32
    %dma_wait3A_59 = arith.constant 0 : i32
    %dma_wait3A_60 = arith.constant 0 : i32
    %dma_wait3A_61 = tpu.memref_slice %arg7[%dma_wait3A, %dma_wait3A_55, %dma_wait3A_58, %dma_wait3A_59, %dma_wait3A_60] : memref<2x2x8x8x129xf32, #tpu.memory_space<vmem>> -> memref<1x1x8x8x128xf32, #tpu.memory_space<vmem>>
    %dma_wait3A_62 = tpu.memref_squeeze %dma_wait3A_61 : memref<1x1x8x8x128xf32, #tpu.memory_space<vmem>> -> memref<8x8x128xf32, #tpu.memory_space<vmem>>
    %dma_wait3A_63 = arith.constant 0 : i32
    %dma_wait3A_64 = arith.constant 0 : i32
    %dma_wait3A_65 = arith.constant 0 : i32
    %dma_wait3A_66 = tpu.memref_slice %arg4[%dma_wait3A_56, %dma_wait3A_63, %dma_wait3A_57, %dma_wait3A_64, %dma_wait3A_65] : memref<50x8x128x8x128xf32, #tpu.memory_space<hbm>> -> memref<1x8x1x8x128xf32, #tpu.memory_space<hbm>>
    %dma_wait3A_67 = tpu.memref_squeeze %dma_wait3A_66 : memref<1x8x1x8x128xf32, #tpu.memory_space<hbm>> -> memref<8x8x128xf32, #tpu.memory_space<hbm>>
    %dma_wait3A_68 = arith.constant 0 : i32
    %dma_wait3A_69 = arith.constant 0 : i32
    %dma_wait3A_70 = arith.constant 0 : i32
    %dma_wait3A_71 = tpu.memref_slice %arg4[%dma_wait3A_56, %dma_wait3A_68, %dma_wait3A_57, %dma_wait3A_69, %dma_wait3A_70] : memref<50x8x128x8x128xf32, #tpu.memory_space<hbm>> -> memref<1x8x1x8x128xf32, #tpu.memory_space<hbm>>
    %dma_wait3A_72 = tpu.memref_squeeze %dma_wait3A_71 : memref<1x8x1x8x128xf32, #tpu.memory_space<hbm>> -> memref<8x8x128xf32, #tpu.memory_space<hbm>>
    %dma_wait3A_73 = arith.constant 0 : i32
    %dma_wait3A_74 = arith.constant 0 : i32
    %dma_wait3A_75 = arith.constant 0 : i32
    %dma_wait3A_76 = tpu.memref_slice %arg7[%dma_wait3A, %dma_wait3A_55, %dma_wait3A_73, %dma_wait3A_74, %dma_wait3A_75] : memref<2x2x8x8x129xf32, #tpu.memory_space<vmem>> -> memref<1x1x8x8x128xf32, #tpu.memory_space<vmem>>
    %dma_wait3A_77 = tpu.memref_squeeze %dma_wait3A_76 : memref<1x1x8x8x128xf32, #tpu.memory_space<vmem>> -> memref<8x8x128xf32, #tpu.memory_space<vmem>>
    tpu.wait_dma2 semaphore(%arg10 : memref<!tpu.dma_semaphore, #tpu.memory_space<semaphore_mem>>) src(%dma_wait3A_77 : memref<8x8x128xf32, #tpu.memory_space<vmem>>) dst(%dma_wait3A_72 : memref<8x8x128xf32, #tpu.memory_space<hbm>>)
    %dma_wait3A_78 = arith.constant 0 : i32
    %dma_wait3A_79 = arith.constant 1 : i32
    %dma_wait3A_80 = arith.constant 0 : i32
    %dma_wait3A_81 = arith.constant 1 : i32
    %dma_wait3A_82 = arith.constant 0 : i32
    %dma_wait3A_83 = arith.constant 0 : i32
    %dma_wait3A_84 = arith.constant 0 : i32
    %dma_wait3A_85 = tpu.memref_slice %arg7[%dma_wait3A_78, %dma_wait3A_79, %dma_wait3A_82, %dma_wait3A_83, %dma_wait3A_84] : memref<2x2x8x8x129xf32, #tpu.memory_space<vmem>> -> memref<1x1x8x8x128xf32, #tpu.memory_space<vmem>>
    %dma_wait3A_86 = tpu.memref_squeeze %dma_wait3A_85 : memref<1x1x8x8x128xf32, #tpu.memory_space<vmem>> -> memref<8x8x128xf32, #tpu.memory_space<vmem>>
    %dma_wait3A_87 = arith.constant 0 : i32
    %dma_wait3A_88 = arith.constant 0 : i32
    %dma_wait3A_89 = arith.constant 0 : i32
    %dma_wait3A_90 = tpu.memref_slice %arg4[%dma_wait3A_80, %dma_wait3A_87, %dma_wait3A_81, %dma_wait3A_88, %dma_wait3A_89] : memref<50x8x128x8x128xf32, #tpu.memory_space<hbm>> -> memref<1x8x1x8x128xf32, #tpu.memory_space<hbm>>
    %dma_wait3A_91 = tpu.memref_squeeze %dma_wait3A_90 : memref<1x8x1x8x128xf32, #tpu.memory_space<hbm>> -> memref<8x8x128xf32, #tpu.memory_space<hbm>>
    %dma_wait3A_92 = arith.constant 0 : i32
    %dma_wait3A_93 = arith.constant 0 : i32
    %dma_wait3A_94 = arith.constant 0 : i32
    %dma_wait3A_95 = tpu.memref_slice %arg4[%dma_wait3A_80, %dma_wait3A_92, %dma_wait3A_81, %dma_wait3A_93, %dma_wait3A_94] : memref<50x8x128x8x128xf32, #tpu.memory_space<hbm>> -> memref<1x8x1x8x128xf32, #tpu.memory_space<hbm>>
    %dma_wait3A_96 = tpu.memref_squeeze %dma_wait3A_95 : memref<1x8x1x8x128xf32, #tpu.memory_space<hbm>> -> memref<8x8x128xf32, #tpu.memory_space<hbm>>
    %dma_wait3A_97 = arith.constant 0 : i32
    %dma_wait3A_98 = arith.constant 0 : i32
    %dma_wait3A_99 = arith.constant 0 : i32
    %dma_wait3A_100 = tpu.memref_slice %arg7[%dma_wait3A_78, %dma_wait3A_79, %dma_wait3A_97, %dma_wait3A_98, %dma_wait3A_99] : memref<2x2x8x8x129xf32, #tpu.memory_space<vmem>> -> memref<1x1x8x8x128xf32, #tpu.memory_space<vmem>>
    %dma_wait3A_101 = tpu.memref_squeeze %dma_wait3A_100 : memref<1x1x8x8x128xf32, #tpu.memory_space<vmem>> -> memref<8x8x128xf32, #tpu.memory_space<vmem>>
    tpu.wait_dma2 semaphore(%arg10 : memref<!tpu.dma_semaphore, #tpu.memory_space<semaphore_mem>>) src(%dma_wait3A_101 : memref<8x8x128xf32, #tpu.memory_space<vmem>>) dst(%dma_wait3A_96 : memref<8x8x128xf32, #tpu.memory_space<hbm>>)
    %dma_wait3A_102 = arith.constant 1 : i32
    %dma_wait3A_103 = arith.constant 0 : i32
    %dma_wait3A_104 = arith.constant 0 : i32
    %dma_wait3A_105 = arith.constant 0 : i32
    %dma_wait3A_106 = arith.constant 0 : i32
    %dma_wait3A_107 = arith.constant 0 : i32
    %dma_wait3A_108 = arith.constant 0 : i32
    %dma_wait3A_109 = tpu.memref_slice %arg7[%dma_wait3A_102, %dma_wait3A_103, %dma_wait3A_106, %dma_wait3A_107, %dma_wait3A_108] : memref<2x2x8x8x129xf32, #tpu.memory_space<vmem>> -> memref<1x1x8x8x128xf32, #tpu.memory_space<vmem>>
    %dma_wait3A_110 = tpu.memref_squeeze %dma_wait3A_109 : memref<1x1x8x8x128xf32, #tpu.memory_space<vmem>> -> memref<8x8x128xf32, #tpu.memory_space<vmem>>
    %dma_wait3A_111 = arith.constant 0 : i32
    %dma_wait3A_112 = arith.constant 0 : i32
    %dma_wait3A_113 = arith.constant 0 : i32
    %dma_wait3A_114 = tpu.memref_slice %arg4[%dma_wait3A_104, %dma_wait3A_111, %dma_wait3A_105, %dma_wait3A_112, %dma_wait3A_113] : memref<50x8x128x8x128xf32, #tpu.memory_space<hbm>> -> memref<1x8x1x8x128xf32, #tpu.memory_space<hbm>>
    %dma_wait3A_115 = tpu.memref_squeeze %dma_wait3A_114 : memref<1x8x1x8x128xf32, #tpu.memory_space<hbm>> -> memref<8x8x128xf32, #tpu.memory_space<hbm>>
    %dma_wait3A_116 = arith.constant 0 : i32
    %dma_wait3A_117 = arith.constant 0 : i32
    %dma_wait3A_118 = arith.constant 0 : i32
    %dma_wait3A_119 = tpu.memref_slice %arg4[%dma_wait3A_104, %dma_wait3A_116, %dma_wait3A_105, %dma_wait3A_117, %dma_wait3A_118] : memref<50x8x128x8x128xf32, #tpu.memory_space<hbm>> -> memref<1x8x1x8x128xf32, #tpu.memory_space<hbm>>
    %dma_wait3A_120 = tpu.memref_squeeze %dma_wait3A_119 : memref<1x8x1x8x128xf32, #tpu.memory_space<hbm>> -> memref<8x8x128xf32, #tpu.memory_space<hbm>>
    %dma_wait3A_121 = arith.constant 0 : i32
    %dma_wait3A_122 = arith.constant 0 : i32
    %dma_wait3A_123 = arith.constant 0 : i32
    %dma_wait3A_124 = tpu.memref_slice %arg7[%dma_wait3A_102, %dma_wait3A_103, %dma_wait3A_121, %dma_wait3A_122, %dma_wait3A_123] : memref<2x2x8x8x129xf32, #tpu.memory_space<vmem>> -> memref<1x1x8x8x128xf32, #tpu.memory_space<vmem>>
    %dma_wait3A_125 = tpu.memref_squeeze %dma_wait3A_124 : memref<1x1x8x8x128xf32, #tpu.memory_space<vmem>> -> memref<8x8x128xf32, #tpu.memory_space<vmem>>
    tpu.wait_dma2 semaphore(%arg11 : memref<!tpu.dma_semaphore, #tpu.memory_space<semaphore_mem>>) src(%dma_wait3A_125 : memref<8x8x128xf32, #tpu.memory_space<vmem>>) dst(%dma_wait3A_120 : memref<8x8x128xf32, #tpu.memory_space<hbm>>)
    %dma_wait3A_126 = arith.constant 1 : i32
    %dma_wait3A_127 = arith.constant 1 : i32
    %dma_wait3A_128 = arith.constant 0 : i32
    %dma_wait3A_129 = arith.constant 1 : i32
    %dma_wait3A_130 = arith.constant 0 : i32
    %dma_wait3A_131 = arith.constant 0 : i32
    %dma_wait3A_132 = arith.constant 0 : i32
    %dma_wait3A_133 = tpu.memref_slice %arg7[%dma_wait3A_126, %dma_wait3A_127, %dma_wait3A_130, %dma_wait3A_131, %dma_wait3A_132] : memref<2x2x8x8x129xf32, #tpu.memory_space<vmem>> -> memref<1x1x8x8x128xf32, #tpu.memory_space<vmem>>
    %dma_wait3A_134 = tpu.memref_squeeze %dma_wait3A_133 : memref<1x1x8x8x128xf32, #tpu.memory_space<vmem>> -> memref<8x8x128xf32, #tpu.memory_space<vmem>>
    %dma_wait3A_135 = arith.constant 0 : i32
    %dma_wait3A_136 = arith.constant 0 : i32
    %dma_wait3A_137 = arith.constant 0 : i32
    %dma_wait3A_138 = tpu.memref_slice %arg4[%dma_wait3A_128, %dma_wait3A_135, %dma_wait3A_129, %dma_wait3A_136, %dma_wait3A_137] : memref<50x8x128x8x128xf32, #tpu.memory_space<hbm>> -> memref<1x8x1x8x128xf32, #tpu.memory_space<hbm>>
    %dma_wait3A_139 = tpu.memref_squeeze %dma_wait3A_138 : memref<1x8x1x8x128xf32, #tpu.memory_space<hbm>> -> memref<8x8x128xf32, #tpu.memory_space<hbm>>
    %dma_wait3A_140 = arith.constant 0 : i32
    %dma_wait3A_141 = arith.constant 0 : i32
    %dma_wait3A_142 = arith.constant 0 : i32
    %dma_wait3A_143 = tpu.memref_slice %arg4[%dma_wait3A_128, %dma_wait3A_140, %dma_wait3A_129, %dma_wait3A_141, %dma_wait3A_142] : memref<50x8x128x8x128xf32, #tpu.memory_space<hbm>> -> memref<1x8x1x8x128xf32, #tpu.memory_space<hbm>>
    %dma_wait3A_144 = tpu.memref_squeeze %dma_wait3A_143 : memref<1x8x1x8x128xf32, #tpu.memory_space<hbm>> -> memref<8x8x128xf32, #tpu.memory_space<hbm>>
    %dma_wait3A_145 = arith.constant 0 : i32
    %dma_wait3A_146 = arith.constant 0 : i32
    %dma_wait3A_147 = arith.constant 0 : i32
    %dma_wait3A_148 = tpu.memref_slice %arg7[%dma_wait3A_126, %dma_wait3A_127, %dma_wait3A_145, %dma_wait3A_146, %dma_wait3A_147] : memref<2x2x8x8x129xf32, #tpu.memory_space<vmem>> -> memref<1x1x8x8x128xf32, #tpu.memory_space<vmem>>
    %dma_wait3A_149 = tpu.memref_squeeze %dma_wait3A_148 : memref<1x1x8x8x128xf32, #tpu.memory_space<vmem>> -> memref<8x8x128xf32, #tpu.memory_space<vmem>>
    tpu.wait_dma2 semaphore(%arg11 : memref<!tpu.dma_semaphore, #tpu.memory_space<semaphore_mem>>) src(%dma_wait3A_149 : memref<8x8x128xf32, #tpu.memory_space<vmem>>) dst(%dma_wait3A_144 : memref<8x8x128xf32, #tpu.memory_space<hbm>>)
    return
  }
}

</mosaic_0001>

<sc_bundles>
// kernel: kernel.3.cloned.1.call-start
scs
__scs_entry_jumppad:
0x0: {  	(pc) =	sbr.rel $0x88, $3  }
0x1: {  	(tag) =	ssettag $0x0;
	lr =	simm.s32 $0x1  }
0x2: {  	[smem:$0x3F9F] =	sst lr;
	_ =	strace $0xD0000000  }
0x3: {  	_ = 	snop  }
0x4: {  	_ = 	snop  }
0x5: {  	_ = 	snop  }
0x6: {  	_ = 	snop  }
0x7: {  	_ = 	snop  }
__scs_overlays_trampoline_lowered:
0x8: {  	[smem:$0x3FAE] =	sst s0  }
0x9: {  	[smem:$0x3FAF] =	sst s1  }
0xa: {  	[smem:$0x3FB0] =	sst s2  }
0xb: {  	[smem:$0x3FB1] =	sst s3  }
0xc: {  	[smem:$0x3FB2] =	sst s4  }
0xd: {  	[smem:$0x3FB3] =	sst s5  }
0xe: {  	[smem:$0x3FB4] =	sst s6  }
0xf: {  	[smem:$0x3FB5] =	sst s7  }
0x10: {  	[smem:$0x3FB6] =	sst s8  }
0x11: {  	[smem:$0x3FB7] =	sst s9;
	s0 =	simm.s32 @!p0 $0x0  }
0x12: {  	s1 =	sld [smem:$0x3F9D];
	s0 =	simm.s32 @p0 $0x1  }
0x13: {  	[smem:$0x3FB8] =	sst s0;
	s0 =	simm.s32 @!p1 $0x0  }
0x14: {  	s2 =	sld [smem:$0x3F9C];
	s0 =	simm.s32 @p1 $0x1  }
0x15: {  	[smem:$0x3FB9] =	sst s0;
	s0 =	simm.s32 @!p2 $0x0  }
0x16: {  	s3 =	sld [smem:$0x3FDB];
	s0 =	simm.s32 @p2 $0x1  }
0x17: {  	s4 =	simm.s32 $0x1BF5;
	[smem:$0x3FBB] =	sst s0  }
0x18: {  	s0 =	sld [smem:$0x3F9E];
	_ =	swait.ge [sflag:s4], $0x0  }
0x19: {  	s7 =	sld [smem:$0x3F9F]  }
0x1a: {  	s8 =	sadd.s32 $0xFFFFE003, lr  }
0x1b: {  	s9 =	sadd.s32 $0xFFFFFEF7, lr;
	s5 =	simm.s32 $0xFFFFFFFF;
	p2 =	slt.u32 s8, $0xFFFFF086  }
0x1c: {  	p1 =	slt.u32 s9, $0xF7A;
	s5 =	simm.s32 @!p2 $0x0  }
0x1d: {  	s5 =	simm.s32 @p1 $0x1;
	p0 =	seq.s32 s7, s2  }
0x1e: {  	s7 =	smul.u32 @!p0 $0xF7A, s2;
	p2 =	seq.s32 @!p0 s5, $0x0  }
0x1f: {  	s9 =	smul.u32 $0xF7A, s1;
	s8 =	simm.s32 @!p0 $0x1BF5;
	p2 =	por !p2, p0  }
0x20: {  	[sflag:s8] =	ssyncset.s32 @!p0 $0xFFFFF086;
	s6 =	sadd.s32 @!p0 s3, s7;
	s7 =	simm.s32 @!p0 $0x108  }
0x21: {  	s3 =	sadd.s32 s3, s9;
	s6 =	sadd.s32 @!p0 $0x88, s6;
	s7 =	simm.s32 @p2 $0x1082  }
0x22: {  	[simem:s7], [sflag:s8] =	dma.local @!p0 [hbm:s6], $0xF7A  }
0x23: {  	s9 =	sor.u32 $0xD0000000, s2;
	s6 =	simm.s32 $0x108;
	_ =	swait.ge @!p0 [sflag:s8], $0x0  }
0x24: {  	s3 =	sadd.s32 $0x88, s3;
	s6 =	simm.s32 @!p1 $0x1082;
	[sflag:s4] =	ssyncset.s32 $0xFFFFF086  }
0x25: {  	[simem:s6], [sflag:s4] =	dma.local [hbm:s3], $0xF7A  }
0x26: {  	[smem:$0x3F9F] =	sst s1;
	(tag) =	ssettag s2;
	_ =	strace s9  }
0x27: {  	s1 =	sld [smem:$0x3FAF]  }
0x28: {  	s2 =	sld [smem:$0x3FB0]  }
0x29: {  	s4 =	sld [smem:$0x3FB2]  }
0x2a: {  	p0 =	seq.s32 s5, $0x0;
	s5 =	sld [smem:$0x3FB3]  }
0x2b: {  	s6 =	sld [smem:$0x3FB4]  }
0x2c: {  	s7 =	sld [smem:$0x3FB5]  }
0x2d: {  	s3 =	simm.s32 $0x108;
	s8 =	sld [smem:$0x3FB6]  }
0x2e: {  	s3 =	simm.s32 @!p0 $0x1082;
	s9 =	sld [smem:$0x3FB7]  }
0x2f: {  	lr =	sadd.s32 s0, s3;
	s0 =	sld [smem:$0x3FAE]  }
0x30: {  	s3 =	sld [smem:$0x3FB1]  }
0x31: {  	[smem:$0x3FBA] =	sst s10  }
0x32: {  	s10 =	sld [smem:$0x3FB8];
	_ =	sdelay $0x3  }
0x33: {  	p0 =	seq.s32 s10, $0x1;
	s10 =	sld [smem:$0x3FBA];
	_ =	sdelay $0x3  }
0x34: {  	[smem:$0x3FBA] =	sst s10  }
0x35: {  	s10 =	sld [smem:$0x3FB9];
	_ =	sdelay $0x3  }
0x36: {  	p1 =	seq.s32 s10, $0x1;
	s10 =	sld [smem:$0x3FBA];
	_ =	sdelay $0x3  }
0x37: {  	[smem:$0x3FBA] =	sst s10  }
0x38: {  	s10 =	sld [smem:$0x3FBB]  }
0x39: {  	_ = 	snop;
	(pc) =	sbr.ind lr, $3  }
0x3a: {  	_ = 	snop  }
0x3b: {  	_ = 	snop  }
0x3c: {  	p2 =	seq.s32 s10, $0x1;
	s10 =	sld [smem:$0x3FBA]  }
0x3d: {  	_ =	shalt  }
0x3e: {  	_ =	shalt  }
0x3f: {  	_ =	shalt  }
0x40: {  	_ =	shalt  }
0x41: {  	_ =	shalt  }
0x42: {  	_ =	shalt  }
0x43: {  	_ =	shalt  }
0x44: {  	_ =	shalt  }
0x45: {  	_ =	shalt  }
0x46: {  	_ =	shalt  }
0x47: {  	_ =	shalt  }
0x48: {  	_ =	shalt  }
0x49: {  	_ =	shalt  }
0x4a: {  	_ =	shalt  }
0x4b: {  	_ =	shalt  }
0x4c: {  	_ =	shalt  }
0x4d: {  	_ =	shalt  }
0x4e: {  	_ =	shalt  }
0x4f: {  	_ =	shalt  }
0x50: {  	_ =	shalt  }
0x51: {  	_ =	shalt  }
0x52: {  	_ =	shalt  }
0x53: {  	_ =	shalt  }
0x54: {  	_ =	shalt  }
0x55: {  	_ =	shalt  }
0x56: {  	_ =	shalt  }
0x57: {  	_ =	shalt  }
0x58: {  	_ =	shalt  }
0x59: {  	_ =	shalt  }
0x5a: {  	_ =	shalt  }
0x5b: {  	_ =	shalt  }
0x5c: {  	_ =	shalt  }
0x5d: {  	_ =	shalt  }
0x5e: {  	_ =	shalt  }
0x5f: {  	_ =	shalt  }
0x60: {  	_ =	shalt  }
0x61: {  	_ =	shalt  }
0x62: {  	_ =	shalt  }
0x63: {  	_ =	shalt  }
0x64: {  	_ =	shalt  }
0x65: {  	_ =	shalt  }
0x66: {  	_ =	shalt  }
0x67: {  	_ =	shalt  }
0x68: {  	_ =	shalt  }
0x69: {  	_ =	shalt  }
0x6a: {  	_ =	shalt  }
0x6b: {  	_ =	shalt  }
0x6c: {  	_ =	shalt  }
0x6d: {  	_ =	shalt  }
0x6e: {  	_ =	shalt  }
0x6f: {  	_ =	shalt  }
0x70: {  	_ =	shalt  }
0x71: {  	_ =	shalt  }
0x72: {  	_ =	shalt  }
0x73: {  	_ =	shalt  }
0x74: {  	_ =	shalt  }
0x75: {  	_ =	shalt  }
0x76: {  	_ =	shalt  }
0x77: {  	_ =	shalt  }
0x78: {  	_ =	shalt  }
0x79: {  	_ =	shalt  }
0x7a: {  	_ =	shalt  }
0x7b: {  	_ =	shalt  }
0x7c: {  	_ =	shalt  }
0x7d: {  	_ =	shalt  }
0x7e: {  	_ =	shalt  }
0x7f: {  	_ =	shalt  }
0x80: {  	_ =	shalt  }
0x81: {  	_ =	shalt  }
0x82: {  	_ =	shalt  }
0x83: {  	_ =	shalt  }
0x84: {  	_ =	shalt  }
0x85: {  	_ =	shalt  }
0x86: {  	_ =	shalt  }
0x87: {  	_ =	shalt  }
.Lfunc_end0:
.L_simem_size_0:
called_computation_lowered:
.L_overlay_start_0:
0x88: {  	s2 =	sld [smem:$0x3FD9]  }
0x89: {  	s3 =	sld [smem:$0x3FFE];
	_ =	sdelay $0x1  }
0x8a: {  	s1 =	srdreg.scid  }
0x8b: {  	s0 =	sand.u32 $0x1, s1  }
0x8c: {  	s17 =	sshll.u32 s0, $0xA;
	s2 =	sadd.s32 s3, s2  }
0x8d: {  	s2 =	sadd.s32 s2, s17  }
0x8e: {  	[smem:$0x3FC6] =	sst s2  }
0x8f: {  	_ = 	snop  }
0x90: {  	s2 =	sld [smem:$0x3FD0];
	(tm) =	ssettm $0x1  }
0x91: {  	s18 =	sld [smem:$0x3FFB];
	_ =	sdelay $0x3  }
0x92: {  	_ =	strace s18  }
0x93: {  	s3 =	sld [smem:$0x3FFC];
	_ =	sdelay $0x3  }
0x94: {  	_ =	strace s3  }
0x95: {  	s3 =	sld [smem:$0x3FFD];
	_ =	sdelay $0x3  }
0x96: {  	_ =	strace s3  }
0x97: {  	_ =	strace $0x8FFFFFFF  }
0x98: {  	s19 =	sld [smem:$0x3FDB];
	_ =	sdelay $0x1  }
0x99: {  	s4 =	simm.s32 $_scs_section_size  }
0x9a: {  	s5 =	simm.s32 $_size__tile_overlayer_lowered;
	s6 =	simm.s32 $_tile_overlayer_lowered  }
0x9b: {  	s22 =	simm.s32 $0x1BFF;
	s21 =	sshll.u32 s6, $0x1;
	s3 =	sadd.s32 s4, s19  }
0x9c: {  	s7 =	simm.s32 $0x0;
	s20 =	sshll.u32 s5, $0x1;
	s5 =	sadd.s32 s21, s3  }
0x9d: {  	[timem:s7], [sflag:s22] =	dma.local [hbm:s5], s20  }
0x9e: {  	_ =	swait.ge [sflag:s22], s20  }
0x9f: {  	s4 =	ssub.s32 $0x0, s20;
	[sflag:s22] =	ssyncset.done $0x0  }
0xa0: {  	[sflag:s22] =	ssyncadd.s32 s4;
	_ =	sdelay $0x1  }
0xa1: {  	s23 =	simm.s32 $0x1B8B  }
0xa2: {  	_ =	swait.ge [sflag:s23], $0x1  }
0xa3: {  	[sflag:s23] =	ssyncset.done $0x0  }
0xa4: {  	s25 =	simm.s32 $0x1B8E;
	s24 =	sld [smem:$0x3FFE];
	[sflag:s23] =	ssyncadd.s32 $0xFFFFFFFF  }
0xa5: {  	s26 =	simm.s32 $execute0_lowered;
	[smem:$0x3FD2] =	sst s25  }
0xa6: {  	s5 =	sshll.u32 s26, $0x1;
	_ =	strace $0x80000046;
	[dreg:$0x1] =	wrdreg $0xFFFFFFFF  }
0xa7: {  	s28 =	simm.s32 $_size_execute0_lowered;
	s3 =	sadd.s32 s3, s5;
	[dreg:$0x0] =	wrdreg $0x0  }
0xa8: {  	s5 =	sshll.u32 s28, $0x1;
	[dreg:$0x2] =	wrdreg s3  }
0xa9: {  	[dreg:$0x3] =	wrdreg s5  }
0xaa: {  	[dreg:$0x4] =	wrdreg $0xC0  }
0xab: {  	_ =	task [dreg:s7], $0x5FFFF  }
0xac: {  	[dreg:$0x1] =	wrdreg $0xFFFFFFFF  }
0xad: {  	[dreg:$0x0] =	wrdreg $0x60  }
0xae: {  	[dreg:$0x2] =	wrdreg s24  }
0xaf: {  	[dreg:$0x3] =	wrdreg s2  }
0xb0: {  	[dreg:$0x4] =	wrdreg $0x9  }
0xb1: {  	_ =	task.clear_ibuf [dreg:s7], $0x5FFFF;
	_ =	strace $0x90000046  }
0xb2: {  	s29 =	simm.s32 $0x9;
	_ =	strace $0x80000048  }
0xb3: {  	_ =	swait.ge [sflag:s29], $0x1  }
0xb4: {  	[sflag:s29] =	ssyncadd.s32 $0xFFFFFFFF  }
0xb5: {  	_ =	strace $0x90000048  }
0xb6: {  	_ =	sfence  }
0xb7: {  	s30 =	sld [smem:$0x0];
	_ =	sdelay $0x2  }
0xb8: {  	s31 =	sshll.u32 s1, $0xD;
	s1 =	sshrl.u32 s1, $0x2  }
0xb9: {  	s3 =	sand.u32 $0x4000, s31;
	s1 =	sadd.s32 s1, s30  }
0xba: {  	s0 =	sor.u32 s3, s0;
	s1 =	sshll.u32 s1, $0x11  }
0xbb: {  	s0 =	sor.u32 s1, s0  }
0xbc: {  	s0 =	sadd.s32 $0x8F2B, s0  }
0xbd: {  	[sflag:s0] =	ssyncadd.remote.s32 $0x1  }
0xbe: {  	_ =	sfence.sel $0xFFFF  }
0xbf: {  	[dreg:$0x0] =	wrdreg $0xFFFFFFFF;
	(pc) =	sbr.abs _section_cstart, $3  }
0xc0: {  	[dreg:$0x1] =	wrdreg $0xFFFFFFFF  }
0xc1: {  	_ =	task.clear_ibuf [dreg:s7], $0x2FFFF;
	_ =	strace $0x9FFFFFFF  }
0xc2: {  	(tm) =	ssettm $0x7FFFFFFF  }
0xc3: {  	_ =	shalt  }
tec
execute0_lowered:
.L_overlay_start_1:
0x0: {  	(tag) =	ssettag $0x1  }
0x1: {  	s0 =	rddreg [dreg:$0x0];
	s1 =	srdreg.scid  }
0x2: {  	s3 =	stileid.u32;
	s2 =	rddreg [dreg:$0x1];
	s13 =	simm.s32 $0x5  }
0x3: {  	s14 =	simm.s32 $0x80;
	s15 =	simm.s32 $0x6400;
	s16 =	simm.s32 $0x8400  }
0x4: {  	s17 =	simm.s32 $0xA400;
	s18 =	simm.s32 $0xC400;
	s19 =	simm.s32 $0x1  }
0x5: {  	s20 =	simm.s32 $0xE400;
	s21 =	simm.s32 $0x2;
	s22 =	simm.s32 $0x12800  }
0x6: {  	s23 =	simm.s32 $0x3;
	s24 =	simm.s32 $0x4;
	s25 =	simm.s32 $0x0  }
0x7: {  	v0 =	vlaneseq.u32;
	s1 =	sand.u32 $0x1, s1;
	s4 =	sshll.u32 s3, $0x1;
	s3 =	simm.s32 $0x0  }
0x8: {  	v0 =	vmul.u32 $0x88, v0;
	s5 =	sor.u32 s1, s4;
	[smem:$0x7FF] =	sst s3;
	s1 =	ssub.s32 $0x2, s1  }
0x9: {  	s4 =	sshll.u32 s5, $0x6;
	_ =	strace $0x80000047;
	s31 =	sshrl.u32 s1, $0x1  }
0xa: {  	s5 =	sshll.u32 s5, $0xC;
	v1 =	vadd.s32 $0x880, v0;
	s6 =	sadd.s32 s4, s0;
	s4 =	sadd.s32 $0xF42A00, s0  }
0xb: {  	v2 =	vadd.s32 $0x1100, v0;
	v3 =	vadd.s32 $0x1980, v0;
	v4 =	vadd.s32 $0x2200, v0;
	s0 =	ssub.s32 s1, s31;
	s7 =	sor.u32 $0x400, s5;
	s8 =	sor.u32 $0x800, s5  }
0xc: {  	v5 =	vadd.s32 $0x2A80, v0;
	v6 =	vadd.s32 $0x3300, v0;
	v7 =	vadd.s32 $0x3B80, v0;
	s9 =	sor.u32 $0xC00, s5;
	s6 =	sadd.s32 $0x600, s6;
	s10 =	smax.u32 s0, $0x1  }
.LBB2_1:
0xd: {  	s0 =	simm.s32 $0x200;
	s1 =	simm.s32 $0x4000  }
0xe: {  	[tilespmem:s3], [sflag:$0x5] =	stream.strided.gather [hbm4b:s6+s0], $0x6400, s1, s0, $0x38;
	[tilespmem:$0x16C00] =	vst v63  }
0xf: {  	_ =	swait.ge [sflag:s13], $0x6400  }
0x10: {  	[sflag:s13] =	ssyncset.done $0x0  }
0x11: {  	[sflag:s13] =	ssyncadd.s32 $0xFFFF9C00  }
0x12: {  	[tilespmem:s15], [sflag:$0x1] =	stream.indirect.gather [hbm4b:s4+s14], $0x40, s3, s14, $0xb8;
	[tilespmem:$0x16C00] =	vst v63  }
0x13: {  	s26 =	simm.s32 $0x0  }
0x14: {  	[tilespmem:s16], [sflag:$0x1] =	stream.indirect.gather [hbm4b:s4+s14], $0x40, s14, s14, $0xb8;
	[tilespmem:$0x16C00] =	vst v63  }
.LBB2_2:
0x15: {  	s0 =	sshll.u32 s26, $0xB  }
0x16: {  	s29 =	sshra.s32 s0, $0x2  }
0x17: {  	s0 =	sor.u32 $0x100, s29  }
0x18: {  	[tilespmem:s17], [sflag:$0x2] =	stream.indirect.gather [hbm4b:s4+s14], $0x40, s0, s14, $0xb8;
	[tilespmem:$0x16C00] =	vst v63  }
0x19: {  	s11 =	sor.u32 $0x180, s29  }
0x1a: {  	[tilespmem:s18], [sflag:$0x2] =	stream.indirect.gather [hbm4b:s4+s14], $0x40, s11, s14, $0xb8;
	[tilespmem:$0x16C00] =	vst v63  }
0x1b: {  	_ =	swait.ge [sflag:s19], $0x2000  }
0x1c: {  	[sflag:s19] =	ssyncset.done $0x0  }
0x1d: {  	[sflag:s19] =	ssyncadd.s32 $0xFFFFE000  }
0x1e: {  	_ =	swait.ge [sflag:s19], $0x2000  }
0x1f: {  	p0 =	seq.s32 s26, $0x0;
	[sflag:s19] =	ssyncset.done $0x0  }
0x20: {  	s0 =	simm.s32 @!p0 $0x3;
	[sflag:s19] =	ssyncadd.s32 $0xFFFFE000  }
0x21: {  	_ =	swait.ge @!p0 [sflag:s0], $0x2000  }
0x22: {  	[sflag:s0] =	ssyncset.done @!p0 $0x0  }
0x23: {  	[sflag:s0] =	ssyncadd.s32 @!p0 $0xFFFFE000  }
0x24: {  	_ =	swait.ge @!p0 [sflag:s0], $0x2000  }
0x25: {  	[sflag:s0] =	ssyncset.done @!p0 $0x0  }
0x26: {  	s12 =	simm.s32 $0x0;
	s30 =	simm.s32 $0x6480;
	[sflag:s0] =	ssyncadd.s32 @!p0 $0xFFFFE000  }
0x27: {  	v8 =	vmov s12;
	v9 =	vld [tilespmem:s30+$0xFFFFFF80]  }
0x28: {  	v8 =	vand.u32 $0x7C, v8  }
0x29: {  	v10 =	vadd.s32 v0, v8;
	_ =	sdelay $0x2  }
0x2a: {  	v9 =	vmul.f32 $8.000000000e+00, v9;
	_ =	sdelay $0x1  }
0x2b: {  	[tilespmem:v10+s20+$0x0] =	vst.idx.msk $0xffff, v9  }
0x2c: {  	v9 =	vld [tilespmem:s30+$0xFFFFFF90];
	_ =	sdelay $0x1  }
0x2d: {  	v10 =	vadd.s32 v1, v8;
	_ =	sdelay $0x2  }
0x2e: {  	v9 =	vmul.f32 $8.000000000e+00, v9;
	_ =	sdelay $0x1  }
0x2f: {  	[tilespmem:v10+s20+$0x0] =	vst.idx.msk $0xffff, v9  }
0x30: {  	v9 =	vld [tilespmem:s30+$0xFFFFFFA0];
	_ =	sdelay $0x1  }
0x31: {  	v10 =	vadd.s32 v2, v8;
	_ =	sdelay $0x2  }
0x32: {  	v9 =	vmul.f32 $8.000000000e+00, v9;
	_ =	sdelay $0x1  }
0x33: {  	[tilespmem:v10+s20+$0x0] =	vst.idx.msk $0xffff, v9  }
0x34: {  	v9 =	vld [tilespmem:s30+$0xFFFFFFB0];
	_ =	sdelay $0x1  }
0x35: {  	v10 =	vadd.s32 v3, v8;
	_ =	sdelay $0x2  }
0x36: {  	v9 =	vmul.f32 $8.000000000e+00, v9;
	_ =	sdelay $0x1  }
0x37: {  	s1 =	simm.s32 $0x1;
	[tilespmem:v10+s20+$0x0] =	vst.idx.msk $0xffff, v9  }
0x38: {  	v9 =	vmov s1;
	v10 =	vld [tilespmem:s30+$0xFFFFFFC0]  }
0x39: {  	v9 =	vand.u32 $0x7D, v9  }
0x3a: {  	v11 =	vadd.s32 v0, v9;
	_ =	sdelay $0x2  }
0x3b: {  	v10 =	vmul.f32 $8.000000000e+00, v10;
	_ =	sdelay $0x1  }
0x3c: {  	[tilespmem:v11+s20+$0x0] =	vst.idx.msk $0xffff, v10  }
0x3d: {  	v10 =	vld [tilespmem:s30+$0xFFFFFFD0];
	_ =	sdelay $0x1  }
0x3e: {  	v11 =	vadd.s32 v1, v9;
	_ =	sdelay $0x2  }
0x3f: {  	v10 =	vmul.f32 $8.000000000e+00, v10;
	_ =	sdelay $0x1  }
0x40: {  	[tilespmem:v11+s20+$0x0] =	vst.idx.msk $0xffff, v10  }
0x41: {  	v10 =	vld [tilespmem:s30+$0xFFFFFFE0];
	_ =	sdelay $0x1  }
0x42: {  	v11 =	vadd.s32 v2, v9;
	_ =	sdelay $0x2  }
0x43: {  	v10 =	vmul.f32 $8.000000000e+00, v10;
	_ =	sdelay $0x1  }
0x44: {  	[tilespmem:v11+s20+$0x0] =	vst.idx.msk $0xffff, v10  }
0x45: {  	v10 =	vld [tilespmem:s30+$0xFFFFFFF0];
	_ =	sdelay $0x1  }
0x46: {  	v11 =	vadd.s32 v3, v9;
	_ =	sdelay $0x2  }
0x47: {  	v10 =	vmul.f32 $8.000000000e+00, v10;
	_ =	sdelay $0x1  }
0x48: {  	s11 =	simm.s32 $0x2;
	[tilespmem:v11+s20+$0x0] =	vst.idx.msk $0xffff, v10  }
0x49: {  	v10 =	vmov s11;
	v11 =	vld [tilespmem:s30+$0x0]  }
0x4a: {  	v10 =	vand.u32 $0x7E, v10  }
0x4b: {  	v12 =	vadd.s32 v0, v10;
	_ =	sdelay $0x2  }
0x4c: {  	v11 =	vmul.f32 $8.000000000e+00, v11;
	_ =	sdelay $0x1  }
0x4d: {  	[tilespmem:v12+s20+$0x0] =	vst.idx.msk $0xffff, v11  }
0x4e: {  	v11 =	vld [tilespmem:s30+$0x10];
	_ =	sdelay $0x1  }
0x4f: {  	v12 =	vadd.s32 v1, v10;
	_ =	sdelay $0x2  }
0x50: {  	v11 =	vmul.f32 $8.000000000e+00, v11;
	_ =	sdelay $0x1  }
0x51: {  	[tilespmem:v12+s20+$0x0] =	vst.idx.msk $0xffff, v11  }
0x52: {  	v11 =	vld [tilespmem:s30+$0x20];
	_ =	sdelay $0x1  }
0x53: {  	v12 =	vadd.s32 v2, v10;
	_ =	sdelay $0x2  }
0x54: {  	v11 =	vmul.f32 $8.000000000e+00, v11;
	_ =	sdelay $0x1  }
0x55: {  	[tilespmem:v12+s20+$0x0] =	vst.idx.msk $0xffff, v11  }
0x56: {  	v11 =	vld [tilespmem:s30+$0x30];
	_ =	sdelay $0x1  }
0x57: {  	v12 =	vadd.s32 v3, v10;
	_ =	sdelay $0x2  }
0x58: {  	v11 =	vmul.f32 $8.000000000e+00, v11;
	_ =	sdelay $0x1  }
0x59: {  	s12 =	simm.s32 $0x3;
	[tilespmem:v12+s20+$0x0] =	vst.idx.msk $0xffff, v11  }
0x5a: {  	v11 =	vmov s12;
	v12 =	vld [tilespmem:s30+$0x40]  }
0x5b: {  	v11 =	vand.u32 $0x7F, v11  }
0x5c: {  	v13 =	vadd.s32 v0, v11;
	_ =	sdelay $0x2  }
0x5d: {  	v12 =	vmul.f32 $8.000000000e+00, v12;
	_ =	sdelay $0x1  }
0x5e: {  	[tilespmem:v13+s20+$0x0] =	vst.idx.msk $0xffff, v12  }
0x5f: {  	v12 =	vld [tilespmem:s30+$0x50];
	_ =	sdelay $0x1  }
0x60: {  	v13 =	vadd.s32 v1, v11;
	_ =	sdelay $0x2  }
0x61: {  	v12 =	vmul.f32 $8.000000000e+00, v12;
	_ =	sdelay $0x1  }
0x62: {  	[tilespmem:v13+s20+$0x0] =	vst.idx.msk $0xffff, v12  }
0x63: {  	v12 =	vld [tilespmem:s30+$0x60];
	_ =	sdelay $0x1  }
0x64: {  	v13 =	vadd.s32 v2, v11;
	_ =	sdelay $0x2  }
0x65: {  	v12 =	vmul.f32 $8.000000000e+00, v12;
	_ =	sdelay $0x1  }
0x66: {  	[tilespmem:v13+s20+$0x0] =	vst.idx.msk $0xffff, v12  }
0x67: {  	v13 =	vld [tilespmem:s30+$0x70];
	_ =	sdelay $0x1  }
0x68: {  	v12 =	vadd.s32 v3, v11;
	_ =	sdelay $0x2  }
0x69: {  	s31 =	simm.s32 $0x4;
	s28 =	simm.s32 $0x84F0;
	v13 =	vmul.f32 $8.000000000e+00, v13  }
.LBB2_3:
0x6a: {  	p1 =	slt.u32 s31, $0x7C  }
0x6b: {  	[tilespmem:v12+s20+$0x0] =	vst.idx.msk $0xffff, v13;
	s30 =	sadd.s32 $0x100, s30;
	s1 =	smov.u32 s31;
	s31 =	sadd.s32 $0x4, s31  }
0x6c: {  	v12 =	vmov s1;
	v13 =	vld [tilespmem:s30+$0xFFFFFF80]  }
0x6d: {  	v12 =	vand.u32 $0x7C, v12  }
0x6e: {  	v14 =	vadd.s32 v0, v12;
	_ =	sdelay $0x2  }
0x6f: {  	v13 =	vmul.f32 $8.000000000e+00, v13;
	_ =	sdelay $0x1  }
0x70: {  	[tilespmem:v14+s20+$0x0] =	vst.idx.msk $0xffff, v13  }
0x71: {  	v13 =	vld [tilespmem:s30+$0xFFFFFF90];
	_ =	sdelay $0x1  }
0x72: {  	v14 =	vadd.s32 v1, v12;
	_ =	sdelay $0x2  }
0x73: {  	v13 =	vmul.f32 $8.000000000e+00, v13;
	_ =	sdelay $0x1  }
0x74: {  	[tilespmem:v14+s20+$0x0] =	vst.idx.msk $0xffff, v13  }
0x75: {  	v13 =	vld [tilespmem:s30+$0xFFFFFFA0];
	_ =	sdelay $0x1  }
0x76: {  	v14 =	vadd.s32 v2, v12;
	_ =	sdelay $0x2  }
0x77: {  	v13 =	vmul.f32 $8.000000000e+00, v13;
	_ =	sdelay $0x1  }
0x78: {  	[tilespmem:v14+s20+$0x0] =	vst.idx.msk $0xffff, v13  }
0x79: {  	v13 =	vld [tilespmem:s30+$0xFFFFFFB0];
	_ =	sdelay $0x1  }
0x7a: {  	v12 =	vadd.s32 v3, v12;
	_ =	sdelay $0x2  }
0x7b: {  	v13 =	vmul.f32 $8.000000000e+00, v13;
	_ =	sdelay $0x1  }
0x7c: {  	s0 =	sadd.s32 $0x1, s1;
	[tilespmem:v12+s20+$0x0] =	vst.idx.msk $0xffff, v13  }
0x7d: {  	v12 =	vmov s0;
	v13 =	vld [tilespmem:s30+$0xFFFFFFC0]  }
0x7e: {  	v12 =	vand.u32 $0x7D, v12  }
0x7f: {  	v14 =	vadd.s32 v0, v12;
	_ =	sdelay $0x2  }
0x80: {  	v13 =	vmul.f32 $8.000000000e+00, v13;
	_ =	sdelay $0x1  }
0x81: {  	[tilespmem:v14+s20+$0x0] =	vst.idx.msk $0xffff, v13  }
0x82: {  	v13 =	vld [tilespmem:s30+$0xFFFFFFD0];
	_ =	sdelay $0x1  }
0x83: {  	v14 =	vadd.s32 v1, v12;
	_ =	sdelay $0x2  }
0x84: {  	v13 =	vmul.f32 $8.000000000e+00, v13;
	_ =	sdelay $0x1  }
0x85: {  	[tilespmem:v14+s20+$0x0] =	vst.idx.msk $0xffff, v13  }
0x86: {  	v13 =	vld [tilespmem:s30+$0xFFFFFFE0];
	_ =	sdelay $0x1  }
0x87: {  	v14 =	vadd.s32 v2, v12;
	_ =	sdelay $0x2  }
0x88: {  	v13 =	vmul.f32 $8.000000000e+00, v13;
	_ =	sdelay $0x1  }
0x89: {  	[tilespmem:v14+s20+$0x0] =	vst.idx.msk $0xffff, v13  }
0x8a: {  	v13 =	vld [tilespmem:s30+$0xFFFFFFF0];
	_ =	sdelay $0x1  }
0x8b: {  	v12 =	vadd.s32 v3, v12;
	_ =	sdelay $0x2  }
0x8c: {  	v13 =	vmul.f32 $8.000000000e+00, v13;
	_ =	sdelay $0x1  }
0x8d: {  	s0 =	sadd.s32 $0x2, s1;
	[tilespmem:v12+s20+$0x0] =	vst.idx.msk $0xffff, v13  }
0x8e: {  	v12 =	vmov s0;
	v13 =	vld [tilespmem:s30+$0x0]  }
0x8f: {  	v12 =	vand.u32 $0x7E, v12  }
0x90: {  	v14 =	vadd.s32 v0, v12;
	_ =	sdelay $0x2  }
0x91: {  	v13 =	vmul.f32 $8.000000000e+00, v13;
	_ =	sdelay $0x1  }
0x92: {  	[tilespmem:v14+s20+$0x0] =	vst.idx.msk $0xffff, v13  }
0x93: {  	v13 =	vld [tilespmem:s30+$0x10];
	_ =	sdelay $0x1  }
0x94: {  	v14 =	vadd.s32 v1, v12;
	_ =	sdelay $0x2  }
0x95: {  	v13 =	vmul.f32 $8.000000000e+00, v13;
	_ =	sdelay $0x1  }
0x96: {  	[tilespmem:v14+s20+$0x0] =	vst.idx.msk $0xffff, v13  }
0x97: {  	v13 =	vld [tilespmem:s30+$0x20];
	_ =	sdelay $0x1  }
0x98: {  	v14 =	vadd.s32 v2, v12;
	_ =	sdelay $0x2  }
0x99: {  	v13 =	vmul.f32 $8.000000000e+00, v13;
	_ =	sdelay $0x1  }
0x9a: {  	[tilespmem:v14+s20+$0x0] =	vst.idx.msk $0xffff, v13  }
0x9b: {  	v13 =	vld [tilespmem:s30+$0x30];
	_ =	sdelay $0x1  }
0x9c: {  	v12 =	vadd.s32 v3, v12;
	_ =	sdelay $0x2  }
0x9d: {  	v13 =	vmul.f32 $8.000000000e+00, v13;
	_ =	sdelay $0x1  }
0x9e: {  	s0 =	sadd.s32 $0x3, s1;
	[tilespmem:v12+s20+$0x0] =	vst.idx.msk $0xffff, v13  }
0x9f: {  	v12 =	vmov s0;
	v13 =	vld [tilespmem:s30+$0x40]  }
0xa0: {  	v12 =	vand.u32 $0x7F, v12  }
0xa1: {  	v14 =	vadd.s32 v0, v12;
	_ =	sdelay $0x2  }
0xa2: {  	v13 =	vmul.f32 $8.000000000e+00, v13;
	_ =	sdelay $0x1  }
0xa3: {  	[tilespmem:v14+s20+$0x0] =	vst.idx.msk $0xffff, v13  }
0xa4: {  	v13 =	vld [tilespmem:s30+$0x50];
	_ =	sdelay $0x1  }
0xa5: {  	v14 =	vadd.s32 v1, v12;
	_ =	sdelay $0x2  }
0xa6: {  	v13 =	vmul.f32 $8.000000000e+00, v13;
	_ =	sdelay $0x1  }
0xa7: {  	[tilespmem:v14+s20+$0x0] =	vst.idx.msk $0xffff, v13  }
0xa8: {  	v13 =	vld [tilespmem:s30+$0x60];
	_ =	sdelay $0x1  }
0xa9: {  	v14 =	vadd.s32 v2, v12;
	_ =	sdelay $0x2  }
0xaa: {  	v13 =	vmul.f32 $8.000000000e+00, v13;
	_ =	sdelay $0x1  }
0xab: {  	[tilespmem:v14+s20+$0x0] =	vst.idx.msk $0xffff, v13  }
0xac: {  	v13 =	vld [tilespmem:s30+$0x70];
	_ =	sdelay $0x1  }
.Ltmp0:
0xad: {  	v12 =	vadd.s32 v3, v12;
	(pc) =	sbr.rel @p1 .LBB2_3-.Ltmp0, $2  }
0xae: {  	_ =	sdelay $0x1  }
0xaf: {  	v13 =	vmul.f32 $8.000000000e+00, v13;
	_ =	sdelay $0x1  }
0xb0: {  	_ =	sdelay $0x3  }
0xb1: {  	[tilespmem:v12+s20+$0x0] =	vst.idx.msk $0xffff, v13  }
0xb2: {  	v12 =	vld [tilespmem:s28+$0xFFFFFF10];
	_ =	sdelay $0x1  }
0xb3: {  	v58 =	vadd.s32 v4, v8;
	_ =	sdelay $0x2  }
0xb4: {  	v12 =	vmul.f32 $8.000000000e+00, v12;
	_ =	sdelay $0x1  }
0xb5: {  	[tilespmem:v58+s20+$0x0] =	vst.idx.msk $0xffff, v12  }
0xb6: {  	v12 =	vld [tilespmem:s28+$0xFFFFFF20];
	_ =	sdelay $0x1  }
0xb7: {  	v59 =	vadd.s32 v5, v8;
	_ =	sdelay $0x2  }
0xb8: {  	v12 =	vmul.f32 $8.000000000e+00, v12;
	_ =	sdelay $0x1  }
0xb9: {  	[tilespmem:v59+s20+$0x0] =	vst.idx.msk $0xffff, v12  }
0xba: {  	v12 =	vld [tilespmem:s28+$0xFFFFFF30];
	_ =	sdelay $0x1  }
0xbb: {  	v60 =	vadd.s32 v6, v8;
	_ =	sdelay $0x2  }
0xbc: {  	v12 =	vmul.f32 $8.000000000e+00, v12;
	_ =	sdelay $0x1  }
0xbd: {  	[tilespmem:v60+s20+$0x0] =	vst.idx.msk $0xffff, v12  }
0xbe: {  	v12 =	vld [tilespmem:s28+$0xFFFFFF40];
	_ =	sdelay $0x1  }
0xbf: {  	v8 =	vadd.s32 v7, v8;
	_ =	sdelay $0x2  }
0xc0: {  	v12 =	vmul.f32 $8.000000000e+00, v12;
	_ =	sdelay $0x1  }
0xc1: {  	[tilespmem:v8+s20+$0x0] =	vst.idx.msk $0xffff, v12  }
0xc2: {  	v8 =	vld [tilespmem:s28+$0xFFFFFF50];
	_ =	sdelay $0x1  }
0xc3: {  	v61 =	vadd.s32 v4, v9;
	_ =	sdelay $0x2  }
0xc4: {  	v8 =	vmul.f32 $8.000000000e+00, v8;
	_ =	sdelay $0x1  }
0xc5: {  	[tilespmem:v61+s20+$0x0] =	vst.idx.msk $0xffff, v8  }
0xc6: {  	v8 =	vld [tilespmem:s28+$0xFFFFFF60];
	_ =	sdelay $0x1  }
0xc7: {  	v62 =	vadd.s32 v5, v9;
	_ =	sdelay $0x2  }
0xc8: {  	v8 =	vmul.f32 $8.000000000e+00, v8;
	_ =	sdelay $0x1  }
0xc9: {  	[tilespmem:v62+s20+$0x0] =	vst.idx.msk $0xffff, v8  }
0xca: {  	v8 =	vld [tilespmem:s28+$0xFFFFFF70];
	_ =	sdelay $0x1  }
0xcb: {  	v63 =	vadd.s32 v6, v9;
	_ =	sdelay $0x2  }
0xcc: {  	v8 =	vmul.f32 $8.000000000e+00, v8;
	_ =	sdelay $0x1  }
0xcd: {  	[tilespmem:v63+s20+$0x0] =	vst.idx.msk $0xffff, v8  }
0xce: {  	v8 =	vld [tilespmem:s28+$0xFFFFFF80];
	_ =	sdelay $0x1  }
0xcf: {  	v9 =	vadd.s32 v7, v9;
	_ =	sdelay $0x2  }
0xd0: {  	v8 =	vmul.f32 $8.000000000e+00, v8;
	_ =	sdelay $0x1  }
0xd1: {  	[tilespmem:v9+s20+$0x0] =	vst.idx.msk $0xffff, v8  }
0xd2: {  	v8 =	vld [tilespmem:s28+$0xFFFFFF90];
	_ =	sdelay $0x1  }
0xd3: {  	v9 =	vadd.s32 v4, v10;
	_ =	sdelay $0x2  }
0xd4: {  	v8 =	vmul.f32 $8.000000000e+00, v8;
	_ =	sdelay $0x1  }
0xd5: {  	[tilespmem:v9+s20+$0x0] =	vst.idx.msk $0xffff, v8  }
0xd6: {  	v8 =	vld [tilespmem:s28+$0xFFFFFFA0];
	_ =	sdelay $0x1  }
0xd7: {  	v9 =	vadd.s32 v5, v10;
	_ =	sdelay $0x2  }
0xd8: {  	v8 =	vmul.f32 $8.000000000e+00, v8;
	_ =	sdelay $0x1  }
0xd9: {  	[tilespmem:v9+s20+$0x0] =	vst.idx.msk $0xffff, v8  }
0xda: {  	v8 =	vld [tilespmem:s28+$0xFFFFFFB0];
	_ =	sdelay $0x1  }
0xdb: {  	v9 =	vadd.s32 v6, v10;
	_ =	sdelay $0x2  }
0xdc: {  	v8 =	vmul.f32 $8.000000000e+00, v8;
	_ =	sdelay $0x1  }
0xdd: {  	[tilespmem:v9+s20+$0x0] =	vst.idx.msk $0xffff, v8  }
0xde: {  	v8 =	vld [tilespmem:s28+$0xFFFFFFC0];
	_ =	sdelay $0x1  }
0xdf: {  	v9 =	vadd.s32 v7, v10;
	_ =	sdelay $0x2  }
0xe0: {  	v8 =	vmul.f32 $8.000000000e+00, v8;
	_ =	sdelay $0x1  }
0xe1: {  	[tilespmem:v9+s20+$0x0] =	vst.idx.msk $0xffff, v8  }
0xe2: {  	v8 =	vld [tilespmem:s28+$0xFFFFFFD0];
	_ =	sdelay $0x1  }
0xe3: {  	v9 =	vadd.s32 v4, v11;
	_ =	sdelay $0x2  }
0xe4: {  	v8 =	vmul.f32 $8.000000000e+00, v8;
	_ =	sdelay $0x1  }
0xe5: {  	[tilespmem:v9+s20+$0x0] =	vst.idx.msk $0xffff, v8  }
0xe6: {  	v8 =	vld [tilespmem:s28+$0xFFFFFFE0];
	_ =	sdelay $0x1  }
0xe7: {  	v9 =	vadd.s32 v5, v11;
	_ =	sdelay $0x2  }
0xe8: {  	v8 =	vmul.f32 $8.000000000e+00, v8;
	_ =	sdelay $0x1  }
0xe9: {  	[tilespmem:v9+s20+$0x0] =	vst.idx.msk $0xffff, v8  }
0xea: {  	v8 =	vld [tilespmem:s28+$0xFFFFFFF0];
	_ =	sdelay $0x1  }
0xeb: {  	v9 =	vadd.s32 v6, v11;
	_ =	sdelay $0x2  }
0xec: {  	v8 =	vmul.f32 $8.000000000e+00, v8;
	_ =	sdelay $0x1  }
0xed: {  	[tilespmem:v9+s20+$0x0] =	vst.idx.msk $0xffff, v8  }
0xee: {  	v9 =	vld [tilespmem:s28+$0x0];
	_ =	sdelay $0x1  }
0xef: {  	v8 =	vadd.s32 v7, v11;
	_ =	sdelay $0x2  }
0xf0: {  	s30 =	simm.s32 $0x4;
	v9 =	vmul.f32 $8.000000000e+00, v9  }
.LBB2_5:
0xf1: {  	p1 =	slt.u32 s30, $0x7C  }
0xf2: {  	s28 =	sadd.s32 $0x100, s28;
	s1 =	smov.u32 s30;
	s30 =	sadd.s32 $0x4, s30;
	[tilespmem:v8+s20+$0x0] =	vst.idx.msk $0xffff, v9  }
0xf3: {  	v8 =	vmov s1;
	v9 =	vld [tilespmem:s28+$0xFFFFFF10]  }
0xf4: {  	v8 =	vand.u32 $0x7C, v8  }
0xf5: {  	v10 =	vadd.s32 v4, v8;
	_ =	sdelay $0x2  }
0xf6: {  	v9 =	vmul.f32 $8.000000000e+00, v9;
	_ =	sdelay $0x1  }
0xf7: {  	[tilespmem:v10+s20+$0x0] =	vst.idx.msk $0xffff, v9  }
0xf8: {  	v9 =	vld [tilespmem:s28+$0xFFFFFF20];
	_ =	sdelay $0x1  }
0xf9: {  	v10 =	vadd.s32 v5, v8;
	_ =	sdelay $0x2  }
0xfa: {  	v9 =	vmul.f32 $8.000000000e+00, v9;
	_ =	sdelay $0x1  }
0xfb: {  	[tilespmem:v10+s20+$0x0] =	vst.idx.msk $0xffff, v9  }
0xfc: {  	v9 =	vld [tilespmem:s28+$0xFFFFFF30];
	_ =	sdelay $0x1  }
0xfd: {  	v10 =	vadd.s32 v6, v8;
	_ =	sdelay $0x2  }
0xfe: {  	v9 =	vmul.f32 $8.000000000e+00, v9;
	_ =	sdelay $0x1  }
0xff: {  	[tilespmem:v10+s20+$0x0] =	vst.idx.msk $0xffff, v9  }
0x100: {  	v9 =	vld [tilespmem:s28+$0xFFFFFF40];
	_ =	sdelay $0x1  }
0x101: {  	v8 =	vadd.s32 v7, v8;
	_ =	sdelay $0x2  }
0x102: {  	v9 =	vmul.f32 $8.000000000e+00, v9;
	_ =	sdelay $0x1  }
0x103: {  	s0 =	sadd.s32 $0x1, s1;
	[tilespmem:v8+s20+$0x0] =	vst.idx.msk $0xffff, v9  }
0x104: {  	v8 =	vmov s0;
	v9 =	vld [tilespmem:s28+$0xFFFFFF50]  }
0x105: {  	v8 =	vand.u32 $0x7D, v8  }
0x106: {  	v10 =	vadd.s32 v4, v8;
	_ =	sdelay $0x2  }
0x107: {  	v9 =	vmul.f32 $8.000000000e+00, v9;
	_ =	sdelay $0x1  }
0x108: {  	[tilespmem:v10+s20+$0x0] =	vst.idx.msk $0xffff, v9  }
0x109: {  	v9 =	vld [tilespmem:s28+$0xFFFFFF60];
	_ =	sdelay $0x1  }
0x10a: {  	v10 =	vadd.s32 v5, v8;
	_ =	sdelay $0x2  }
0x10b: {  	v9 =	vmul.f32 $8.000000000e+00, v9;
	_ =	sdelay $0x1  }
0x10c: {  	[tilespmem:v10+s20+$0x0] =	vst.idx.msk $0xffff, v9  }
0x10d: {  	v9 =	vld [tilespmem:s28+$0xFFFFFF70];
	_ =	sdelay $0x1  }
0x10e: {  	v10 =	vadd.s32 v6, v8;
	_ =	sdelay $0x2  }
0x10f: {  	v9 =	vmul.f32 $8.000000000e+00, v9;
	_ =	sdelay $0x1  }
0x110: {  	[tilespmem:v10+s20+$0x0] =	vst.idx.msk $0xffff, v9  }
0x111: {  	v9 =	vld [tilespmem:s28+$0xFFFFFF80];
	_ =	sdelay $0x1  }
0x112: {  	v8 =	vadd.s32 v7, v8;
	_ =	sdelay $0x2  }
0x113: {  	v9 =	vmul.f32 $8.000000000e+00, v9;
	_ =	sdelay $0x1  }
0x114: {  	s0 =	sadd.s32 $0x2, s1;
	[tilespmem:v8+s20+$0x0] =	vst.idx.msk $0xffff, v9  }
0x115: {  	v8 =	vmov s0;
	v9 =	vld [tilespmem:s28+$0xFFFFFF90]  }
0x116: {  	v8 =	vand.u32 $0x7E, v8  }
0x117: {  	v10 =	vadd.s32 v4, v8;
	_ =	sdelay $0x2  }
0x118: {  	v9 =	vmul.f32 $8.000000000e+00, v9;
	_ =	sdelay $0x1  }
0x119: {  	[tilespmem:v10+s20+$0x0] =	vst.idx.msk $0xffff, v9  }
0x11a: {  	v9 =	vld [tilespmem:s28+$0xFFFFFFA0];
	_ =	sdelay $0x1  }
0x11b: {  	v10 =	vadd.s32 v5, v8;
	_ =	sdelay $0x2  }
0x11c: {  	v9 =	vmul.f32 $8.000000000e+00, v9;
	_ =	sdelay $0x1  }
0x11d: {  	[tilespmem:v10+s20+$0x0] =	vst.idx.msk $0xffff, v9  }
0x11e: {  	v9 =	vld [tilespmem:s28+$0xFFFFFFB0];
	_ =	sdelay $0x1  }
0x11f: {  	v10 =	vadd.s32 v6, v8;
	_ =	sdelay $0x2  }
0x120: {  	v9 =	vmul.f32 $8.000000000e+00, v9;
	_ =	sdelay $0x1  }
0x121: {  	[tilespmem:v10+s20+$0x0] =	vst.idx.msk $0xffff, v9  }
0x122: {  	v9 =	vld [tilespmem:s28+$0xFFFFFFC0];
	_ =	sdelay $0x1  }
0x123: {  	v8 =	vadd.s32 v7, v8;
	_ =	sdelay $0x2  }
0x124: {  	v9 =	vmul.f32 $8.000000000e+00, v9;
	_ =	sdelay $0x1  }
0x125: {  	s0 =	sadd.s32 $0x3, s1;
	[tilespmem:v8+s20+$0x0] =	vst.idx.msk $0xffff, v9  }
0x126: {  	v8 =	vmov s0;
	v9 =	vld [tilespmem:s28+$0xFFFFFFD0]  }
0x127: {  	v8 =	vand.u32 $0x7F, v8  }
0x128: {  	v10 =	vadd.s32 v4, v8;
	_ =	sdelay $0x2  }
0x129: {  	v9 =	vmul.f32 $8.000000000e+00, v9;
	_ =	sdelay $0x1  }
0x12a: {  	[tilespmem:v10+s20+$0x0] =	vst.idx.msk $0xffff, v9  }
0x12b: {  	v9 =	vld [tilespmem:s28+$0xFFFFFFE0];
	_ =	sdelay $0x1  }
0x12c: {  	v10 =	vadd.s32 v5, v8;
	_ =	sdelay $0x2  }
0x12d: {  	v9 =	vmul.f32 $8.000000000e+00, v9;
	_ =	sdelay $0x1  }
0x12e: {  	[tilespmem:v10+s20+$0x0] =	vst.idx.msk $0xffff, v9  }
0x12f: {  	v9 =	vld [tilespmem:s28+$0xFFFFFFF0];
	_ =	sdelay $0x1  }
0x130: {  	v10 =	vadd.s32 v6, v8;
	_ =	sdelay $0x2  }
0x131: {  	v9 =	vmul.f32 $8.000000000e+00, v9;
	_ =	sdelay $0x1  }
0x132: {  	[tilespmem:v10+s20+$0x0] =	vst.idx.msk $0xffff, v9  }
0x133: {  	v9 =	vld [tilespmem:s28+$0x0]  }
.Ltmp1:
0x134: {  	(pc) =	sbr.rel @p1 .LBB2_5-.Ltmp1, $2  }
0x135: {  	v8 =	vadd.s32 v7, v8;
	_ =	sdelay $0x2  }
0x136: {  	v9 =	vmul.f32 $8.000000000e+00, v9  }
0x137: {  	_ = 	snop  }
0x138: {  	s28 =	sshll.u32 s26, $0x14  }
0x139: {  	s0 =	sor.u32 s5, s28  }
0x13a: {  	s0 =	sshrl.u32 s0, $0x3  }
0x13b: {  	s11 =	simm.s32 $0xE400;
	[tilespmem:v8+s20+$0x0] =	vst.idx.msk $0xffff, v9;
	s30 =	sadd.s32 s2, s0  }
0x13c: {  	[hbm4b:s30+s3] =	stream.linear.scatter [tilespmem:s11], [sflag:$0x3], $0x80, $0x38;
	[tilespmem:$0x16C00] =	vst v63  }
0x13d: {  	s12 =	simm.s32 $0xE488;
	s1 =	sadd.s32 $0x10, s30  }
0x13e: {  	[hbm4b:s1+s3] =	stream.linear.scatter [tilespmem:s12], [sflag:$0x3], $0x80, $0x38;
	[tilespmem:$0x16C00] =	vst v63  }
0x13f: {  	s11 =	simm.s32 $0xE510;
	s12 =	sadd.s32 $0x20, s30  }
0x140: {  	[hbm4b:s12+s3] =	stream.linear.scatter [tilespmem:s11], [sflag:$0x3], $0x80, $0x38;
	[tilespmem:$0x16C00] =	vst v63  }
0x141: {  	s11 =	simm.s32 $0xE598;
	s12 =	sadd.s32 $0x30, s30  }
0x142: {  	[hbm4b:s12+s3] =	stream.linear.scatter [tilespmem:s11], [sflag:$0x3], $0x80, $0x38;
	[tilespmem:$0x16C00] =	vst v63  }
0x143: {  	s11 =	simm.s32 $0xE620;
	s12 =	sadd.s32 $0x40, s30  }
0x144: {  	[hbm4b:s12+s3] =	stream.linear.scatter [tilespmem:s11], [sflag:$0x3], $0x80, $0x38;
	[tilespmem:$0x16C00] =	vst v63  }
0x145: {  	s31 =	simm.s32 $0x2200;
	s11 =	simm.s32 $0xE6A8;
	s12 =	sadd.s32 $0x50, s30  }
0x146: {  	[hbm4b:s12+s3] =	stream.linear.scatter [tilespmem:s11], [sflag:$0x3], $0x80, $0x38;
	[tilespmem:$0x16C00] =	vst v63  }
0x147: {  	s0 =	simm.s32 $0xE7B8;
	s11 =	simm.s32 $0xE730;
	s12 =	sadd.s32 $0x60, s30  }
0x148: {  	[hbm4b:s12+s3] =	stream.linear.scatter [tilespmem:s11], [sflag:$0x3], $0x80, $0x38;
	[tilespmem:$0x16C00] =	vst v63  }
0x149: {  	s1 =	simm.s32 $0x440;
	s11 =	sadd.s32 $0x70, s30;
	s30 =	sadd.s32 $0x4000, s30  }
.LBB2_7:
0x14a: {  	[hbm4b:s11+s3] =	stream.linear.scatter [tilespmem:s0], [sflag:$0x3], $0x80, $0x38;
	[tilespmem:$0x16C00] =	vst v63  }
0x14b: {  	s0 =	smov.u32 s1;
	s1 =	smov.u32 s31  }
0x14c: {  	s12 =	sadd.s32 $0x1100, s31;
	s1 =	sshra.s32 s1, $0x2;
	s11 =	sadd.s32 $0xE400, s0  }
0x14d: {  	[hbm4b:s30+s3] =	stream.linear.scatter [tilespmem:s11], [sflag:$0x3], $0x80, $0x38;
	[tilespmem:$0x16C00] =	vst v63  }
0x14e: {  	p1 =	sne.s32 s31, $0x7700;
	s31 =	sadd.s32 $0x10, s30;
	s11 =	sadd.s32 $0xE488, s0  }
0x14f: {  	[hbm4b:s31+s3] =	stream.linear.scatter [tilespmem:s11], [sflag:$0x3], $0x80, $0x38;
	[tilespmem:$0x16C00] =	vst v63  }
0x150: {  	s11 =	sadd.s32 $0xE510, s0;
	s31 =	sadd.s32 $0x20, s30  }
0x151: {  	[hbm4b:s31+s3] =	stream.linear.scatter [tilespmem:s11], [sflag:$0x3], $0x80, $0x38;
	[tilespmem:$0x16C00] =	vst v63  }
0x152: {  	s11 =	sadd.s32 $0xE598, s0;
	s31 =	sadd.s32 $0x30, s30  }
0x153: {  	[hbm4b:s31+s3] =	stream.linear.scatter [tilespmem:s11], [sflag:$0x3], $0x80, $0x38;
	[tilespmem:$0x16C00] =	vst v63  }
0x154: {  	s11 =	sadd.s32 $0xE620, s0;
	s31 =	sadd.s32 $0x40, s30  }
0x155: {  	[hbm4b:s31+s3] =	stream.linear.scatter [tilespmem:s11], [sflag:$0x3], $0x80, $0x38;
	[tilespmem:$0x16C00] =	vst v63  }
.Ltmp2:
0x156: {  	s11 =	sadd.s32 $0xE6A8, s0;
	s31 =	sadd.s32 $0x50, s30;
	(pc) =	sbr.rel @p1 .LBB2_7-.Ltmp2, $4  }
0x157: {  	[hbm4b:s31+s3] =	stream.linear.scatter [tilespmem:s11], [sflag:$0x3], $0x80, $0x38;
	[tilespmem:$0x16C00] =	vst v63  }
0x158: {  	s11 =	sadd.s32 $0xE730, s0;
	s31 =	sadd.s32 $0x60, s30;
	s0 =	sadd.s32 $0xE7B8, s0  }
0x159: {  	[hbm4b:s31+s3] =	stream.linear.scatter [tilespmem:s11], [sflag:$0x3], $0x80, $0x38;
	[tilespmem:$0x16C00] =	vst v63  }
0x15a: {  	s11 =	sadd.s32 $0x70, s30;
	s30 =	sadd.s32 $0x4000, s30;
	s31 =	smov.u32 s12  }
0x15b: {  	[hbm4b:s11+s3] =	stream.linear.scatter [tilespmem:s0], [sflag:$0x3], $0x80, $0x38;
	[tilespmem:$0x16C00] =	vst v63  }
0x15c: {  	s12 =	sadd.s32 $0xE400, s1  }
0x15d: {  	[hbm4b:s30+s3] =	stream.linear.scatter [tilespmem:s12], [sflag:$0x3], $0x80, $0x38;
	[tilespmem:$0x16C00] =	vst v63  }
0x15e: {  	s11 =	sadd.s32 $0xE488, s1;
	s12 =	sadd.s32 $0x10, s30  }
0x15f: {  	[hbm4b:s12+s3] =	stream.linear.scatter [tilespmem:s11], [sflag:$0x3], $0x80, $0x38;
	[tilespmem:$0x16C00] =	vst v63  }
0x160: {  	s11 =	sadd.s32 $0xE510, s1;
	s12 =	sadd.s32 $0x20, s30  }
0x161: {  	[hbm4b:s12+s3] =	stream.linear.scatter [tilespmem:s11], [sflag:$0x3], $0x80, $0x38;
	[tilespmem:$0x16C00] =	vst v63  }
0x162: {  	s11 =	sadd.s32 $0xE598, s1;
	s12 =	sadd.s32 $0x30, s30  }
0x163: {  	[hbm4b:s12+s3] =	stream.linear.scatter [tilespmem:s11], [sflag:$0x3], $0x80, $0x38;
	[tilespmem:$0x16C00] =	vst v63  }
0x164: {  	s11 =	sadd.s32 $0xE620, s1;
	s12 =	sadd.s32 $0x40, s30  }
0x165: {  	[hbm4b:s12+s3] =	stream.linear.scatter [tilespmem:s11], [sflag:$0x3], $0x80, $0x38;
	[tilespmem:$0x16C00] =	vst v63  }
0x166: {  	s11 =	sadd.s32 $0xE6A8, s1;
	s12 =	sadd.s32 $0x50, s30  }
0x167: {  	[hbm4b:s12+s3] =	stream.linear.scatter [tilespmem:s11], [sflag:$0x3], $0x80, $0x38;
	[tilespmem:$0x16C00] =	vst v63  }
0x168: {  	s11 =	sadd.s32 $0xE730, s1;
	s12 =	sadd.s32 $0x60, s30  }
0x169: {  	[hbm4b:s12+s3] =	stream.linear.scatter [tilespmem:s11], [sflag:$0x3], $0x80, $0x38;
	[tilespmem:$0x16C00] =	vst v63  }
0x16a: {  	s11 =	sadd.s32 $0xE7B8, s1;
	s1 =	sor.u32 s7, s28  }
0x16b: {  	s12 =	sadd.s32 $0x70, s30;
	s0 =	sshrl.u32 s1, $0x3  }
0x16c: {  	[hbm4b:s12+s3] =	stream.linear.scatter [tilespmem:s11], [sflag:$0x3], $0x80, $0x38;
	[tilespmem:$0x16C00] =	vst v63  }
0x16d: {  	s12 =	sadd.s32 s2, s0;
	s11 =	simm.s32 $0x10600  }
0x16e: {  	[hbm4b:s12+s3] =	stream.linear.scatter [tilespmem:s11], [sflag:$0x3], $0x80, $0x38;
	[tilespmem:$0x16C00] =	vst v63  }
0x16f: {  	s1 =	simm.s32 $0x10688;
	s11 =	sadd.s32 $0x10, s12  }
0x170: {  	[hbm4b:s11+s3] =	stream.linear.scatter [tilespmem:s1], [sflag:$0x3], $0x80, $0x38;
	[tilespmem:$0x16C00] =	vst v63  }
0x171: {  	s1 =	simm.s32 $0x10710;
	s11 =	sadd.s32 $0x20, s12  }
0x172: {  	[hbm4b:s11+s3] =	stream.linear.scatter [tilespmem:s1], [sflag:$0x3], $0x80, $0x38;
	[tilespmem:$0x16C00] =	vst v63  }
0x173: {  	s1 =	simm.s32 $0x10798;
	s11 =	sadd.s32 $0x30, s12  }
0x174: {  	[hbm4b:s11+s3] =	stream.linear.scatter [tilespmem:s1], [sflag:$0x3], $0x80, $0x38;
	[tilespmem:$0x16C00] =	vst v63  }
0x175: {  	s1 =	simm.s32 $0x10820;
	s11 =	sadd.s32 $0x40, s12  }
0x176: {  	[hbm4b:s11+s3] =	stream.linear.scatter [tilespmem:s1], [sflag:$0x3], $0x80, $0x38;
	[tilespmem:$0x16C00] =	vst v63  }
0x177: {  	s31 =	simm.s32 $0x2200;
	s1 =	simm.s32 $0x108A8;
	s11 =	sadd.s32 $0x50, s12  }
0x178: {  	[hbm4b:s11+s3] =	stream.linear.scatter [tilespmem:s1], [sflag:$0x3], $0x80, $0x38;
	[tilespmem:$0x16C00] =	vst v63  }
0x179: {  	s0 =	simm.s32 $0x109B8;
	s1 =	simm.s32 $0x10930;
	s11 =	sadd.s32 $0x60, s12  }
0x17a: {  	[hbm4b:s11+s3] =	stream.linear.scatter [tilespmem:s1], [sflag:$0x3], $0x80, $0x38;
	[tilespmem:$0x16C00] =	vst v63  }
0x17b: {  	s30 =	sadd.s32 $0x4000, s12;
	s1 =	simm.s32 $0x440;
	s11 =	sadd.s32 $0x70, s12  }
.LBB2_9:
0x17c: {  	[hbm4b:s11+s3] =	stream.linear.scatter [tilespmem:s0], [sflag:$0x3], $0x80, $0x38;
	[tilespmem:$0x16C00] =	vst v63  }
0x17d: {  	s0 =	smov.u32 s1;
	s1 =	smov.u32 s31  }
0x17e: {  	s12 =	sadd.s32 $0x1100, s31;
	s1 =	sshra.s32 s1, $0x2;
	s11 =	sadd.s32 $0x10600, s0  }
0x17f: {  	[hbm4b:s30+s3] =	stream.linear.scatter [tilespmem:s11], [sflag:$0x3], $0x80, $0x38;
	[tilespmem:$0x16C00] =	vst v63  }
0x180: {  	p1 =	sne.s32 s31, $0x7700;
	s31 =	sadd.s32 $0x10, s30;
	s11 =	sadd.s32 $0x10688, s0  }
0x181: {  	[hbm4b:s31+s3] =	stream.linear.scatter [tilespmem:s11], [sflag:$0x3], $0x80, $0x38;
	[tilespmem:$0x16C00] =	vst v63  }
0x182: {  	s11 =	sadd.s32 $0x10710, s0;
	s31 =	sadd.s32 $0x20, s30  }
0x183: {  	[hbm4b:s31+s3] =	stream.linear.scatter [tilespmem:s11], [sflag:$0x3], $0x80, $0x38;
	[tilespmem:$0x16C00] =	vst v63  }
0x184: {  	s11 =	sadd.s32 $0x10798, s0;
	s31 =	sadd.s32 $0x30, s30  }
0x185: {  	[hbm4b:s31+s3] =	stream.linear.scatter [tilespmem:s11], [sflag:$0x3], $0x80, $0x38;
	[tilespmem:$0x16C00] =	vst v63  }
0x186: {  	s11 =	sadd.s32 $0x10820, s0;
	s31 =	sadd.s32 $0x40, s30  }
0x187: {  	[hbm4b:s31+s3] =	stream.linear.scatter [tilespmem:s11], [sflag:$0x3], $0x80, $0x38;
	[tilespmem:$0x16C00] =	vst v63  }
.Ltmp3:
0x188: {  	s11 =	sadd.s32 $0x108A8, s0;
	s31 =	sadd.s32 $0x50, s30;
	(pc) =	sbr.rel @p1 .LBB2_9-.Ltmp3, $4  }
0x189: {  	[hbm4b:s31+s3] =	stream.linear.scatter [tilespmem:s11], [sflag:$0x3], $0x80, $0x38;
	[tilespmem:$0x16C00] =	vst v63  }
0x18a: {  	s11 =	sadd.s32 $0x10930, s0;
	s31 =	sadd.s32 $0x60, s30;
	s0 =	sadd.s32 $0x109B8, s0  }
0x18b: {  	[hbm4b:s31+s3] =	stream.linear.scatter [tilespmem:s11], [sflag:$0x3], $0x80, $0x38;
	[tilespmem:$0x16C00] =	vst v63  }
0x18c: {  	s11 =	sadd.s32 $0x70, s30;
	s30 =	sadd.s32 $0x4000, s30;
	s31 =	smov.u32 s12  }
0x18d: {  	[hbm4b:s11+s3] =	stream.linear.scatter [tilespmem:s0], [sflag:$0x3], $0x80, $0x38;
	[tilespmem:$0x16C00] =	vst v63  }
0x18e: {  	s12 =	sadd.s32 $0x10600, s1  }
0x18f: {  	[hbm4b:s30+s3] =	stream.linear.scatter [tilespmem:s12], [sflag:$0x3], $0x80, $0x38;
	[tilespmem:$0x16C00] =	vst v63  }
0x190: {  	s11 =	sadd.s32 $0x10688, s1;
	s12 =	sadd.s32 $0x10, s30  }
0x191: {  	[hbm4b:s12+s3] =	stream.linear.scatter [tilespmem:s11], [sflag:$0x3], $0x80, $0x38;
	[tilespmem:$0x16C00] =	vst v63  }
0x192: {  	s11 =	sadd.s32 $0x10710, s1;
	s12 =	sadd.s32 $0x20, s30  }
0x193: {  	[hbm4b:s12+s3] =	stream.linear.scatter [tilespmem:s11], [sflag:$0x3], $0x80, $0x38;
	[tilespmem:$0x16C00] =	vst v63  }
0x194: {  	s11 =	sadd.s32 $0x10798, s1;
	s12 =	sadd.s32 $0x30, s30  }
0x195: {  	[hbm4b:s12+s3] =	stream.linear.scatter [tilespmem:s11], [sflag:$0x3], $0x80, $0x38;
	[tilespmem:$0x16C00] =	vst v63  }
0x196: {  	s11 =	sadd.s32 $0x10820, s1;
	s12 =	sadd.s32 $0x40, s30  }
0x197: {  	[hbm4b:s12+s3] =	stream.linear.scatter [tilespmem:s11], [sflag:$0x3], $0x80, $0x38;
	[tilespmem:$0x16C00] =	vst v63  }
0x198: {  	s11 =	sadd.s32 $0x108A8, s1;
	s12 =	sadd.s32 $0x50, s30  }
0x199: {  	[hbm4b:s12+s3] =	stream.linear.scatter [tilespmem:s11], [sflag:$0x3], $0x80, $0x38;
	[tilespmem:$0x16C00] =	vst v63  }
0x19a: {  	s11 =	sadd.s32 $0x10930, s1;
	s12 =	sadd.s32 $0x60, s30  }
0x19b: {  	[hbm4b:s12+s3] =	stream.linear.scatter [tilespmem:s11], [sflag:$0x3], $0x80, $0x38;
	[tilespmem:$0x16C00] =	vst v63  }
0x19c: {  	p1 =	seq.s32 s26, $0x31;
	s30 =	sadd.s32 $0x70, s30;
	s12 =	sadd.s32 $0x109B8, s1  }
0x19d: {  	[hbm4b:s30+s3] =	stream.linear.scatter [tilespmem:s12], [sflag:$0x3], $0x80, $0x38;
	[tilespmem:$0x16C00] =	vst v63  }
0x19e: {  	s0 =	sadd.s32 @!p1 $0x200, s29;
	s1 =	simm.s32 @!p1 $0x80;
	s11 =	simm.s32 @!p1 $0x6400  }
0x19f: {  	[tilespmem:s11], [sflag:$0x1] =	stream.indirect.gather @!p1 [hbm4b:s4+s1], $0x40, s0, s1, $0xb8;
	[tilespmem:$0x16C00] =	vst v63  }
0x1a0: {  	s0 =	sadd.s32 @!p1 $0x280, s29;
	s11 =	simm.s32 @!p1 $0x8400  }
0x1a1: {  	[tilespmem:s11], [sflag:$0x1] =	stream.indirect.gather @!p1 [hbm4b:s4+s1], $0x40, s0, s1, $0xb8;
	[tilespmem:$0x16C00] =	vst v63  }
0x1a2: {  	_ =	swait.ge [sflag:s21], $0x2000  }
0x1a3: {  	[sflag:s21] =	ssyncset.done $0x0  }
0x1a4: {  	[sflag:s21] =	ssyncadd.s32 $0xFFFFE000  }
0x1a5: {  	_ =	swait.ge [sflag:s21], $0x2000  }
0x1a6: {  	[sflag:s21] =	ssyncset.done $0x0  }
0x1a7: {  	s0 =	simm.s32 @!p0 $0x4;
	[sflag:s21] =	ssyncadd.s32 $0xFFFFE000  }
0x1a8: {  	_ =	swait.ge @!p0 [sflag:s0], $0x2000  }
0x1a9: {  	[sflag:s0] =	ssyncset.done @!p0 $0x0  }
0x1aa: {  	[sflag:s0] =	ssyncadd.s32 @!p0 $0xFFFFE000  }
0x1ab: {  	_ =	swait.ge @!p0 [sflag:s0], $0x2000  }
0x1ac: {  	[sflag:s0] =	ssyncset.done @!p0 $0x0  }
0x1ad: {  	s29 =	simm.s32 $0xA4F0;
	s1 =	simm.s32 $0x0;
	[sflag:s0] =	ssyncadd.s32 @!p0 $0xFFFFE000  }
0x1ae: {  	v8 =	vmov s1;
	v9 =	vld [tilespmem:s29+$0xFFFFFF10]  }
0x1af: {  	v8 =	vand.u32 $0x7C, v8  }
0x1b0: {  	v10 =	vadd.s32 v0, v8;
	_ =	sdelay $0x2  }
0x1b1: {  	v9 =	vmul.f32 $8.000000000e+00, v9;
	_ =	sdelay $0x1  }
0x1b2: {  	[tilespmem:v10+s22+$0x0] =	vst.idx.msk $0xffff, v9  }
0x1b3: {  	v9 =	vld [tilespmem:s29+$0xFFFFFF20];
	_ =	sdelay $0x1  }
0x1b4: {  	v10 =	vadd.s32 v1, v8;
	_ =	sdelay $0x2  }
0x1b5: {  	v9 =	vmul.f32 $8.000000000e+00, v9;
	_ =	sdelay $0x1  }
0x1b6: {  	[tilespmem:v10+s22+$0x0] =	vst.idx.msk $0xffff, v9  }
0x1b7: {  	v9 =	vld [tilespmem:s29+$0xFFFFFF30];
	_ =	sdelay $0x1  }
0x1b8: {  	v10 =	vadd.s32 v2, v8;
	_ =	sdelay $0x2  }
0x1b9: {  	v9 =	vmul.f32 $8.000000000e+00, v9;
	_ =	sdelay $0x1  }
0x1ba: {  	[tilespmem:v10+s22+$0x0] =	vst.idx.msk $0xffff, v9  }
0x1bb: {  	v9 =	vld [tilespmem:s29+$0xFFFFFF40];
	_ =	sdelay $0x1  }
0x1bc: {  	v10 =	vadd.s32 v3, v8;
	_ =	sdelay $0x2  }
0x1bd: {  	v9 =	vmul.f32 $8.000000000e+00, v9;
	_ =	sdelay $0x1  }
0x1be: {  	s11 =	simm.s32 $0x1;
	[tilespmem:v10+s22+$0x0] =	vst.idx.msk $0xffff, v9  }
0x1bf: {  	v9 =	vmov s11;
	v10 =	vld [tilespmem:s29+$0xFFFFFF50]  }
0x1c0: {  	v9 =	vand.u32 $0x7D, v9  }
0x1c1: {  	v11 =	vadd.s32 v0, v9;
	_ =	sdelay $0x2  }
0x1c2: {  	v10 =	vmul.f32 $8.000000000e+00, v10;
	_ =	sdelay $0x1  }
0x1c3: {  	[tilespmem:v11+s22+$0x0] =	vst.idx.msk $0xffff, v10  }
0x1c4: {  	v10 =	vld [tilespmem:s29+$0xFFFFFF60];
	_ =	sdelay $0x1  }
0x1c5: {  	v11 =	vadd.s32 v1, v9;
	_ =	sdelay $0x2  }
0x1c6: {  	v10 =	vmul.f32 $8.000000000e+00, v10;
	_ =	sdelay $0x1  }
0x1c7: {  	[tilespmem:v11+s22+$0x0] =	vst.idx.msk $0xffff, v10  }
0x1c8: {  	v10 =	vld [tilespmem:s29+$0xFFFFFF70];
	_ =	sdelay $0x1  }
0x1c9: {  	v11 =	vadd.s32 v2, v9;
	_ =	sdelay $0x2  }
0x1ca: {  	v10 =	vmul.f32 $8.000000000e+00, v10;
	_ =	sdelay $0x1  }
0x1cb: {  	[tilespmem:v11+s22+$0x0] =	vst.idx.msk $0xffff, v10  }
0x1cc: {  	v10 =	vld [tilespmem:s29+$0xFFFFFF80];
	_ =	sdelay $0x1  }
0x1cd: {  	v11 =	vadd.s32 v3, v9;
	_ =	sdelay $0x2  }
0x1ce: {  	v10 =	vmul.f32 $8.000000000e+00, v10;
	_ =	sdelay $0x1  }
0x1cf: {  	s12 =	simm.s32 $0x2;
	[tilespmem:v11+s22+$0x0] =	vst.idx.msk $0xffff, v10  }
0x1d0: {  	v10 =	vmov s12;
	v11 =	vld [tilespmem:s29+$0xFFFFFF90]  }
0x1d1: {  	v10 =	vand.u32 $0x7E, v10  }
0x1d2: {  	v12 =	vadd.s32 v0, v10;
	_ =	sdelay $0x2  }
0x1d3: {  	v11 =	vmul.f32 $8.000000000e+00, v11;
	_ =	sdelay $0x1  }
0x1d4: {  	[tilespmem:v12+s22+$0x0] =	vst.idx.msk $0xffff, v11  }
0x1d5: {  	v11 =	vld [tilespmem:s29+$0xFFFFFFA0];
	_ =	sdelay $0x1  }
0x1d6: {  	v12 =	vadd.s32 v1, v10;
	_ =	sdelay $0x2  }
0x1d7: {  	v11 =	vmul.f32 $8.000000000e+00, v11;
	_ =	sdelay $0x1  }
0x1d8: {  	[tilespmem:v12+s22+$0x0] =	vst.idx.msk $0xffff, v11  }
0x1d9: {  	v11 =	vld [tilespmem:s29+$0xFFFFFFB0];
	_ =	sdelay $0x1  }
0x1da: {  	v12 =	vadd.s32 v2, v10;
	_ =	sdelay $0x2  }
0x1db: {  	v11 =	vmul.f32 $8.000000000e+00, v11;
	_ =	sdelay $0x1  }
0x1dc: {  	[tilespmem:v12+s22+$0x0] =	vst.idx.msk $0xffff, v11  }
0x1dd: {  	v11 =	vld [tilespmem:s29+$0xFFFFFFC0];
	_ =	sdelay $0x1  }
0x1de: {  	v12 =	vadd.s32 v3, v10;
	_ =	sdelay $0x2  }
0x1df: {  	v11 =	vmul.f32 $8.000000000e+00, v11;
	_ =	sdelay $0x1  }
0x1e0: {  	s30 =	simm.s32 $0x3;
	[tilespmem:v12+s22+$0x0] =	vst.idx.msk $0xffff, v11  }
0x1e1: {  	v11 =	vmov s30;
	v12 =	vld [tilespmem:s29+$0xFFFFFFD0]  }
0x1e2: {  	v11 =	vand.u32 $0x7F, v11  }
0x1e3: {  	v13 =	vadd.s32 v0, v11;
	_ =	sdelay $0x2  }
0x1e4: {  	v12 =	vmul.f32 $8.000000000e+00, v12;
	_ =	sdelay $0x1  }
0x1e5: {  	[tilespmem:v13+s22+$0x0] =	vst.idx.msk $0xffff, v12  }
0x1e6: {  	v12 =	vld [tilespmem:s29+$0xFFFFFFE0];
	_ =	sdelay $0x1  }
0x1e7: {  	v13 =	vadd.s32 v1, v11;
	_ =	sdelay $0x2  }
0x1e8: {  	v12 =	vmul.f32 $8.000000000e+00, v12;
	_ =	sdelay $0x1  }
0x1e9: {  	[tilespmem:v13+s22+$0x0] =	vst.idx.msk $0xffff, v12  }
0x1ea: {  	v12 =	vld [tilespmem:s29+$0xFFFFFFF0];
	_ =	sdelay $0x1  }
0x1eb: {  	v13 =	vadd.s32 v2, v11;
	_ =	sdelay $0x2  }
0x1ec: {  	v12 =	vmul.f32 $8.000000000e+00, v12;
	_ =	sdelay $0x1  }
0x1ed: {  	[tilespmem:v13+s22+$0x0] =	vst.idx.msk $0xffff, v12  }
0x1ee: {  	v13 =	vld [tilespmem:s29+$0x0];
	_ =	sdelay $0x1  }
0x1ef: {  	v12 =	vadd.s32 v3, v11;
	_ =	sdelay $0x2  }
0x1f0: {  	s31 =	simm.s32 $0x4;
	v13 =	vmul.f32 $8.000000000e+00, v13  }
.LBB2_11:
0x1f1: {  	p0 =	slt.u32 s31, $0x7C  }
0x1f2: {  	[tilespmem:v12+s22+$0x0] =	vst.idx.msk $0xffff, v13;
	s29 =	sadd.s32 $0x100, s29;
	s1 =	smov.u32 s31;
	s31 =	sadd.s32 $0x4, s31  }
0x1f3: {  	v12 =	vmov s1;
	v13 =	vld [tilespmem:s29+$0xFFFFFF10]  }
0x1f4: {  	v12 =	vand.u32 $0x7C, v12  }
0x1f5: {  	v14 =	vadd.s32 v0, v12;
	_ =	sdelay $0x2  }
0x1f6: {  	v13 =	vmul.f32 $8.000000000e+00, v13;
	_ =	sdelay $0x1  }
0x1f7: {  	[tilespmem:v14+s22+$0x0] =	vst.idx.msk $0xffff, v13  }
0x1f8: {  	v13 =	vld [tilespmem:s29+$0xFFFFFF20];
	_ =	sdelay $0x1  }
0x1f9: {  	v14 =	vadd.s32 v1, v12;
	_ =	sdelay $0x2  }
0x1fa: {  	v13 =	vmul.f32 $8.000000000e+00, v13;
	_ =	sdelay $0x1  }
0x1fb: {  	[tilespmem:v14+s22+$0x0] =	vst.idx.msk $0xffff, v13  }
0x1fc: {  	v13 =	vld [tilespmem:s29+$0xFFFFFF30];
	_ =	sdelay $0x1  }
0x1fd: {  	v14 =	vadd.s32 v2, v12;
	_ =	sdelay $0x2  }
0x1fe: {  	v13 =	vmul.f32 $8.000000000e+00, v13;
	_ =	sdelay $0x1  }
0x1ff: {  	[tilespmem:v14+s22+$0x0] =	vst.idx.msk $0xffff, v13  }
0x200: {  	v13 =	vld [tilespmem:s29+$0xFFFFFF40];
	_ =	sdelay $0x1  }
0x201: {  	v12 =	vadd.s32 v3, v12;
	_ =	sdelay $0x2  }
0x202: {  	v13 =	vmul.f32 $8.000000000e+00, v13;
	_ =	sdelay $0x1  }
0x203: {  	s0 =	sadd.s32 $0x1, s1;
	[tilespmem:v12+s22+$0x0] =	vst.idx.msk $0xffff, v13  }
0x204: {  	v12 =	vmov s0;
	v13 =	vld [tilespmem:s29+$0xFFFFFF50]  }
0x205: {  	v12 =	vand.u32 $0x7D, v12  }
0x206: {  	v14 =	vadd.s32 v0, v12;
	_ =	sdelay $0x2  }
0x207: {  	v13 =	vmul.f32 $8.000000000e+00, v13;
	_ =	sdelay $0x1  }
0x208: {  	[tilespmem:v14+s22+$0x0] =	vst.idx.msk $0xffff, v13  }
0x209: {  	v13 =	vld [tilespmem:s29+$0xFFFFFF60];
	_ =	sdelay $0x1  }
0x20a: {  	v14 =	vadd.s32 v1, v12;
	_ =	sdelay $0x2  }
0x20b: {  	v13 =	vmul.f32 $8.000000000e+00, v13;
	_ =	sdelay $0x1  }
0x20c: {  	[tilespmem:v14+s22+$0x0] =	vst.idx.msk $0xffff, v13  }
0x20d: {  	v13 =	vld [tilespmem:s29+$0xFFFFFF70];
	_ =	sdelay $0x1  }
0x20e: {  	v14 =	vadd.s32 v2, v12;
	_ =	sdelay $0x2  }
0x20f: {  	v13 =	vmul.f32 $8.000000000e+00, v13;
	_ =	sdelay $0x1  }
0x210: {  	[tilespmem:v14+s22+$0x0] =	vst.idx.msk $0xffff, v13  }
0x211: {  	v13 =	vld [tilespmem:s29+$0xFFFFFF80];
	_ =	sdelay $0x1  }
0x212: {  	v12 =	vadd.s32 v3, v12;
	_ =	sdelay $0x2  }
0x213: {  	v13 =	vmul.f32 $8.000000000e+00, v13;
	_ =	sdelay $0x1  }
0x214: {  	s0 =	sadd.s32 $0x2, s1;
	[tilespmem:v12+s22+$0x0] =	vst.idx.msk $0xffff, v13  }
0x215: {  	v12 =	vmov s0;
	v13 =	vld [tilespmem:s29+$0xFFFFFF90]  }
0x216: {  	v12 =	vand.u32 $0x7E, v12  }
0x217: {  	v14 =	vadd.s32 v0, v12;
	_ =	sdelay $0x2  }
0x218: {  	v13 =	vmul.f32 $8.000000000e+00, v13;
	_ =	sdelay $0x1  }
0x219: {  	[tilespmem:v14+s22+$0x0] =	vst.idx.msk $0xffff, v13  }
0x21a: {  	v13 =	vld [tilespmem:s29+$0xFFFFFFA0];
	_ =	sdelay $0x1  }
0x21b: {  	v14 =	vadd.s32 v1, v12;
	_ =	sdelay $0x2  }
0x21c: {  	v13 =	vmul.f32 $8.000000000e+00, v13;
	_ =	sdelay $0x1  }
0x21d: {  	[tilespmem:v14+s22+$0x0] =	vst.idx.msk $0xffff, v13  }
0x21e: {  	v13 =	vld [tilespmem:s29+$0xFFFFFFB0];
	_ =	sdelay $0x1  }
0x21f: {  	v14 =	vadd.s32 v2, v12;
	_ =	sdelay $0x2  }
0x220: {  	v13 =	vmul.f32 $8.000000000e+00, v13;
	_ =	sdelay $0x1  }
0x221: {  	[tilespmem:v14+s22+$0x0] =	vst.idx.msk $0xffff, v13  }
0x222: {  	v13 =	vld [tilespmem:s29+$0xFFFFFFC0];
	_ =	sdelay $0x1  }
0x223: {  	v12 =	vadd.s32 v3, v12;
	_ =	sdelay $0x2  }
0x224: {  	v13 =	vmul.f32 $8.000000000e+00, v13;
	_ =	sdelay $0x1  }
0x225: {  	s0 =	sadd.s32 $0x3, s1;
	[tilespmem:v12+s22+$0x0] =	vst.idx.msk $0xffff, v13  }
0x226: {  	v12 =	vmov s0;
	v13 =	vld [tilespmem:s29+$0xFFFFFFD0]  }
0x227: {  	v12 =	vand.u32 $0x7F, v12  }
0x228: {  	v14 =	vadd.s32 v0, v12;
	_ =	sdelay $0x2  }
0x229: {  	v13 =	vmul.f32 $8.000000000e+00, v13;
	_ =	sdelay $0x1  }
0x22a: {  	[tilespmem:v14+s22+$0x0] =	vst.idx.msk $0xffff, v13  }
0x22b: {  	v13 =	vld [tilespmem:s29+$0xFFFFFFE0];
	_ =	sdelay $0x1  }
0x22c: {  	v14 =	vadd.s32 v1, v12;
	_ =	sdelay $0x2  }
0x22d: {  	v13 =	vmul.f32 $8.000000000e+00, v13;
	_ =	sdelay $0x1  }
0x22e: {  	[tilespmem:v14+s22+$0x0] =	vst.idx.msk $0xffff, v13  }
0x22f: {  	v13 =	vld [tilespmem:s29+$0xFFFFFFF0];
	_ =	sdelay $0x1  }
0x230: {  	v14 =	vadd.s32 v2, v12;
	_ =	sdelay $0x2  }
0x231: {  	v13 =	vmul.f32 $8.000000000e+00, v13;
	_ =	sdelay $0x1  }
0x232: {  	[tilespmem:v14+s22+$0x0] =	vst.idx.msk $0xffff, v13  }
0x233: {  	v13 =	vld [tilespmem:s29+$0x0];
	_ =	sdelay $0x1  }
.Ltmp4:
0x234: {  	v12 =	vadd.s32 v3, v12;
	(pc) =	sbr.rel @p0 .LBB2_11-.Ltmp4, $3  }
0x235: {  	_ =	sdelay $0x1  }
0x236: {  	v13 =	vmul.f32 $8.000000000e+00, v13  }
0x237: {  	s30 =	simm.s32 $0xC400  }
0x238: {  	_ =	sdelay $0x3  }
0x239: {  	[tilespmem:v12+s22+$0x0] =	vst.idx.msk $0xffff, v13  }
0x23a: {  	v12 =	vld [tilespmem:s30+$0x0];
	_ =	sdelay $0x1  }
0x23b: {  	v58 =	vadd.s32 v4, v8;
	_ =	sdelay $0x2  }
0x23c: {  	v12 =	vmul.f32 $8.000000000e+00, v12;
	_ =	sdelay $0x1  }
0x23d: {  	[tilespmem:v58+s22+$0x0] =	vst.idx.msk $0xffff, v12  }
0x23e: {  	v12 =	vld [tilespmem:s30+$0x10];
	_ =	sdelay $0x1  }
0x23f: {  	v59 =	vadd.s32 v5, v8;
	_ =	sdelay $0x2  }
0x240: {  	v12 =	vmul.f32 $8.000000000e+00, v12;
	_ =	sdelay $0x1  }
0x241: {  	[tilespmem:v59+s22+$0x0] =	vst.idx.msk $0xffff, v12  }
0x242: {  	v12 =	vld [tilespmem:s30+$0x20];
	_ =	sdelay $0x1  }
0x243: {  	v60 =	vadd.s32 v6, v8;
	_ =	sdelay $0x2  }
0x244: {  	v12 =	vmul.f32 $8.000000000e+00, v12;
	_ =	sdelay $0x1  }
0x245: {  	[tilespmem:v60+s22+$0x0] =	vst.idx.msk $0xffff, v12  }
0x246: {  	v12 =	vld [tilespmem:s30+$0x30];
	_ =	sdelay $0x1  }
0x247: {  	v8 =	vadd.s32 v7, v8;
	_ =	sdelay $0x2  }
0x248: {  	v12 =	vmul.f32 $8.000000000e+00, v12;
	_ =	sdelay $0x1  }
0x249: {  	[tilespmem:v8+s22+$0x0] =	vst.idx.msk $0xffff, v12  }
0x24a: {  	v8 =	vld [tilespmem:s30+$0x40];
	_ =	sdelay $0x1  }
0x24b: {  	v61 =	vadd.s32 v4, v9;
	_ =	sdelay $0x2  }
0x24c: {  	v8 =	vmul.f32 $8.000000000e+00, v8;
	_ =	sdelay $0x1  }
0x24d: {  	[tilespmem:v61+s22+$0x0] =	vst.idx.msk $0xffff, v8  }
0x24e: {  	v8 =	vld [tilespmem:s30+$0x50];
	_ =	sdelay $0x1  }
0x24f: {  	v62 =	vadd.s32 v5, v9;
	_ =	sdelay $0x2  }
0x250: {  	v8 =	vmul.f32 $8.000000000e+00, v8;
	_ =	sdelay $0x1  }
0x251: {  	[tilespmem:v62+s22+$0x0] =	vst.idx.msk $0xffff, v8  }
0x252: {  	v8 =	vld [tilespmem:s30+$0x60];
	_ =	sdelay $0x1  }
0x253: {  	v63 =	vadd.s32 v6, v9;
	_ =	sdelay $0x2  }
0x254: {  	v8 =	vmul.f32 $8.000000000e+00, v8;
	_ =	sdelay $0x1  }
0x255: {  	[tilespmem:v63+s22+$0x0] =	vst.idx.msk $0xffff, v8  }
0x256: {  	v8 =	vld [tilespmem:s30+$0x70];
	_ =	sdelay $0x1  }
0x257: {  	v9 =	vadd.s32 v7, v9;
	_ =	sdelay $0x2  }
0x258: {  	v8 =	vmul.f32 $8.000000000e+00, v8;
	_ =	sdelay $0x1  }
0x259: {  	[tilespmem:v9+s22+$0x0] =	vst.idx.msk $0xffff, v8  }
0x25a: {  	v8 =	vld [tilespmem:s30+$0x80];
	_ =	sdelay $0x1  }
0x25b: {  	v9 =	vadd.s32 v4, v10;
	_ =	sdelay $0x2  }
0x25c: {  	v8 =	vmul.f32 $8.000000000e+00, v8;
	_ =	sdelay $0x1  }
0x25d: {  	[tilespmem:v9+s22+$0x0] =	vst.idx.msk $0xffff, v8  }
0x25e: {  	v8 =	vld [tilespmem:s30+$0x90];
	_ =	sdelay $0x1  }
0x25f: {  	v9 =	vadd.s32 v5, v10;
	_ =	sdelay $0x2  }
0x260: {  	v8 =	vmul.f32 $8.000000000e+00, v8;
	_ =	sdelay $0x1  }
0x261: {  	[tilespmem:v9+s22+$0x0] =	vst.idx.msk $0xffff, v8  }
0x262: {  	v8 =	vld [tilespmem:s30+$0xA0];
	_ =	sdelay $0x1  }
0x263: {  	v9 =	vadd.s32 v6, v10;
	_ =	sdelay $0x2  }
0x264: {  	v8 =	vmul.f32 $8.000000000e+00, v8;
	_ =	sdelay $0x1  }
0x265: {  	[tilespmem:v9+s22+$0x0] =	vst.idx.msk $0xffff, v8  }
0x266: {  	v8 =	vld [tilespmem:s30+$0xB0];
	_ =	sdelay $0x1  }
0x267: {  	v9 =	vadd.s32 v7, v10;
	_ =	sdelay $0x2  }
0x268: {  	v8 =	vmul.f32 $8.000000000e+00, v8;
	_ =	sdelay $0x1  }
0x269: {  	[tilespmem:v9+s22+$0x0] =	vst.idx.msk $0xffff, v8  }
0x26a: {  	v8 =	vld [tilespmem:s30+$0xC0];
	_ =	sdelay $0x1  }
0x26b: {  	v9 =	vadd.s32 v4, v11;
	_ =	sdelay $0x2  }
0x26c: {  	v8 =	vmul.f32 $8.000000000e+00, v8;
	_ =	sdelay $0x1  }
0x26d: {  	[tilespmem:v9+s22+$0x0] =	vst.idx.msk $0xffff, v8  }
0x26e: {  	v8 =	vld [tilespmem:s30+$0xD0];
	_ =	sdelay $0x1  }
0x26f: {  	v9 =	vadd.s32 v5, v11;
	_ =	sdelay $0x2  }
0x270: {  	v8 =	vmul.f32 $8.000000000e+00, v8;
	_ =	sdelay $0x1  }
0x271: {  	[tilespmem:v9+s22+$0x0] =	vst.idx.msk $0xffff, v8  }
0x272: {  	v8 =	vld [tilespmem:s30+$0xE0];
	_ =	sdelay $0x1  }
0x273: {  	v9 =	vadd.s32 v6, v11;
	_ =	sdelay $0x2  }
0x274: {  	v8 =	vmul.f32 $8.000000000e+00, v8;
	_ =	sdelay $0x1  }
0x275: {  	[tilespmem:v9+s22+$0x0] =	vst.idx.msk $0xffff, v8  }
0x276: {  	v9 =	vld [tilespmem:s30+$0xF0];
	_ =	sdelay $0x1  }
0x277: {  	v8 =	vadd.s32 v7, v11;
	_ =	sdelay $0x2  }
0x278: {  	s29 =	simm.s32 $0x4;
	v9 =	vmul.f32 $8.000000000e+00, v9  }
.LBB2_13:
0x279: {  	p0 =	slt.u32 s29, $0x7C  }
0x27a: {  	s30 =	sadd.s32 $0x100, s30;
	s1 =	smov.u32 s29;
	s29 =	sadd.s32 $0x4, s29;
	[tilespmem:v8+s22+$0x0] =	vst.idx.msk $0xffff, v9  }
0x27b: {  	v8 =	vmov s1;
	v9 =	vld [tilespmem:s30+$0x0]  }
0x27c: {  	v8 =	vand.u32 $0x7C, v8  }
0x27d: {  	v10 =	vadd.s32 v4, v8;
	_ =	sdelay $0x2  }
0x27e: {  	v9 =	vmul.f32 $8.000000000e+00, v9;
	_ =	sdelay $0x1  }
0x27f: {  	[tilespmem:v10+s22+$0x0] =	vst.idx.msk $0xffff, v9  }
0x280: {  	v9 =	vld [tilespmem:s30+$0x10];
	_ =	sdelay $0x1  }
0x281: {  	v10 =	vadd.s32 v5, v8;
	_ =	sdelay $0x2  }
0x282: {  	v9 =	vmul.f32 $8.000000000e+00, v9;
	_ =	sdelay $0x1  }
0x283: {  	[tilespmem:v10+s22+$0x0] =	vst.idx.msk $0xffff, v9  }
0x284: {  	v9 =	vld [tilespmem:s30+$0x20];
	_ =	sdelay $0x1  }
0x285: {  	v10 =	vadd.s32 v6, v8;
	_ =	sdelay $0x2  }
0x286: {  	v9 =	vmul.f32 $8.000000000e+00, v9;
	_ =	sdelay $0x1  }
0x287: {  	[tilespmem:v10+s22+$0x0] =	vst.idx.msk $0xffff, v9  }
0x288: {  	v9 =	vld [tilespmem:s30+$0x30];
	_ =	sdelay $0x1  }
0x289: {  	v8 =	vadd.s32 v7, v8;
	_ =	sdelay $0x2  }
0x28a: {  	v9 =	vmul.f32 $8.000000000e+00, v9;
	_ =	sdelay $0x1  }
0x28b: {  	s0 =	sadd.s32 $0x1, s1;
	[tilespmem:v8+s22+$0x0] =	vst.idx.msk $0xffff, v9  }
0x28c: {  	v8 =	vmov s0;
	v9 =	vld [tilespmem:s30+$0x40]  }
0x28d: {  	v8 =	vand.u32 $0x7D, v8  }
0x28e: {  	v10 =	vadd.s32 v4, v8;
	_ =	sdelay $0x2  }
0x28f: {  	v9 =	vmul.f32 $8.000000000e+00, v9;
	_ =	sdelay $0x1  }
0x290: {  	[tilespmem:v10+s22+$0x0] =	vst.idx.msk $0xffff, v9  }
0x291: {  	v9 =	vld [tilespmem:s30+$0x50];
	_ =	sdelay $0x1  }
0x292: {  	v10 =	vadd.s32 v5, v8;
	_ =	sdelay $0x2  }
0x293: {  	v9 =	vmul.f32 $8.000000000e+00, v9;
	_ =	sdelay $0x1  }
0x294: {  	[tilespmem:v10+s22+$0x0] =	vst.idx.msk $0xffff, v9  }
0x295: {  	v9 =	vld [tilespmem:s30+$0x60];
	_ =	sdelay $0x1  }
0x296: {  	v10 =	vadd.s32 v6, v8;
	_ =	sdelay $0x2  }
0x297: {  	v9 =	vmul.f32 $8.000000000e+00, v9;
	_ =	sdelay $0x1  }
0x298: {  	[tilespmem:v10+s22+$0x0] =	vst.idx.msk $0xffff, v9  }
0x299: {  	v9 =	vld [tilespmem:s30+$0x70];
	_ =	sdelay $0x1  }
0x29a: {  	v8 =	vadd.s32 v7, v8;
	_ =	sdelay $0x2  }
0x29b: {  	v9 =	vmul.f32 $8.000000000e+00, v9;
	_ =	sdelay $0x1  }
0x29c: {  	s0 =	sadd.s32 $0x2, s1;
	[tilespmem:v8+s22+$0x0] =	vst.idx.msk $0xffff, v9  }
0x29d: {  	v8 =	vmov s0;
	v9 =	vld [tilespmem:s30+$0x80]  }
0x29e: {  	v8 =	vand.u32 $0x7E, v8  }
0x29f: {  	v10 =	vadd.s32 v4, v8;
	_ =	sdelay $0x2  }
0x2a0: {  	v9 =	vmul.f32 $8.000000000e+00, v9;
	_ =	sdelay $0x1  }
0x2a1: {  	[tilespmem:v10+s22+$0x0] =	vst.idx.msk $0xffff, v9  }
0x2a2: {  	v9 =	vld [tilespmem:s30+$0x90];
	_ =	sdelay $0x1  }
0x2a3: {  	v10 =	vadd.s32 v5, v8;
	_ =	sdelay $0x2  }
0x2a4: {  	v9 =	vmul.f32 $8.000000000e+00, v9;
	_ =	sdelay $0x1  }
0x2a5: {  	[tilespmem:v10+s22+$0x0] =	vst.idx.msk $0xffff, v9  }
0x2a6: {  	v9 =	vld [tilespmem:s30+$0xA0];
	_ =	sdelay $0x1  }
0x2a7: {  	v10 =	vadd.s32 v6, v8;
	_ =	sdelay $0x2  }
0x2a8: {  	v9 =	vmul.f32 $8.000000000e+00, v9;
	_ =	sdelay $0x1  }
0x2a9: {  	[tilespmem:v10+s22+$0x0] =	vst.idx.msk $0xffff, v9  }
0x2aa: {  	v9 =	vld [tilespmem:s30+$0xB0];
	_ =	sdelay $0x1  }
0x2ab: {  	v8 =	vadd.s32 v7, v8;
	_ =	sdelay $0x2  }
0x2ac: {  	v9 =	vmul.f32 $8.000000000e+00, v9;
	_ =	sdelay $0x1  }
0x2ad: {  	s0 =	sadd.s32 $0x3, s1;
	[tilespmem:v8+s22+$0x0] =	vst.idx.msk $0xffff, v9  }
0x2ae: {  	v8 =	vmov s0;
	v9 =	vld [tilespmem:s30+$0xC0]  }
0x2af: {  	v8 =	vand.u32 $0x7F, v8  }
0x2b0: {  	v10 =	vadd.s32 v4, v8;
	_ =	sdelay $0x2  }
0x2b1: {  	v9 =	vmul.f32 $8.000000000e+00, v9;
	_ =	sdelay $0x1  }
0x2b2: {  	[tilespmem:v10+s22+$0x0] =	vst.idx.msk $0xffff, v9  }
0x2b3: {  	v9 =	vld [tilespmem:s30+$0xD0];
	_ =	sdelay $0x1  }
0x2b4: {  	v10 =	vadd.s32 v5, v8;
	_ =	sdelay $0x2  }
0x2b5: {  	v9 =	vmul.f32 $8.000000000e+00, v9;
	_ =	sdelay $0x1  }
0x2b6: {  	[tilespmem:v10+s22+$0x0] =	vst.idx.msk $0xffff, v9  }
0x2b7: {  	v9 =	vld [tilespmem:s30+$0xE0];
	_ =	sdelay $0x1  }
0x2b8: {  	v10 =	vadd.s32 v6, v8;
	_ =	sdelay $0x2  }
0x2b9: {  	v9 =	vmul.f32 $8.000000000e+00, v9;
	_ =	sdelay $0x1  }
0x2ba: {  	[tilespmem:v10+s22+$0x0] =	vst.idx.msk $0xffff, v9  }
0x2bb: {  	v9 =	vld [tilespmem:s30+$0xF0]  }
.Ltmp5:
0x2bc: {  	(pc) =	sbr.rel @p0 .LBB2_13-.Ltmp5, $2  }
0x2bd: {  	v8 =	vadd.s32 v7, v8;
	_ =	sdelay $0x2  }
0x2be: {  	v9 =	vmul.f32 $8.000000000e+00, v9  }
0x2bf: {  	_ =	sdelay $0x1  }
0x2c0: {  	s0 =	sor.u32 s8, s28  }
0x2c1: {  	s0 =	sshrl.u32 s0, $0x3  }
0x2c2: {  	s11 =	simm.s32 $0x12800;
	[tilespmem:v8+s22+$0x0] =	vst.idx.msk $0xffff, v9;
	s12 =	sadd.s32 s2, s0  }
0x2c3: {  	[hbm4b:s12+s3] =	stream.linear.scatter [tilespmem:s11], [sflag:$0x4], $0x80, $0x38;
	[tilespmem:$0x16C00] =	vst v63  }
0x2c4: {  	s31 =	simm.s32 $0x12888;
	s1 =	sadd.s32 $0x10, s12  }
0x2c5: {  	[hbm4b:s1+s3] =	stream.linear.scatter [tilespmem:s31], [sflag:$0x4], $0x80, $0x38;
	[tilespmem:$0x16C00] =	vst v63  }
0x2c6: {  	s11 =	simm.s32 $0x12910;
	s31 =	sadd.s32 $0x20, s12  }
0x2c7: {  	[hbm4b:s31+s3] =	stream.linear.scatter [tilespmem:s11], [sflag:$0x4], $0x80, $0x38;
	[tilespmem:$0x16C00] =	vst v63  }
0x2c8: {  	s11 =	simm.s32 $0x12998;
	s31 =	sadd.s32 $0x30, s12  }
0x2c9: {  	[hbm4b:s31+s3] =	stream.linear.scatter [tilespmem:s11], [sflag:$0x4], $0x80, $0x38;
	[tilespmem:$0x16C00] =	vst v63  }
0x2ca: {  	s11 =	simm.s32 $0x12A20;
	s31 =	sadd.s32 $0x40, s12  }
0x2cb: {  	[hbm4b:s31+s3] =	stream.linear.scatter [tilespmem:s11], [sflag:$0x4], $0x80, $0x38;
	[tilespmem:$0x16C00] =	vst v63  }
0x2cc: {  	s30 =	simm.s32 $0x2200;
	s11 =	simm.s32 $0x12AA8;
	s31 =	sadd.s32 $0x50, s12  }
0x2cd: {  	[hbm4b:s31+s3] =	stream.linear.scatter [tilespmem:s11], [sflag:$0x4], $0x80, $0x38;
	[tilespmem:$0x16C00] =	vst v63  }
0x2ce: {  	s0 =	simm.s32 $0x12BB8;
	s11 =	simm.s32 $0x12B30;
	s31 =	sadd.s32 $0x60, s12  }
0x2cf: {  	[hbm4b:s31+s3] =	stream.linear.scatter [tilespmem:s11], [sflag:$0x4], $0x80, $0x38;
	[tilespmem:$0x16C00] =	vst v63  }
0x2d0: {  	s29 =	sadd.s32 $0x4000, s12;
	s1 =	simm.s32 $0x440;
	s11 =	sadd.s32 $0x70, s12  }
.LBB2_15:
0x2d1: {  	[hbm4b:s11+s3] =	stream.linear.scatter [tilespmem:s0], [sflag:$0x4], $0x80, $0x38;
	[tilespmem:$0x16C00] =	vst v63  }
0x2d2: {  	s0 =	smov.u32 s1;
	s1 =	smov.u32 s30  }
0x2d3: {  	s12 =	sadd.s32 $0x1100, s30;
	s1 =	sshra.s32 s1, $0x2;
	s11 =	sadd.s32 $0x12800, s0  }
0x2d4: {  	[hbm4b:s29+s3] =	stream.linear.scatter [tilespmem:s11], [sflag:$0x4], $0x80, $0x38;
	[tilespmem:$0x16C00] =	vst v63  }
0x2d5: {  	p0 =	sne.s32 s30, $0x7700;
	s30 =	sadd.s32 $0x10, s29;
	s11 =	sadd.s32 $0x12888, s0  }
0x2d6: {  	[hbm4b:s30+s3] =	stream.linear.scatter [tilespmem:s11], [sflag:$0x4], $0x80, $0x38;
	[tilespmem:$0x16C00] =	vst v63  }
0x2d7: {  	s11 =	sadd.s32 $0x12910, s0;
	s30 =	sadd.s32 $0x20, s29  }
0x2d8: {  	[hbm4b:s30+s3] =	stream.linear.scatter [tilespmem:s11], [sflag:$0x4], $0x80, $0x38;
	[tilespmem:$0x16C00] =	vst v63  }
0x2d9: {  	s11 =	sadd.s32 $0x12998, s0;
	s30 =	sadd.s32 $0x30, s29  }
0x2da: {  	[hbm4b:s30+s3] =	stream.linear.scatter [tilespmem:s11], [sflag:$0x4], $0x80, $0x38;
	[tilespmem:$0x16C00] =	vst v63  }
0x2db: {  	s11 =	sadd.s32 $0x12A20, s0;
	s30 =	sadd.s32 $0x40, s29  }
0x2dc: {  	[hbm4b:s30+s3] =	stream.linear.scatter [tilespmem:s11], [sflag:$0x4], $0x80, $0x38;
	[tilespmem:$0x16C00] =	vst v63  }
.Ltmp6:
0x2dd: {  	s11 =	sadd.s32 $0x12AA8, s0;
	s30 =	sadd.s32 $0x50, s29;
	(pc) =	sbr.rel @p0 .LBB2_15-.Ltmp6, $4  }
0x2de: {  	[hbm4b:s30+s3] =	stream.linear.scatter [tilespmem:s11], [sflag:$0x4], $0x80, $0x38;
	[tilespmem:$0x16C00] =	vst v63  }
0x2df: {  	s11 =	sadd.s32 $0x12B30, s0;
	s30 =	sadd.s32 $0x60, s29;
	s0 =	sadd.s32 $0x12BB8, s0  }
0x2e0: {  	[hbm4b:s30+s3] =	stream.linear.scatter [tilespmem:s11], [sflag:$0x4], $0x80, $0x38;
	[tilespmem:$0x16C00] =	vst v63  }
0x2e1: {  	s11 =	sadd.s32 $0x70, s29;
	s29 =	sadd.s32 $0x4000, s29;
	s30 =	smov.u32 s12  }
0x2e2: {  	[hbm4b:s11+s3] =	stream.linear.scatter [tilespmem:s0], [sflag:$0x4], $0x80, $0x38;
	[tilespmem:$0x16C00] =	vst v63  }
0x2e3: {  	s31 =	sadd.s32 $0x12800, s1  }
0x2e4: {  	[hbm4b:s29+s3] =	stream.linear.scatter [tilespmem:s31], [sflag:$0x4], $0x80, $0x38;
	[tilespmem:$0x16C00] =	vst v63  }
0x2e5: {  	s11 =	sadd.s32 $0x12888, s1;
	s12 =	sadd.s32 $0x10, s29  }
0x2e6: {  	[hbm4b:s12+s3] =	stream.linear.scatter [tilespmem:s11], [sflag:$0x4], $0x80, $0x38;
	[tilespmem:$0x16C00] =	vst v63  }
0x2e7: {  	s30 =	sadd.s32 $0x12910, s1;
	s31 =	sadd.s32 $0x20, s29  }
0x2e8: {  	[hbm4b:s31+s3] =	stream.linear.scatter [tilespmem:s30], [sflag:$0x4], $0x80, $0x38;
	[tilespmem:$0x16C00] =	vst v63  }
0x2e9: {  	s11 =	sadd.s32 $0x12998, s1;
	s12 =	sadd.s32 $0x30, s29  }
0x2ea: {  	[hbm4b:s12+s3] =	stream.linear.scatter [tilespmem:s11], [sflag:$0x4], $0x80, $0x38;
	[tilespmem:$0x16C00] =	vst v63  }
0x2eb: {  	s30 =	sadd.s32 $0x12A20, s1;
	s31 =	sadd.s32 $0x40, s29  }
0x2ec: {  	[hbm4b:s31+s3] =	stream.linear.scatter [tilespmem:s30], [sflag:$0x4], $0x80, $0x38;
	[tilespmem:$0x16C00] =	vst v63  }
0x2ed: {  	s11 =	sadd.s32 $0x12AA8, s1;
	s12 =	sadd.s32 $0x50, s29  }
0x2ee: {  	[hbm4b:s12+s3] =	stream.linear.scatter [tilespmem:s11], [sflag:$0x4], $0x80, $0x38;
	[tilespmem:$0x16C00] =	vst v63  }
0x2ef: {  	s30 =	sadd.s32 $0x12B30, s1;
	s31 =	sadd.s32 $0x60, s29  }
0x2f0: {  	[hbm4b:s31+s3] =	stream.linear.scatter [tilespmem:s30], [sflag:$0x4], $0x80, $0x38;
	[tilespmem:$0x16C00] =	vst v63  }
0x2f1: {  	s30 =	sor.u32 s9, s28  }
0x2f2: {  	s11 =	sadd.s32 $0x12BB8, s1;
	s12 =	sadd.s32 $0x70, s29;
	s0 =	sshrl.u32 s30, $0x3  }
0x2f3: {  	[hbm4b:s12+s3] =	stream.linear.scatter [tilespmem:s11], [sflag:$0x4], $0x80, $0x38;
	[tilespmem:$0x16C00] =	vst v63  }
0x2f4: {  	s31 =	simm.s32 $0x14A00;
	s12 =	sadd.s32 s2, s0  }
0x2f5: {  	[hbm4b:s12+s3] =	stream.linear.scatter [tilespmem:s31], [sflag:$0x4], $0x80, $0x38;
	[tilespmem:$0x16C00] =	vst v63  }
0x2f6: {  	s1 =	simm.s32 $0x14A88;
	s11 =	sadd.s32 $0x10, s12  }
0x2f7: {  	[hbm4b:s11+s3] =	stream.linear.scatter [tilespmem:s1], [sflag:$0x4], $0x80, $0x38;
	[tilespmem:$0x16C00] =	vst v63  }
0x2f8: {  	s29 =	simm.s32 $0x2200;
	s30 =	simm.s32 $0x14B10;
	s31 =	sadd.s32 $0x20, s12  }
0x2f9: {  	[hbm4b:s31+s3] =	stream.linear.scatter [tilespmem:s30], [sflag:$0x4], $0x80, $0x38;
	[tilespmem:$0x16C00] =	vst v63  }
0x2fa: {  	s0 =	simm.s32 $0x14DB8;
	s1 =	simm.s32 $0x14B98;
	s11 =	sadd.s32 $0x30, s12  }
0x2fb: {  	[hbm4b:s11+s3] =	stream.linear.scatter [tilespmem:s1], [sflag:$0x4], $0x80, $0x38;
	[tilespmem:$0x16C00] =	vst v63  }
0x2fc: {  	s28 =	sadd.s32 $0x4000, s12;
	s30 =	simm.s32 $0x14C20;
	s31 =	sadd.s32 $0x40, s12  }
0x2fd: {  	[hbm4b:s31+s3] =	stream.linear.scatter [tilespmem:s30], [sflag:$0x4], $0x80, $0x38;
	[tilespmem:$0x16C00] =	vst v63  }
0x2fe: {  	s1 =	simm.s32 $0x14CA8;
	s11 =	sadd.s32 $0x50, s12;
	s30 =	simm.s32 $0x14D30  }
0x2ff: {  	[hbm4b:s11+s3] =	stream.linear.scatter [tilespmem:s1], [sflag:$0x4], $0x80, $0x38;
	[tilespmem:$0x16C00] =	vst v63  }
0x300: {  	s31 =	sadd.s32 $0x60, s12;
	s1 =	simm.s32 $0x440;
	s11 =	sadd.s32 $0x70, s12  }
0x301: {  	[hbm4b:s31+s3] =	stream.linear.scatter [tilespmem:s30], [sflag:$0x4], $0x80, $0x38;
	[tilespmem:$0x16C00] =	vst v63  }
.LBB2_17:
0x302: {  	[hbm4b:s11+s3] =	stream.linear.scatter [tilespmem:s0], [sflag:$0x4], $0x80, $0x38;
	[tilespmem:$0x16C00] =	vst v63  }
0x303: {  	s0 =	smov.u32 s1;
	s1 =	smov.u32 s29  }
0x304: {  	s12 =	sadd.s32 $0x1100, s29;
	s1 =	sshra.s32 s1, $0x2;
	s11 =	sadd.s32 $0x14A00, s0  }
0x305: {  	[hbm4b:s28+s3] =	stream.linear.scatter [tilespmem:s11], [sflag:$0x4], $0x80, $0x38;
	[tilespmem:$0x16C00] =	vst v63  }
0x306: {  	p0 =	sne.s32 s29, $0x7700;
	s29 =	sadd.s32 $0x10, s28;
	s11 =	sadd.s32 $0x14A88, s0  }
0x307: {  	[hbm4b:s29+s3] =	stream.linear.scatter [tilespmem:s11], [sflag:$0x4], $0x80, $0x38;
	[tilespmem:$0x16C00] =	vst v63  }
0x308: {  	s11 =	sadd.s32 $0x14B10, s0;
	s29 =	sadd.s32 $0x20, s28  }
0x309: {  	[hbm4b:s29+s3] =	stream.linear.scatter [tilespmem:s11], [sflag:$0x4], $0x80, $0x38;
	[tilespmem:$0x16C00] =	vst v63  }
0x30a: {  	s11 =	sadd.s32 $0x14B98, s0;
	s29 =	sadd.s32 $0x30, s28  }
0x30b: {  	[hbm4b:s29+s3] =	stream.linear.scatter [tilespmem:s11], [sflag:$0x4], $0x80, $0x38;
	[tilespmem:$0x16C00] =	vst v63  }
0x30c: {  	s11 =	sadd.s32 $0x14C20, s0;
	s29 =	sadd.s32 $0x40, s28  }
0x30d: {  	[hbm4b:s29+s3] =	stream.linear.scatter [tilespmem:s11], [sflag:$0x4], $0x80, $0x38;
	[tilespmem:$0x16C00] =	vst v63  }
.Ltmp7:
0x30e: {  	s11 =	sadd.s32 $0x14CA8, s0;
	s29 =	sadd.s32 $0x50, s28;
	(pc) =	sbr.rel @p0 .LBB2_17-.Ltmp7, $4  }
0x30f: {  	[hbm4b:s29+s3] =	stream.linear.scatter [tilespmem:s11], [sflag:$0x4], $0x80, $0x38;
	[tilespmem:$0x16C00] =	vst v63  }
0x310: {  	s11 =	sadd.s32 $0x14D30, s0;
	s29 =	sadd.s32 $0x60, s28;
	s0 =	sadd.s32 $0x14DB8, s0  }
0x311: {  	[hbm4b:s29+s3] =	stream.linear.scatter [tilespmem:s11], [sflag:$0x4], $0x80, $0x38;
	[tilespmem:$0x16C00] =	vst v63  }
0x312: {  	s11 =	sadd.s32 $0x70, s28;
	s28 =	sadd.s32 $0x4000, s28;
	s29 =	smov.u32 s12  }
0x313: {  	[hbm4b:s11+s3] =	stream.linear.scatter [tilespmem:s0], [sflag:$0x4], $0x80, $0x38;
	[tilespmem:$0x16C00] =	vst v63  }
0x314: {  	s29 =	sadd.s32 $0x14A00, s1  }
0x315: {  	[hbm4b:s28+s3] =	stream.linear.scatter [tilespmem:s29], [sflag:$0x4], $0x80, $0x38;
	[tilespmem:$0x16C00] =	vst v63  }
0x316: {  	s30 =	sadd.s32 $0x14A88, s1;
	s31 =	sadd.s32 $0x10, s28  }
0x317: {  	[hbm4b:s31+s3] =	stream.linear.scatter [tilespmem:s30], [sflag:$0x4], $0x80, $0x38;
	[tilespmem:$0x16C00] =	vst v63  }
0x318: {  	s12 =	sadd.s32 $0x14B10, s1;
	s29 =	sadd.s32 $0x20, s28  }
0x319: {  	[hbm4b:s29+s3] =	stream.linear.scatter [tilespmem:s12], [sflag:$0x4], $0x80, $0x38;
	[tilespmem:$0x16C00] =	vst v63  }
0x31a: {  	s30 =	sadd.s32 $0x14B98, s1;
	s31 =	sadd.s32 $0x30, s28  }
0x31b: {  	[hbm4b:s31+s3] =	stream.linear.scatter [tilespmem:s30], [sflag:$0x4], $0x80, $0x38;
	[tilespmem:$0x16C00] =	vst v63  }
0x31c: {  	s26 =	sadd.s32 $0x1, s26;
	s12 =	sadd.s32 $0x14C20, s1;
	s29 =	sadd.s32 $0x40, s28  }
0x31d: {  	[hbm4b:s29+s3] =	stream.linear.scatter [tilespmem:s12], [sflag:$0x4], $0x80, $0x38;
	[tilespmem:$0x16C00] =	vst v63  }
0x31e: {  	p0 =	sne.s32 s26, $0x32;
	s30 =	sadd.s32 $0x14CA8, s1;
	s31 =	sadd.s32 $0x50, s28  }
0x31f: {  	[hbm4b:s31+s3] =	stream.linear.scatter [tilespmem:s30], [sflag:$0x4], $0x80, $0x38;
	[tilespmem:$0x16C00] =	vst v63  }
.Ltmp8:
0x320: {  	_ = 	snop;
	(pc) =	sbr.rel @p0 .LBB2_2-.Ltmp8, $4  }
0x321: {  	s12 =	sadd.s32 $0x14D30, s1;
	s29 =	sadd.s32 $0x60, s28  }
0x322: {  	[hbm4b:s29+s3] =	stream.linear.scatter [tilespmem:s12], [sflag:$0x4], $0x80, $0x38;
	[tilespmem:$0x16C00] =	vst v63  }
0x323: {  	s30 =	sadd.s32 $0x14DB8, s1;
	s31 =	sadd.s32 $0x70, s28  }
0x324: {  	[hbm4b:s31+s3] =	stream.linear.scatter [tilespmem:s30], [sflag:$0x4], $0x80, $0x38;
	[tilespmem:$0x16C00] =	vst v63  }
0x325: {  	_ =	swait.ge [sflag:s23], $0x2000  }
0x326: {  	[sflag:s23] =	ssyncset.done $0x0  }
0x327: {  	[sflag:s23] =	ssyncadd.s32 $0xFFFFE000  }
0x328: {  	_ =	swait.ge [sflag:s23], $0x2000  }
0x329: {  	[sflag:s23] =	ssyncset.done $0x0  }
0x32a: {  	s25 =	sadd.s32 $0x1, s25;
	[sflag:s23] =	ssyncadd.s32 $0xFFFFE000  }
0x32b: {  	p0 =	sne.s32 s25, s10;
	_ =	swait.ge [sflag:s24], $0x2000  }
.Ltmp9:
0x32c: {  	[sflag:s24] =	ssyncset.done $0x0;
	(pc) =	sbr.rel @p0 .LBB2_1-.Ltmp9, $4  }
0x32d: {  	[sflag:s24] =	ssyncadd.s32 $0xFFFFE000  }
0x32e: {  	_ =	swait.ge [sflag:s24], $0x2000  }
0x32f: {  	[sflag:s24] =	ssyncset.done $0x0  }
0x330: {  	[sflag:s24] =	ssyncadd.s32 $0xFFFFE000  }
0x331: {  	_ =	sfence.sel $0x180000  }
0x332: {  	[bflag:$0x0] =	sbarrier.arrive $0xFFFF  }
0x333: {  	_ =	strace $0x90000047  }
0x334: {  	s0 =	stileid.u32;
	[bflag:$0x2] =	sbarrier.arrive $0xFFFF  }
0x335: {  	p0 =	sne.s32 s0, $0x0;
	s0 =	rddreg [dreg:$0x2]  }
0x336: {  	s0 =	sadd.s32 @!p0 $0x100000, s0  }
0x337: {  	[sflag:s0] =	ssyncadd.tile.s32 @!p0 $0x1;
	_ =	shalt  }
.Lfunc_end2:
_tile_overlayer_lowered:
.L_overlay_start_2:
0x338: {  	(tag) =	ssettag $0x2  }
0x339: {  	s0 =	rddreg [dreg:$0x0];
	s2 =	stileid.u32  }
0x33a: {  	s1 =	rddreg [dreg:$0x1];
	p0 =	sne.s32 s2, $0x0  }
0x33b: {  	s3 =	rddreg [dreg:$0x2];
	[bflag:$0x3] =	sbarrier.arrive $0xFFFF;
	s2 =	simm.s32 @!p0 $0x1C05  }
0x33c: {  	[timem:s3], [sflag:s2] =	dma.local @!p0 [hbm:s0], s1  }
0x33d: {  	s0 =	simm.s32 @!p0 $0x5  }
0x33e: {  	_ =	swait.ge @!p0 [sflag:s0], s1  }
0x33f: {  	s1 =	ssub.s32 @!p0 $0x0, s1;
	[sflag:s0] =	ssyncset.done @!p0 $0x0  }
0x340: {  	[sflag:s0] =	ssyncadd.s32 @!p0 s1  }
0x341: {  	[bflag:$0x3] =	sbarrier.arrive $0xFFFF  }
0x342: {  	_ =	shalt  }

</sc_bundles>
